<compile_context>
chip_gen: v7x
topology: tpu7x:2x2x1
jax: 0.10.2.dev20260603
libtpu: 0.0.44.dev20260713+nightly
codegen_flags: <defaults>
</compile_context>

<pallas_src>
import functools

import jax
import jax.numpy as jnp
from jax import lax
from jax.experimental import pallas as pl
from jax.experimental.pallas import tpu as pltpu
from jax.experimental.pallas import tpu_sc as plsc

NUM_EXPERTS = 8
D = 768
D_FF = 1536
TOKENS = 2048
TILE = 512
SLOTS = 2 * TOKENS
NROWS = SLOTS + NUM_EXPERTS * TILE
NBLK = NROWS // TILE
NW = 32
TPW = TOKENS // NW


def _mm(a, b):
    return jnp.dot(a.astype(jnp.bfloat16), b.astype(jnp.bfloat16),
                   preferred_element_type=jnp.float32)


def _gate_route_body(x_ref, wg1_ref, bg1_ref, wg2_ref, bg2_ref, wg3_ref,
                     bg3_ref, wd_ref, bd_ref,
                     pos1_ref, pos2_ref, wr1_ref, wr2_ref, be_ref):
    x = x_ref[...]
    g = jax.nn.relu(_mm(x, wg1_ref[...]) + bg1_ref[...])
    g = jax.nn.relu(_mm(g, wg2_ref[...]) + bg2_ref[...])
    logits = _mm(g, wg3_ref[...]) + bg3_ref[...]
    logits = logits + (_mm(x, wd_ref[...]) + bd_ref[...]) * 0.1
    p = jax.nn.softmax(logits, axis=-1)

    lane = lax.broadcasted_iota(jnp.int32, (TOKENS, NUM_EXPERTS), 1)
    m1 = jnp.max(p, axis=-1, keepdims=True)
    i1 = jnp.min(jnp.where(p == m1, lane, NUM_EXPERTS), axis=-1, keepdims=True)
    pm = jnp.where(lane == i1, -jnp.inf, p)
    m2 = jnp.max(pm, axis=-1, keepdims=True)
    i2 = jnp.min(jnp.where(pm == m2, lane, NUM_EXPERTS), axis=-1, keepdims=True)
    e2 = jnp.exp(m2 - m1)
    s1 = 1.0 / (1.0 + e2)
    s2 = e2 / (1.0 + e2)
    s1 = jnp.where(s1 > 0.01, s1, 0.0)
    s2 = jnp.where(s2 > 0.01, s2, 0.0)

    oh1 = (lane == i1).astype(jnp.bfloat16)
    oh2 = (lane == i2).astype(jnp.bfloat16)
    oh = jnp.concatenate([oh1, oh2], axis=1)
    r256 = lax.broadcasted_iota(jnp.int32, (256, 256), 0)
    c256 = lax.broadcasted_iota(jnp.int32, (256, 256), 1)
    tri = (r256 > c256).astype(jnp.bfloat16)
    carry = jnp.zeros((1, 2 * NUM_EXPERTS), jnp.float32)
    parts = []
    for b in range(TOKENS // 256):
        blk = lax.slice(oh, (b * 256, 0), ((b + 1) * 256, 2 * NUM_EXPERTS))
        parts.append(jnp.dot(tri, blk, preferred_element_type=jnp.float32)
                     + carry)
        carry = carry + jnp.sum(blk.astype(jnp.float32), axis=0,
                                keepdims=True)
    pfx = jnp.concatenate(parts, axis=0)
    p1 = pfx[:, :NUM_EXPERTS]
    p2 = pfx[:, NUM_EXPERTS:]
    c1 = carry[:, :NUM_EXPERTS]
    c2 = carry[:, NUM_EXPERTS:]
    counts = (c1 + c2).astype(jnp.int32)
    padded = ((counts + (TILE - 1)) // TILE) * TILE
    r8 = lax.broadcasted_iota(jnp.int32, (NUM_EXPERTS, NUM_EXPERTS), 0)
    c8 = lax.broadcasted_iota(jnp.int32, (NUM_EXPERTS, NUM_EXPERTS), 1)
    triu8 = (r8 < c8).astype(jnp.bfloat16)
    off = jnp.dot(padded.astype(jnp.bfloat16), triu8,
                  preferred_element_type=jnp.float32)

    rank1 = jnp.sum(jnp.where(lane == i1, p1, 0.0), axis=1, keepdims=True)
    rank2 = jnp.sum(jnp.where(lane == i2, p2 + c1, 0.0), axis=1,
                    keepdims=True)
    off1 = jnp.sum(jnp.where(lane == i1, off, 0.0), axis=1, keepdims=True)
    off2 = jnp.sum(jnp.where(lane == i2, off, 0.0), axis=1, keepdims=True)
    pos1_ref[...] = (off1 + rank1).astype(jnp.int32)
    pos2_ref[...] = (off2 + rank2).astype(jnp.int32)

    ones128 = jnp.ones((1, 128), jnp.float32)
    wr1_ref[...] = s1 * ones128
    wr2_ref[...] = s2 * ones128

    total = jnp.sum(padded, axis=1, keepdims=True)
    bid = lax.broadcasted_iota(jnp.int32, (NBLK, 1), 0) * TILE
    ge = (bid >= off.astype(jnp.int32)).astype(jnp.int32)
    be = jnp.sum(ge, axis=1, keepdims=True) - 1
    be_ref[...] = jnp.where(bid < total, be, -1)


def _gate_route(x, Wg1, bg1, Wg2, bg2, Wg3, bg3, Wd, bd, interpret=False):
    return pl.pallas_call(
        _gate_route_body,
        out_shape=(
            jax.ShapeDtypeStruct((TOKENS, 1), jnp.int32),
            jax.ShapeDtypeStruct((TOKENS, 1), jnp.int32),
            jax.ShapeDtypeStruct((TOKENS, 128), jnp.float32),
            jax.ShapeDtypeStruct((TOKENS, 128), jnp.float32),
            jax.ShapeDtypeStruct((NBLK, 1), jnp.int32),
        ),
        interpret=interpret,
    )(x, Wg1, bg1, Wg2, bg2, Wg3, bg3, Wd, bd)


def _dispatch(x, pos3, wr1, wr2):
    mesh = plsc.VectorSubcoreMesh(core_axis_name="c", subcore_axis_name="s")

    @functools.partial(
        pl.kernel,
        out_type=(jax.ShapeDtypeStruct((NROWS, D), jnp.float32),
                  jax.ShapeDtypeStruct((NROWS, 128), jnp.float32)),
        mesh=mesh,
        scratch_types=[pltpu.VMEM((TPW, D), jnp.float32),
                       pltpu.VMEM((2, TPW), jnp.int32),
                       pltpu.VMEM((TPW, 128), jnp.float32),
                       pltpu.VMEM((TPW, 128), jnp.float32)],
    )
    def k(x_hbm, pos_hbm, wr1_hbm, wr2_hbm, xs_hbm, ws_hbm, xv, pv, wv1, wv2):
        w = lax.axis_index("s") * 2 + lax.axis_index("c")
        base = w * TPW
        pltpu.sync_copy(pos_hbm.at[w], pv)
        pltpu.sync_copy(x_hbm.at[pl.ds(base, TPW)], xv)
        pltpu.sync_copy(wr1_hbm.at[pl.ds(base, TPW)], wv1)
        pltpu.sync_copy(wr2_hbm.at[pl.ds(base, TPW)], wv2)
        pltpu.sync_copy(xv, xs_hbm.at[pv.at[0]])
        pltpu.sync_copy(xv, xs_hbm.at[pv.at[1]])
        pltpu.sync_copy(wv1, ws_hbm.at[pv.at[0]])
        pltpu.sync_copy(wv2, ws_hbm.at[pv.at[1]])

    return k(x, pos3, wr1, wr2)


def _ffn_body(be_ref, xs_ref, ws_ref, w1_ref, b1_ref, w2_ref, b2_ref,
              os_ref):
    i = pl.program_id(0)

    @pl.when(be_ref[i] >= 0)
    def _():
        xb = xs_ref[...].astype(jnp.bfloat16)
        h = jax.nn.relu(
            jnp.dot(xb, w1_ref[0], preferred_element_type=jnp.float32)
            + b1_ref[0, 0])
        o = jnp.dot(h.astype(jnp.bfloat16), w2_ref[0],
                    preferred_element_type=jnp.float32) + b2_ref[0, 0]
        conf = jax.nn.sigmoid(jnp.mean(o, axis=-1))
        wv = ws_ref[:, 0]
        os_ref[...] = o * (wv * conf)[:, None]


def _ffn(be_flat, xs, ws, W1b, b1r, W2b, b2r, interpret=False):
    grid_spec = pltpu.PrefetchScalarGridSpec(
        num_scalar_prefetch=1,
        grid=(NBLK,),
        in_specs=[
            pl.BlockSpec((TILE, D), lambda i, be: (i, 0)),
            pl.BlockSpec((TILE, 128), lambda i, be: (i, 0)),
            pl.BlockSpec((1, D, D_FF),
                         lambda i, be: (jnp.maximum(be[i], 0), 0, 0)),
            pl.BlockSpec((1, 1, D_FF),
                         lambda i, be: (jnp.maximum(be[i], 0), 0, 0)),
            pl.BlockSpec((1, D_FF, D),
                         lambda i, be: (jnp.maximum(be[i], 0), 0, 0)),
            pl.BlockSpec((1, 1, D),
                         lambda i, be: (jnp.maximum(be[i], 0), 0, 0)),
        ],
        out_specs=pl.BlockSpec((TILE, D), lambda i, be: (i, 0)),
    )
    return pl.pallas_call(
        _ffn_body,
        grid_spec=grid_spec,
        out_shape=jax.ShapeDtypeStruct((NROWS, D), jnp.float32),
        interpret=interpret,
    )(be_flat, xs, ws, W1b, b1r, W2b, b2r)


def _combine(os_rows, pos3):
    mesh = plsc.VectorSubcoreMesh(core_axis_name="c", subcore_axis_name="s")

    @functools.partial(
        pl.kernel,
        out_type=jax.ShapeDtypeStruct((TOKENS, D), jnp.float32),
        mesh=mesh,
        scratch_types=[pltpu.VMEM((TPW, D), jnp.float32),
                       pltpu.VMEM((TPW, D), jnp.float32),
                       pltpu.VMEM((2, TPW), jnp.int32),
                       pltpu.SemaphoreType.DMA,
                       pltpu.SemaphoreType.DMA],
    )
    def k(os_hbm, pos_hbm, out_hbm, g0, g1, pv, sa, sb):
        w = lax.axis_index("s") * 2 + lax.axis_index("c")
        pltpu.sync_copy(pos_hbm.at[w], pv)
        ca = pltpu.async_copy(os_hbm.at[pv.at[0]], g0, sa)
        cb = pltpu.async_copy(os_hbm.at[pv.at[1]], g1, sb)
        ca.wait()
        cb.wait()

        @pl.loop(0, TPW)
        def _(i):
            for c in range(D // 16):
                sl = pl.ds(c * 16, 16)
                g0[i, sl] = g0[i, sl] + g1[i, sl]

        pltpu.sync_copy(g0, out_hbm.at[pl.ds(w * TPW, TPW)])

    return k(os_rows, pos3)


def kernel(x, Wg1, bg1, Wg2, bg2, Wg3, bg3, Wd, bd, W1, b1, W2, b2):
    pos1, pos2, wr1, wr2, be = _gate_route(x, Wg1, bg1, Wg2, bg2, Wg3, bg3,
                                           Wd, bd)
    pos3 = jnp.stack([pos1.reshape(NW, TPW), pos2.reshape(NW, TPW)], axis=1)
    xs, ws = _dispatch(x, pos3, wr1, wr2)
    os_rows = _ffn(be.reshape(NBLK), xs, ws,
                   W1.astype(jnp.bfloat16),
                   b1.reshape(NUM_EXPERTS, 1, D_FF),
                   W2.astype(jnp.bfloat16),
                   b2.reshape(NUM_EXPERTS, 1, D))
    return _combine(os_rows, pos3)

# --- scband reference (transcript-rebuilt; emitter-appended) ---
"""Pipeline reference for scband-mixture-of-experts-72808285602477 (READ-ONLY COPY).

The authoritative reference and input builder live on the scoring server;
editing this copy changes nothing except your own understanding.
"""

import jax, jax.numpy as jnp
import numpy as np

NUM_EXPERTS = 8
TOP_K = 2
D = 768
H_GATE = 384  # max(768//2, 8*4)
H_GATE2 = H_GATE // 2
D_FF = 1536
TOKENS = 2048


def setup_inputs(seed: int = 0) -> dict:
    key = jax.random.key(seed)
    ks = jax.random.split(key, 14)
    s = 0.02
    return {
        "x": jax.random.normal(ks[0], (TOKENS, D), dtype=jnp.float32),
        "Wg1": jax.random.normal(ks[1], (D, H_GATE), dtype=jnp.float32) * s,
        "bg1": jnp.zeros((H_GATE,), dtype=jnp.float32),
        "Wg2": jax.random.normal(ks[2], (H_GATE, H_GATE2), dtype=jnp.float32) * s,
        "bg2": jnp.zeros((H_GATE2,), dtype=jnp.float32),
        "Wg3": jax.random.normal(ks[3], (H_GATE2, NUM_EXPERTS), dtype=jnp.float32) * s,
        "bg3": jnp.zeros((NUM_EXPERTS,), dtype=jnp.float32),
        "Wd": jax.random.normal(ks[4], (D, NUM_EXPERTS), dtype=jnp.float32) * s,
        "bd": jnp.zeros((NUM_EXPERTS,), dtype=jnp.float32),
        "W1": jax.random.normal(ks[5], (NUM_EXPERTS, D, D_FF), dtype=jnp.float32) * s,
        "b1": jnp.zeros((NUM_EXPERTS, D_FF), dtype=jnp.float32),
        "W2": jax.random.normal(ks[6], (NUM_EXPERTS, D_FF, D), dtype=jnp.float32) * s,
        "b2": jnp.zeros((NUM_EXPERTS, D), dtype=jnp.float32),
    }


def reference(x, Wg1, bg1, Wg2, bg2, Wg3, bg3, Wd, bd, W1, b1, W2, b2):
    temperature = 1.0
    # GatingNetwork forward (dropout is identity in eval mode)
    g = jax.nn.relu(x @ Wg1 + bg1)
    g = jax.nn.relu(g @ Wg2 + bg2)
    gating_logits = g @ Wg3 + bg3
    diversity_bonus = (x @ Wd + bd) * 0.1
    final_logits = (gating_logits + diversity_bonus) / temperature
    gating_weights = jax.nn.softmax(final_logits, axis=-1)
    # top-k selection + renormalization (top_k < num_experts branch)
    top_k_weights, top_k_indices = jax.lax.top_k(gating_weights, TOP_K)
    top_k_weights = jax.nn.softmax(top_k_weights, axis=-1)
    # weight > 0.01 gate from the per-sample loop, applied as a mask
    eff_weights = jnp.where(top_k_weights > 0.01, top_k_weights, 0.0)
    final_output = jnp.zeros((x.shape[0], D), dtype=x.dtype)
    for e in range(NUM_EXPERTS):
        h = jax.nn.relu(x @ W1[e] + b1[e])
        o = h @ W2[e] + b2[e]
        # Expert.get_confidence (concrete choice): sigmoid of mean activation
        conf = jax.nn.sigmoid(jnp.mean(o, axis=-1))
        w_e = jnp.sum(eff_weights * (top_k_indices == e).astype(x.dtype), axis=-1)
        final_output = final_output + o * (w_e * conf)[:, None]
    return final_output

if __name__ == "__main__":
    import jax
    _d = setup_inputs()
    print(jax.jit(kernel)(*tuple(_d.values())))

</pallas_src>

<mosaic_0001>
#map = affine_map<(d0, d1) -> (0, 0)>
#map1 = affine_map<(d0, d1) -> (0, 0, 0)>
module attributes {stable_mosaic.version = 14 : i64} {
  func.func @k(%arg0: i32, %arg1: i32, %arg2: memref<2048x768xf32, #tpu.memory_space<hbm>>, %arg3: memref<32x2x64xi32, #tpu.memory_space<hbm>>, %arg4: memref<2048x128xf32, #tpu.memory_space<hbm>>, %arg5: memref<2048x128xf32, #tpu.memory_space<hbm>>, %arg6: memref<8192x768xf32, #tpu.memory_space<hbm>>, %arg7: memref<8192x128xf32, #tpu.memory_space<hbm>>, %arg8: memref<64x768xf32, #tpu.memory_space<vmem>>, %arg9: memref<2x64xi32, #tpu.memory_space<vmem>>, %arg10: memref<64x128xf32, #tpu.memory_space<vmem>>, %arg11: memref<64x128xf32, #tpu.memory_space<vmem>>) attributes {dimension_semantics = [#tpu.dimension_semantics<core_parallel>, #tpu.dimension_semantics<subcore_parallel>], iteration_bounds = array<i64: 2, 16>, scalar_prefetch = 0 : i64, scratch_operands = 4 : i64, tpu.core_type = #tpu.core_type<sc_vector_subcore>, window_params = [{transform_indices = #map}, {transform_indices = #map1}, {transform_indices = #map}, {transform_indices = #map}, {transform_indices = #map}, {transform_indices = #map}]} {
    %mul3A = arith.constant 2 : i32
    %mul3A_0 = arith.muli %arg1, %mul3A : i32
    %add3A = arith.addi %mul3A_0, %arg0 : i32
    %mul3A_1 = arith.constant 64 : i32
    %mul3A_2 = arith.muli %add3A, %mul3A_1 : i32
    "tpu.region"() ({
      %run_scoped3A_6 = tpu.sem_alloc : memref<!tpu.dma_semaphore, #tpu.memory_space<semaphore_mem>>
      %dma_start3A = arith.constant 0 : i32
      %dma_start3A_7 = arith.constant 0 : i32
      %dma_start3A_8 = tpu.memref_slice %arg3[%add3A, %dma_start3A, %dma_start3A_7] : memref<32x2x64xi32, #tpu.memory_space<hbm>> -> memref<1x2x64xi32, #tpu.memory_space<hbm>>
      %dma_start3A_9 = tpu.memref_squeeze %dma_start3A_8 : memref<1x2x64xi32, #tpu.memory_space<hbm>> -> memref<2x64xi32, #tpu.memory_space<hbm>>
      %dma_start3A_10 = arith.constant 0 : i32
      %dma_start3A_11 = arith.constant 0 : i32
      %dma_start3A_12 = tpu.memref_slice %arg3[%add3A, %dma_start3A_10, %dma_start3A_11] : memref<32x2x64xi32, #tpu.memory_space<hbm>> -> memref<1x2x64xi32, #tpu.memory_space<hbm>>
      %dma_start3A_13 = tpu.memref_squeeze %dma_start3A_12 : memref<1x2x64xi32, #tpu.memory_space<hbm>> -> memref<2x64xi32, #tpu.memory_space<hbm>>
      tpu.enqueue_dma source(%dma_start3A_13 : memref<2x64xi32, #tpu.memory_space<hbm>>) target(%arg9 : memref<2x64xi32, #tpu.memory_space<vmem>>) target_semaphore(%run_scoped3A_6 : memref<!tpu.dma_semaphore, #tpu.memory_space<semaphore_mem>>)
      %dma_wait3A = arith.constant 0 : i32
      %dma_wait3A_14 = arith.constant 0 : i32
      %dma_wait3A_15 = tpu.memref_slice %arg3[%add3A, %dma_wait3A, %dma_wait3A_14] : memref<32x2x64xi32, #tpu.memory_space<hbm>> -> memref<1x2x64xi32, #tpu.memory_space<hbm>>
      %dma_wait3A_16 = tpu.memref_squeeze %dma_wait3A_15 : memref<1x2x64xi32, #tpu.memory_space<hbm>> -> memref<2x64xi32, #tpu.memory_space<hbm>>
      %dma_wait3A_17 = arith.constant 0 : i32
      %dma_wait3A_18 = arith.constant 0 : i32
      %dma_wait3A_19 = tpu.memref_slice %arg3[%add3A, %dma_wait3A_17, %dma_wait3A_18] : memref<32x2x64xi32, #tpu.memory_space<hbm>> -> memref<1x2x64xi32, #tpu.memory_space<hbm>>
      %dma_wait3A_20 = tpu.memref_squeeze %dma_wait3A_19 : memref<1x2x64xi32, #tpu.memory_space<hbm>> -> memref<2x64xi32, #tpu.memory_space<hbm>>
      tpu.wait_dma2 semaphore(%run_scoped3A_6 : memref<!tpu.dma_semaphore, #tpu.memory_space<semaphore_mem>>) src(%dma_wait3A_20 : memref<2x64xi32, #tpu.memory_space<hbm>>) dst(%arg9 : memref<2x64xi32, #tpu.memory_space<vmem>>)
      tpu.yield
    }) : () -> ()
    "tpu.region"() ({
      %run_scoped3A_6 = tpu.sem_alloc : memref<!tpu.dma_semaphore, #tpu.memory_space<semaphore_mem>>
      %dma_start3A = arith.constant 0 : i32
      %dma_start3A_7 = tpu.memref_slice %arg2[%mul3A_2, %dma_start3A] : memref<2048x768xf32, #tpu.memory_space<hbm>> -> memref<64x768xf32, #tpu.memory_space<hbm>>
      %dma_start3A_8 = arith.constant 0 : i32
      %dma_start3A_9 = tpu.memref_slice %arg2[%mul3A_2, %dma_start3A_8] : memref<2048x768xf32, #tpu.memory_space<hbm>> -> memref<64x768xf32, #tpu.memory_space<hbm>>
      tpu.enqueue_dma source(%dma_start3A_9 : memref<64x768xf32, #tpu.memory_space<hbm>>) target(%arg8 : memref<64x768xf32, #tpu.memory_space<vmem>>) target_semaphore(%run_scoped3A_6 : memref<!tpu.dma_semaphore, #tpu.memory_space<semaphore_mem>>)
      %dma_wait3A = arith.constant 0 : i32
      %dma_wait3A_10 = tpu.memref_slice %arg2[%mul3A_2, %dma_wait3A] : memref<2048x768xf32, #tpu.memory_space<hbm>> -> memref<64x768xf32, #tpu.memory_space<hbm>>
      %dma_wait3A_11 = arith.constant 0 : i32
      %dma_wait3A_12 = tpu.memref_slice %arg2[%mul3A_2, %dma_wait3A_11] : memref<2048x768xf32, #tpu.memory_space<hbm>> -> memref<64x768xf32, #tpu.memory_space<hbm>>
      tpu.wait_dma2 semaphore(%run_scoped3A_6 : memref<!tpu.dma_semaphore, #tpu.memory_space<semaphore_mem>>) src(%dma_wait3A_12 : memref<64x768xf32, #tpu.memory_space<hbm>>) dst(%arg8 : memref<64x768xf32, #tpu.memory_space<vmem>>)
      tpu.yield
    }) : () -> ()
    "tpu.region"() ({
      %run_scoped3A_6 = tpu.sem_alloc : memref<!tpu.dma_semaphore, #tpu.memory_space<semaphore_mem>>
      %dma_start3A = arith.constant 0 : i32
      %dma_start3A_7 = tpu.memref_slice %arg4[%mul3A_2, %dma_start3A] : memref<2048x128xf32, #tpu.memory_space<hbm>> -> memref<64x128xf32, #tpu.memory_space<hbm>>
      %dma_start3A_8 = arith.constant 0 : i32
      %dma_start3A_9 = tpu.memref_slice %arg4[%mul3A_2, %dma_start3A_8] : memref<2048x128xf32, #tpu.memory_space<hbm>> -> memref<64x128xf32, #tpu.memory_space<hbm>>
      tpu.enqueue_dma source(%dma_start3A_9 : memref<64x128xf32, #tpu.memory_space<hbm>>) target(%arg10 : memref<64x128xf32, #tpu.memory_space<vmem>>) target_semaphore(%run_scoped3A_6 : memref<!tpu.dma_semaphore, #tpu.memory_space<semaphore_mem>>)
      %dma_wait3A = arith.constant 0 : i32
      %dma_wait3A_10 = tpu.memref_slice %arg4[%mul3A_2, %dma_wait3A] : memref<2048x128xf32, #tpu.memory_space<hbm>> -> memref<64x128xf32, #tpu.memory_space<hbm>>
      %dma_wait3A_11 = arith.constant 0 : i32
      %dma_wait3A_12 = tpu.memref_slice %arg4[%mul3A_2, %dma_wait3A_11] : memref<2048x128xf32, #tpu.memory_space<hbm>> -> memref<64x128xf32, #tpu.memory_space<hbm>>
      tpu.wait_dma2 semaphore(%run_scoped3A_6 : memref<!tpu.dma_semaphore, #tpu.memory_space<semaphore_mem>>) src(%dma_wait3A_12 : memref<64x128xf32, #tpu.memory_space<hbm>>) dst(%arg10 : memref<64x128xf32, #tpu.memory_space<vmem>>)
      tpu.yield
    }) : () -> ()
    "tpu.region"() ({
      %run_scoped3A_6 = tpu.sem_alloc : memref<!tpu.dma_semaphore, #tpu.memory_space<semaphore_mem>>
      %dma_start3A = arith.constant 0 : i32
      %dma_start3A_7 = tpu.memref_slice %arg5[%mul3A_2, %dma_start3A] : memref<2048x128xf32, #tpu.memory_space<hbm>> -> memref<64x128xf32, #tpu.memory_space<hbm>>
      %dma_start3A_8 = arith.constant 0 : i32
      %dma_start3A_9 = tpu.memref_slice %arg5[%mul3A_2, %dma_start3A_8] : memref<2048x128xf32, #tpu.memory_space<hbm>> -> memref<64x128xf32, #tpu.memory_space<hbm>>
      tpu.enqueue_dma source(%dma_start3A_9 : memref<64x128xf32, #tpu.memory_space<hbm>>) target(%arg11 : memref<64x128xf32, #tpu.memory_space<vmem>>) target_semaphore(%run_scoped3A_6 : memref<!tpu.dma_semaphore, #tpu.memory_space<semaphore_mem>>)
      %dma_wait3A = arith.constant 0 : i32
      %dma_wait3A_10 = tpu.memref_slice %arg5[%mul3A_2, %dma_wait3A] : memref<2048x128xf32, #tpu.memory_space<hbm>> -> memref<64x128xf32, #tpu.memory_space<hbm>>
      %dma_wait3A_11 = arith.constant 0 : i32
      %dma_wait3A_12 = tpu.memref_slice %arg5[%mul3A_2, %dma_wait3A_11] : memref<2048x128xf32, #tpu.memory_space<hbm>> -> memref<64x128xf32, #tpu.memory_space<hbm>>
      tpu.wait_dma2 semaphore(%run_scoped3A_6 : memref<!tpu.dma_semaphore, #tpu.memory_space<semaphore_mem>>) src(%dma_wait3A_12 : memref<64x128xf32, #tpu.memory_space<hbm>>) dst(%arg11 : memref<64x128xf32, #tpu.memory_space<vmem>>)
      tpu.yield
    }) : () -> ()
    %run_scoped3A = arith.constant 0 : i32
    "tpu.region"() ({
      %run_scoped3A_6 = tpu.sem_alloc : memref<!tpu.dma_semaphore, #tpu.memory_space<semaphore_mem>>
      %dma_start3A = arith.constant 0 : i32
      %dma_start3A_7 = tpu.memref_slice %arg9[%run_scoped3A, %dma_start3A] : memref<2x64xi32, #tpu.memory_space<vmem>> -> memref<1x64xi32, #tpu.memory_space<vmem>>
      %dma_start3A_8 = tpu.memref_squeeze %dma_start3A_7 : memref<1x64xi32, #tpu.memory_space<vmem>> -> memref<64xi32, #tpu.memory_space<vmem>>
      %dma_start3A_9 = arith.constant 0 : i32
      %dma_start3A_10 = arith.constant 0 : i32
      %dma_start3A_11 = tpu.memref_slice %arg6[%dma_start3A_9, %dma_start3A_10] : memref<8192x768xf32, #tpu.memory_space<hbm>> -> memref<8192x768xf32, #tpu.memory_space<hbm>>
      tpu.enqueue_indirect_dma source(%arg8 : memref<64x768xf32, #tpu.memory_space<vmem>>) target(%dma_start3A_11 : memref<8192x768xf32, #tpu.memory_space<hbm>>) offsets(%dma_start3A_8 : memref<64xi32, #tpu.memory_space<vmem>>) semaphore(%run_scoped3A_6 : memref<!tpu.dma_semaphore, #tpu.memory_space<semaphore_mem>>)
      %dma_wait3A = arith.constant 0 : i32
      %dma_wait3A_12 = tpu.memref_slice %arg9[%run_scoped3A, %dma_wait3A] : memref<2x64xi32, #tpu.memory_space<vmem>> -> memref<1x64xi32, #tpu.memory_space<vmem>>
      %dma_wait3A_13 = tpu.memref_squeeze %dma_wait3A_12 : memref<1x64xi32, #tpu.memory_space<vmem>> -> memref<64xi32, #tpu.memory_space<vmem>>
      %dma_wait3A_14 = arith.constant 0 : i32
      %dma_wait3A_15 = arith.constant 0 : i32
      %dma_wait3A_16 = tpu.memref_slice %arg6[%dma_wait3A_14, %dma_wait3A_15] : memref<8192x768xf32, #tpu.memory_space<hbm>> -> memref<8192x768xf32, #tpu.memory_space<hbm>>
      tpu.wait_indirect_dma semaphore(%run_scoped3A_6 : memref<!tpu.dma_semaphore, #tpu.memory_space<semaphore_mem>>) src(%arg8 : memref<64x768xf32, #tpu.memory_space<vmem>>) dst(%dma_wait3A_16 : memref<8192x768xf32, #tpu.memory_space<hbm>>)
      tpu.yield
    }) : () -> ()
    %run_scoped3A_3 = arith.constant 1 : i32
    "tpu.region"() ({
      %run_scoped3A_6 = tpu.sem_alloc : memref<!tpu.dma_semaphore, #tpu.memory_space<semaphore_mem>>
      %dma_start3A = arith.constant 0 : i32
      %dma_start3A_7 = tpu.memref_slice %arg9[%run_scoped3A_3, %dma_start3A] : memref<2x64xi32, #tpu.memory_space<vmem>> -> memref<1x64xi32, #tpu.memory_space<vmem>>
      %dma_start3A_8 = tpu.memref_squeeze %dma_start3A_7 : memref<1x64xi32, #tpu.memory_space<vmem>> -> memref<64xi32, #tpu.memory_space<vmem>>
      %dma_start3A_9 = arith.constant 0 : i32
      %dma_start3A_10 = arith.constant 0 : i32
      %dma_start3A_11 = tpu.memref_slice %arg6[%dma_start3A_9, %dma_start3A_10] : memref<8192x768xf32, #tpu.memory_space<hbm>> -> memref<8192x768xf32, #tpu.memory_space<hbm>>
      tpu.enqueue_indirect_dma source(%arg8 : memref<64x768xf32, #tpu.memory_space<vmem>>) target(%dma_start3A_11 : memref<8192x768xf32, #tpu.memory_space<hbm>>) offsets(%dma_start3A_8 : memref<64xi32, #tpu.memory_space<vmem>>) semaphore(%run_scoped3A_6 : memref<!tpu.dma_semaphore, #tpu.memory_space<semaphore_mem>>)
      %dma_wait3A = arith.constant 0 : i32
      %dma_wait3A_12 = tpu.memref_slice %arg9[%run_scoped3A_3, %dma_wait3A] : memref<2x64xi32, #tpu.memory_space<vmem>> -> memref<1x64xi32, #tpu.memory_space<vmem>>
      %dma_wait3A_13 = tpu.memref_squeeze %dma_wait3A_12 : memref<1x64xi32, #tpu.memory_space<vmem>> -> memref<64xi32, #tpu.memory_space<vmem>>
      %dma_wait3A_14 = arith.constant 0 : i32
      %dma_wait3A_15 = arith.constant 0 : i32
      %dma_wait3A_16 = tpu.memref_slice %arg6[%dma_wait3A_14, %dma_wait3A_15] : memref<8192x768xf32, #tpu.memory_space<hbm>> -> memref<8192x768xf32, #tpu.memory_space<hbm>>
      tpu.wait_indirect_dma semaphore(%run_scoped3A_6 : memref<!tpu.dma_semaphore, #tpu.memory_space<semaphore_mem>>) src(%arg8 : memref<64x768xf32, #tpu.memory_space<vmem>>) dst(%dma_wait3A_16 : memref<8192x768xf32, #tpu.memory_space<hbm>>)
      tpu.yield
    }) : () -> ()
    %run_scoped3A_4 = arith.constant 0 : i32
    "tpu.region"() ({
      %run_scoped3A_6 = tpu.sem_alloc : memref<!tpu.dma_semaphore, #tpu.memory_space<semaphore_mem>>
      %dma_start3A = arith.constant 0 : i32
      %dma_start3A_7 = tpu.memref_slice %arg9[%run_scoped3A_4, %dma_start3A] : memref<2x64xi32, #tpu.memory_space<vmem>> -> memref<1x64xi32, #tpu.memory_space<vmem>>
      %dma_start3A_8 = tpu.memref_squeeze %dma_start3A_7 : memref<1x64xi32, #tpu.memory_space<vmem>> -> memref<64xi32, #tpu.memory_space<vmem>>
      %dma_start3A_9 = arith.constant 0 : i32
      %dma_start3A_10 = arith.constant 0 : i32
      %dma_start3A_11 = tpu.memref_slice %arg7[%dma_start3A_9, %dma_start3A_10] : memref<8192x128xf32, #tpu.memory_space<hbm>> -> memref<8192x128xf32, #tpu.memory_space<hbm>>
      tpu.enqueue_indirect_dma source(%arg10 : memref<64x128xf32, #tpu.memory_space<vmem>>) target(%dma_start3A_11 : memref<8192x128xf32, #tpu.memory_space<hbm>>) offsets(%dma_start3A_8 : memref<64xi32, #tpu.memory_space<vmem>>) semaphore(%run_scoped3A_6 : memref<!tpu.dma_semaphore, #tpu.memory_space<semaphore_mem>>)
      %dma_wait3A = arith.constant 0 : i32
      %dma_wait3A_12 = tpu.memref_slice %arg9[%run_scoped3A_4, %dma_wait3A] : memref<2x64xi32, #tpu.memory_space<vmem>> -> memref<1x64xi32, #tpu.memory_space<vmem>>
      %dma_wait3A_13 = tpu.memref_squeeze %dma_wait3A_12 : memref<1x64xi32, #tpu.memory_space<vmem>> -> memref<64xi32, #tpu.memory_space<vmem>>
      %dma_wait3A_14 = arith.constant 0 : i32
      %dma_wait3A_15 = arith.constant 0 : i32
      %dma_wait3A_16 = tpu.memref_slice %arg7[%dma_wait3A_14, %dma_wait3A_15] : memref<8192x128xf32, #tpu.memory_space<hbm>> -> memref<8192x128xf32, #tpu.memory_space<hbm>>
      tpu.wait_indirect_dma semaphore(%run_scoped3A_6 : memref<!tpu.dma_semaphore, #tpu.memory_space<semaphore_mem>>) src(%arg10 : memref<64x128xf32, #tpu.memory_space<vmem>>) dst(%dma_wait3A_16 : memref<8192x128xf32, #tpu.memory_space<hbm>>)
      tpu.yield
    }) : () -> ()
    %run_scoped3A_5 = arith.constant 1 : i32
    "tpu.region"() ({
      %run_scoped3A_6 = tpu.sem_alloc : memref<!tpu.dma_semaphore, #tpu.memory_space<semaphore_mem>>
      %dma_start3A = arith.constant 0 : i32
      %dma_start3A_7 = tpu.memref_slice %arg9[%run_scoped3A_5, %dma_start3A] : memref<2x64xi32, #tpu.memory_space<vmem>> -> memref<1x64xi32, #tpu.memory_space<vmem>>
      %dma_start3A_8 = tpu.memref_squeeze %dma_start3A_7 : memref<1x64xi32, #tpu.memory_space<vmem>> -> memref<64xi32, #tpu.memory_space<vmem>>
      %dma_start3A_9 = arith.constant 0 : i32
      %dma_start3A_10 = arith.constant 0 : i32
      %dma_start3A_11 = tpu.memref_slice %arg7[%dma_start3A_9, %dma_start3A_10] : memref<8192x128xf32, #tpu.memory_space<hbm>> -> memref<8192x128xf32, #tpu.memory_space<hbm>>
      tpu.enqueue_indirect_dma source(%arg11 : memref<64x128xf32, #tpu.memory_space<vmem>>) target(%dma_start3A_11 : memref<8192x128xf32, #tpu.memory_space<hbm>>) offsets(%dma_start3A_8 : memref<64xi32, #tpu.memory_space<vmem>>) semaphore(%run_scoped3A_6 : memref<!tpu.dma_semaphore, #tpu.memory_space<semaphore_mem>>)
      %dma_wait3A = arith.constant 0 : i32
      %dma_wait3A_12 = tpu.memref_slice %arg9[%run_scoped3A_5, %dma_wait3A] : memref<2x64xi32, #tpu.memory_space<vmem>> -> memref<1x64xi32, #tpu.memory_space<vmem>>
      %dma_wait3A_13 = tpu.memref_squeeze %dma_wait3A_12 : memref<1x64xi32, #tpu.memory_space<vmem>> -> memref<64xi32, #tpu.memory_space<vmem>>
      %dma_wait3A_14 = arith.constant 0 : i32
      %dma_wait3A_15 = arith.constant 0 : i32
      %dma_wait3A_16 = tpu.memref_slice %arg7[%dma_wait3A_14, %dma_wait3A_15] : memref<8192x128xf32, #tpu.memory_space<hbm>> -> memref<8192x128xf32, #tpu.memory_space<hbm>>
      tpu.wait_indirect_dma semaphore(%run_scoped3A_6 : memref<!tpu.dma_semaphore, #tpu.memory_space<semaphore_mem>>) src(%arg11 : memref<64x128xf32, #tpu.memory_space<vmem>>) dst(%dma_wait3A_16 : memref<8192x128xf32, #tpu.memory_space<hbm>>)
      tpu.yield
    }) : () -> ()
    return
  }
}

#map = affine_map<(d0, d1) -> (0, 0)>
#map1 = affine_map<(d0, d1) -> (0, 0, 0)>
module attributes {stable_mosaic.version = 14 : i64} {
  func.func @k(%arg0: i32, %arg1: i32, %arg2: memref<8192x768xf32, #tpu.memory_space<hbm>>, %arg3: memref<32x2x64xi32, #tpu.memory_space<hbm>>, %arg4: memref<2048x768xf32, #tpu.memory_space<hbm>>, %arg5: memref<64x768xf32, #tpu.memory_space<vmem>>, %arg6: memref<64x768xf32, #tpu.memory_space<vmem>>, %arg7: memref<2x64xi32, #tpu.memory_space<vmem>>, %arg8: memref<!tpu.dma_semaphore, #tpu.memory_space<semaphore_mem>>, %arg9: memref<!tpu.dma_semaphore, #tpu.memory_space<semaphore_mem>>) attributes {dimension_semantics = [#tpu.dimension_semantics<core_parallel>, #tpu.dimension_semantics<subcore_parallel>], iteration_bounds = array<i64: 2, 16>, scalar_prefetch = 0 : i64, scratch_operands = 5 : i64, tpu.core_type = #tpu.core_type<sc_vector_subcore>, window_params = [{transform_indices = #map}, {transform_indices = #map1}, {transform_indices = #map}]} {
    %mul3A = arith.constant 2 : i32
    %mul3A_0 = arith.muli %arg1, %mul3A : i32
    %add3A = arith.addi %mul3A_0, %arg0 : i32
    "tpu.region"() ({
      %run_scoped3A = tpu.sem_alloc : memref<!tpu.dma_semaphore, #tpu.memory_space<semaphore_mem>>
      %dma_start3A_33 = arith.constant 0 : i32
      %dma_start3A_34 = arith.constant 0 : i32
      %dma_start3A_35 = tpu.memref_slice %arg3[%add3A, %dma_start3A_33, %dma_start3A_34] : memref<32x2x64xi32, #tpu.memory_space<hbm>> -> memref<1x2x64xi32, #tpu.memory_space<hbm>>
      %dma_start3A_36 = tpu.memref_squeeze %dma_start3A_35 : memref<1x2x64xi32, #tpu.memory_space<hbm>> -> memref<2x64xi32, #tpu.memory_space<hbm>>
      %dma_start3A_37 = arith.constant 0 : i32
      %dma_start3A_38 = arith.constant 0 : i32
      %dma_start3A_39 = tpu.memref_slice %arg3[%add3A, %dma_start3A_37, %dma_start3A_38] : memref<32x2x64xi32, #tpu.memory_space<hbm>> -> memref<1x2x64xi32, #tpu.memory_space<hbm>>
      %dma_start3A_40 = tpu.memref_squeeze %dma_start3A_39 : memref<1x2x64xi32, #tpu.memory_space<hbm>> -> memref<2x64xi32, #tpu.memory_space<hbm>>
      tpu.enqueue_dma source(%dma_start3A_40 : memref<2x64xi32, #tpu.memory_space<hbm>>) target(%arg7 : memref<2x64xi32, #tpu.memory_space<vmem>>) target_semaphore(%run_scoped3A : memref<!tpu.dma_semaphore, #tpu.memory_space<semaphore_mem>>)
      %dma_wait3A_41 = arith.constant 0 : i32
      %dma_wait3A_42 = arith.constant 0 : i32
      %dma_wait3A_43 = tpu.memref_slice %arg3[%add3A, %dma_wait3A_41, %dma_wait3A_42] : memref<32x2x64xi32, #tpu.memory_space<hbm>> -> memref<1x2x64xi32, #tpu.memory_space<hbm>>
      %dma_wait3A_44 = tpu.memref_squeeze %dma_wait3A_43 : memref<1x2x64xi32, #tpu.memory_space<hbm>> -> memref<2x64xi32, #tpu.memory_space<hbm>>
      %dma_wait3A_45 = arith.constant 0 : i32
      %dma_wait3A_46 = arith.constant 0 : i32
      %dma_wait3A_47 = tpu.memref_slice %arg3[%add3A, %dma_wait3A_45, %dma_wait3A_46] : memref<32x2x64xi32, #tpu.memory_space<hbm>> -> memref<1x2x64xi32, #tpu.memory_space<hbm>>
      %dma_wait3A_48 = tpu.memref_squeeze %dma_wait3A_47 : memref<1x2x64xi32, #tpu.memory_space<hbm>> -> memref<2x64xi32, #tpu.memory_space<hbm>>
      tpu.wait_dma2 semaphore(%run_scoped3A : memref<!tpu.dma_semaphore, #tpu.memory_space<semaphore_mem>>) src(%dma_wait3A_48 : memref<2x64xi32, #tpu.memory_space<hbm>>) dst(%arg7 : memref<2x64xi32, #tpu.memory_space<vmem>>)
      tpu.yield
    }) : () -> ()
    %dma_start3A = arith.constant 0 : i32
    %dma_start3A_1 = arith.constant 0 : i32
    %dma_start3A_2 = tpu.memref_slice %arg7[%dma_start3A, %dma_start3A_1] : memref<2x64xi32, #tpu.memory_space<vmem>> -> memref<1x64xi32, #tpu.memory_space<vmem>>
    %dma_start3A_3 = tpu.memref_squeeze %dma_start3A_2 : memref<1x64xi32, #tpu.memory_space<vmem>> -> memref<64xi32, #tpu.memory_space<vmem>>
    %dma_start3A_4 = arith.constant 0 : i32
    %dma_start3A_5 = arith.constant 0 : i32
    %dma_start3A_6 = tpu.memref_slice %arg2[%dma_start3A_4, %dma_start3A_5] : memref<8192x768xf32, #tpu.memory_space<hbm>> -> memref<8192x768xf32, #tpu.memory_space<hbm>>
    tpu.enqueue_indirect_dma source(%dma_start3A_6 : memref<8192x768xf32, #tpu.memory_space<hbm>>) target(%arg5 : memref<64x768xf32, #tpu.memory_space<vmem>>) offsets(%dma_start3A_3 : memref<64xi32, #tpu.memory_space<vmem>>) semaphore(%arg8 : memref<!tpu.dma_semaphore, #tpu.memory_space<semaphore_mem>>)
    %dma_start3A_7 = arith.constant 1 : i32
    %dma_start3A_8 = arith.constant 0 : i32
    %dma_start3A_9 = tpu.memref_slice %arg7[%dma_start3A_7, %dma_start3A_8] : memref<2x64xi32, #tpu.memory_space<vmem>> -> memref<1x64xi32, #tpu.memory_space<vmem>>
    %dma_start3A_10 = tpu.memref_squeeze %dma_start3A_9 : memref<1x64xi32, #tpu.memory_space<vmem>> -> memref<64xi32, #tpu.memory_space<vmem>>
    %dma_start3A_11 = arith.constant 0 : i32
    %dma_start3A_12 = arith.constant 0 : i32
    %dma_start3A_13 = tpu.memref_slice %arg2[%dma_start3A_11, %dma_start3A_12] : memref<8192x768xf32, #tpu.memory_space<hbm>> -> memref<8192x768xf32, #tpu.memory_space<hbm>>
    tpu.enqueue_indirect_dma source(%dma_start3A_13 : memref<8192x768xf32, #tpu.memory_space<hbm>>) target(%arg6 : memref<64x768xf32, #tpu.memory_space<vmem>>) offsets(%dma_start3A_10 : memref<64xi32, #tpu.memory_space<vmem>>) semaphore(%arg9 : memref<!tpu.dma_semaphore, #tpu.memory_space<semaphore_mem>>)
    %dma_wait3A = arith.constant 0 : i32
    %dma_wait3A_14 = arith.constant 0 : i32
    %dma_wait3A_15 = tpu.memref_slice %arg7[%dma_wait3A, %dma_wait3A_14] : memref<2x64xi32, #tpu.memory_space<vmem>> -> memref<1x64xi32, #tpu.memory_space<vmem>>
    %dma_wait3A_16 = tpu.memref_squeeze %dma_wait3A_15 : memref<1x64xi32, #tpu.memory_space<vmem>> -> memref<64xi32, #tpu.memory_space<vmem>>
    %dma_wait3A_17 = arith.constant 0 : i32
    %dma_wait3A_18 = arith.constant 0 : i32
    %dma_wait3A_19 = tpu.memref_slice %arg2[%dma_wait3A_17, %dma_wait3A_18] : memref<8192x768xf32, #tpu.memory_space<hbm>> -> memref<8192x768xf32, #tpu.memory_space<hbm>>
    tpu.wait_indirect_dma semaphore(%arg8 : memref<!tpu.dma_semaphore, #tpu.memory_space<semaphore_mem>>) src(%dma_wait3A_19 : memref<8192x768xf32, #tpu.memory_space<hbm>>) dst(%arg5 : memref<64x768xf32, #tpu.memory_space<vmem>>)
    %dma_wait3A_20 = arith.constant 1 : i32
    %dma_wait3A_21 = arith.constant 0 : i32
    %dma_wait3A_22 = tpu.memref_slice %arg7[%dma_wait3A_20, %dma_wait3A_21] : memref<2x64xi32, #tpu.memory_space<vmem>> -> memref<1x64xi32, #tpu.memory_space<vmem>>
    %dma_wait3A_23 = tpu.memref_squeeze %dma_wait3A_22 : memref<1x64xi32, #tpu.memory_space<vmem>> -> memref<64xi32, #tpu.memory_space<vmem>>
    %dma_wait3A_24 = arith.constant 0 : i32
    %dma_wait3A_25 = arith.constant 0 : i32
    %dma_wait3A_26 = tpu.memref_slice %arg2[%dma_wait3A_24, %dma_wait3A_25] : memref<8192x768xf32, #tpu.memory_space<hbm>> -> memref<8192x768xf32, #tpu.memory_space<hbm>>
    tpu.wait_indirect_dma semaphore(%arg9 : memref<!tpu.dma_semaphore, #tpu.memory_space<semaphore_mem>>) src(%dma_wait3A_26 : memref<8192x768xf32, #tpu.memory_space<hbm>>) dst(%arg6 : memref<64x768xf32, #tpu.memory_space<vmem>>)
    %scan3A = arith.constant 0 : i32
    %scan3A_27 = arith.constant 64 : i32
    %scan3A_28 = arith.addi %scan3A, %scan3A_27 : i32
    %scan3A_29 = arith.constant 1 : i32
    scf.for %scan3A_33 = %scan3A to %scan3A_28 step %scan3A_29  : i32 {
      %mul3A_34 = arith.constant 1 : i32
      %mul3A_35 = arith.muli %scan3A_33, %mul3A_34 : i32
      %add3A_36 = arith.constant 0 : i32
      %add3A_37 = arith.addi %add3A_36, %mul3A_35 : i32
      %get3A = arith.index_cast %add3A_37 : i32 to index
      %get3A_38 = arith.constant 0 : index
      %get3A_39 = tpu.vector_load %arg5[%get3A, %get3A_38] {strides = array<i32>} : memref<64x768xf32, #tpu.memory_space<vmem>>, vector<1x16xf32>,
      %get3A_40 = vector.shape_cast %get3A_39 : vector<1x16xf32> to vector<16xf32>
      %get3A_41 = arith.index_cast %add3A_37 : i32 to index
      %get3A_42 = arith.constant 0 : index
      %get3A_43 = tpu.vector_load %arg6[%get3A_41, %get3A_42] {strides = array<i32>} : memref<64x768xf32, #tpu.memory_space<vmem>>, vector<1x16xf32>,
      %get3A_44 = vector.shape_cast %get3A_43 : vector<1x16xf32> to vector<16xf32>
      %add3A_45 = arith.addf %get3A_40, %get3A_44 : vector<16xf32>
      %swap3A = arith.index_cast %add3A_37 : i32 to index
      %swap3A_46 = arith.constant 0 : index
      %swap3A_47 = tpu.vector_load %arg5[%swap3A, %swap3A_46] {strides = array<i32>} : memref<64x768xf32, #tpu.memory_space<vmem>>, vector<1x16xf32>,
      %swap3A_48 = vector.shape_cast %swap3A_47 : vector<1x16xf32> to vector<16xf32>
      %swap3A_49 = vector.shape_cast %add3A_45 : vector<16xf32> to vector<1x16xf32>
      tpu.vector_store %arg5[%swap3A, %swap3A_46], %swap3A_49 {strides = array<i32>} : memref<64x768xf32, #tpu.memory_space<vmem>>, vector<1x16xf32>,
      %get3A_50 = arith.index_cast %add3A_37 : i32 to index
      %get3A_51 = arith.constant 16 : index
      %get3A_52 = tpu.vector_load %arg5[%get3A_50, %get3A_51] {strides = array<i32>} : memref<64x768xf32, #tpu.memory_space<vmem>>, vector<1x16xf32>,
      %get3A_53 = vector.shape_cast %get3A_52 : vector<1x16xf32> to vector<16xf32>
      %get3A_54 = arith.index_cast %add3A_37 : i32 to index
      %get3A_55 = arith.constant 16 : index
      %get3A_56 = tpu.vector_load %arg6[%get3A_54, %get3A_55] {strides = array<i32>} : memref<64x768xf32, #tpu.memory_space<vmem>>, vector<1x16xf32>,
      %get3A_57 = vector.shape_cast %get3A_56 : vector<1x16xf32> to vector<16xf32>
      %add3A_58 = arith.addf %get3A_53, %get3A_57 : vector<16xf32>
      %swap3A_59 = arith.index_cast %add3A_37 : i32 to index
      %swap3A_60 = arith.constant 16 : index
      %swap3A_61 = tpu.vector_load %arg5[%swap3A_59, %swap3A_60] {strides = array<i32>} : memref<64x768xf32, #tpu.memory_space<vmem>>, vector<1x16xf32>,
      %swap3A_62 = vector.shape_cast %swap3A_61 : vector<1x16xf32> to vector<16xf32>
      %swap3A_63 = vector.shape_cast %add3A_58 : vector<16xf32> to vector<1x16xf32>
      tpu.vector_store %arg5[%swap3A_59, %swap3A_60], %swap3A_63 {strides = array<i32>} : memref<64x768xf32, #tpu.memory_space<vmem>>, vector<1x16xf32>,
      %get3A_64 = arith.index_cast %add3A_37 : i32 to index
      %get3A_65 = arith.constant 32 : index
      %get3A_66 = tpu.vector_load %arg5[%get3A_64, %get3A_65] {strides = array<i32>} : memref<64x768xf32, #tpu.memory_space<vmem>>, vector<1x16xf32>,
      %get3A_67 = vector.shape_cast %get3A_66 : vector<1x16xf32> to vector<16xf32>
      %get3A_68 = arith.index_cast %add3A_37 : i32 to index
      %get3A_69 = arith.constant 32 : index
      %get3A_70 = tpu.vector_load %arg6[%get3A_68, %get3A_69] {strides = array<i32>} : memref<64x768xf32, #tpu.memory_space<vmem>>, vector<1x16xf32>,
      %get3A_71 = vector.shape_cast %get3A_70 : vector<1x16xf32> to vector<16xf32>
      %add3A_72 = arith.addf %get3A_67, %get3A_71 : vector<16xf32>
      %swap3A_73 = arith.index_cast %add3A_37 : i32 to index
      %swap3A_74 = arith.constant 32 : index
      %swap3A_75 = tpu.vector_load %arg5[%swap3A_73, %swap3A_74] {strides = array<i32>} : memref<64x768xf32, #tpu.memory_space<vmem>>, vector<1x16xf32>,
      %swap3A_76 = vector.shape_cast %swap3A_75 : vector<1x16xf32> to vector<16xf32>
      %swap3A_77 = vector.shape_cast %add3A_72 : vector<16xf32> to vector<1x16xf32>
      tpu.vector_store %arg5[%swap3A_73, %swap3A_74], %swap3A_77 {strides = array<i32>} : memref<64x768xf32, #tpu.memory_space<vmem>>, vector<1x16xf32>,
      %get3A_78 = arith.index_cast %add3A_37 : i32 to index
      %get3A_79 = arith.constant 48 : index
      %get3A_80 = tpu.vector_load %arg5[%get3A_78, %get3A_79] {strides = array<i32>} : memref<64x768xf32, #tpu.memory_space<vmem>>, vector<1x16xf32>,
      %get3A_81 = vector.shape_cast %get3A_80 : vector<1x16xf32> to vector<16xf32>
      %get3A_82 = arith.index_cast %add3A_37 : i32 to index
      %get3A_83 = arith.constant 48 : index
      %get3A_84 = tpu.vector_load %arg6[%get3A_82, %get3A_83] {strides = array<i32>} : memref<64x768xf32, #tpu.memory_space<vmem>>, vector<1x16xf32>,
      %get3A_85 = vector.shape_cast %get3A_84 : vector<1x16xf32> to vector<16xf32>
      %add3A_86 = arith.addf %get3A_81, %get3A_85 : vector<16xf32>
      %swap3A_87 = arith.index_cast %add3A_37 : i32 to index
      %swap3A_88 = arith.constant 48 : index
      %swap3A_89 = tpu.vector_load %arg5[%swap3A_87, %swap3A_88] {strides = array<i32>} : memref<64x768xf32, #tpu.memory_space<vmem>>, vector<1x16xf32>,
      %swap3A_90 = vector.shape_cast %swap3A_89 : vector<1x16xf32> to vector<16xf32>
      %swap3A_91 = vector.shape_cast %add3A_86 : vector<16xf32> to vector<1x16xf32>
      tpu.vector_store %arg5[%swap3A_87, %swap3A_88], %swap3A_91 {strides = array<i32>} : memref<64x768xf32, #tpu.memory_space<vmem>>, vector<1x16xf32>,
      %get3A_92 = arith.index_cast %add3A_37 : i32 to index
      %get3A_93 = arith.constant 64 : index
      %get3A_94 = tpu.vector_load %arg5[%get3A_92, %get3A_93] {strides = array<i32>} : memref<64x768xf32, #tpu.memory_space<vmem>>, vector<1x16xf32>,
      %get3A_95 = vector.shape_cast %get3A_94 : vector<1x16xf32> to vector<16xf32>
      %get3A_96 = arith.index_cast %add3A_37 : i32 to index
      %get3A_97 = arith.constant 64 : index
      %get3A_98 = tpu.vector_load %arg6[%get3A_96, %get3A_97] {strides = array<i32>} : memref<64x768xf32, #tpu.memory_space<vmem>>, vector<1x16xf32>,
      %get3A_99 = vector.shape_cast %get3A_98 : vector<1x16xf32> to vector<16xf32>
      %add3A_100 = arith.addf %get3A_95, %get3A_99 : vector<16xf32>
      %swap3A_101 = arith.index_cast %add3A_37 : i32 to index
      %swap3A_102 = arith.constant 64 : index
      %swap3A_103 = tpu.vector_load %arg5[%swap3A_101, %swap3A_102] {strides = array<i32>} : memref<64x768xf32, #tpu.memory_space<vmem>>, vector<1x16xf32>,
      %swap3A_104 = vector.shape_cast %swap3A_103 : vector<1x16xf32> to vector<16xf32>
      %swap3A_105 = vector.shape_cast %add3A_100 : vector<16xf32> to vector<1x16xf32>
      tpu.vector_store %arg5[%swap3A_101, %swap3A_102], %swap3A_105 {strides = array<i32>} : memref<64x768xf32, #tpu.memory_space<vmem>>, vector<1x16xf32>,
      %get3A_106 = arith.index_cast %add3A_37 : i32 to index
      %get3A_107 = arith.constant 80 : index
      %get3A_108 = tpu.vector_load %arg5[%get3A_106, %get3A_107] {strides = array<i32>} : memref<64x768xf32, #tpu.memory_space<vmem>>, vector<1x16xf32>,
      %get3A_109 = vector.shape_cast %get3A_108 : vector<1x16xf32> to vector<16xf32>
      %get3A_110 = arith.index_cast %add3A_37 : i32 to index
      %get3A_111 = arith.constant 80 : index
      %get3A_112 = tpu.vector_load %arg6[%get3A_110, %get3A_111] {strides = array<i32>} : memref<64x768xf32, #tpu.memory_space<vmem>>, vector<1x16xf32>,
      %get3A_113 = vector.shape_cast %get3A_112 : vector<1x16xf32> to vector<16xf32>
      %add3A_114 = arith.addf %get3A_109, %get3A_113 : vector<16xf32>
      %swap3A_115 = arith.index_cast %add3A_37 : i32 to index
      %swap3A_116 = arith.constant 80 : index
      %swap3A_117 = tpu.vector_load %arg5[%swap3A_115, %swap3A_116] {strides = array<i32>} : memref<64x768xf32, #tpu.memory_space<vmem>>, vector<1x16xf32>,
      %swap3A_118 = vector.shape_cast %swap3A_117 : vector<1x16xf32> to vector<16xf32>
      %swap3A_119 = vector.shape_cast %add3A_114 : vector<16xf32> to vector<1x16xf32>
      tpu.vector_store %arg5[%swap3A_115, %swap3A_116], %swap3A_119 {strides = array<i32>} : memref<64x768xf32, #tpu.memory_space<vmem>>, vector<1x16xf32>,
      %get3A_120 = arith.index_cast %add3A_37 : i32 to index
      %get3A_121 = arith.constant 96 : index
      %get3A_122 = tpu.vector_load %arg5[%get3A_120, %get3A_121] {strides = array<i32>} : memref<64x768xf32, #tpu.memory_space<vmem>>, vector<1x16xf32>,
      %get3A_123 = vector.shape_cast %get3A_122 : vector<1x16xf32> to vector<16xf32>
      %get3A_124 = arith.index_cast %add3A_37 : i32 to index
      %get3A_125 = arith.constant 96 : index
      %get3A_126 = tpu.vector_load %arg6[%get3A_124, %get3A_125] {strides = array<i32>} : memref<64x768xf32, #tpu.memory_space<vmem>>, vector<1x16xf32>,
      %get3A_127 = vector.shape_cast %get3A_126 : vector<1x16xf32> to vector<16xf32>
      %add3A_128 = arith.addf %get3A_123, %get3A_127 : vector<16xf32>
      %swap3A_129 = arith.index_cast %add3A_37 : i32 to index
      %swap3A_130 = arith.constant 96 : index
      %swap3A_131 = tpu.vector_load %arg5[%swap3A_129, %swap3A_130] {strides = array<i32>} : memref<64x768xf32, #tpu.memory_space<vmem>>, vector<1x16xf32>,
      %swap3A_132 = vector.shape_cast %swap3A_131 : vector<1x16xf32> to vector<16xf32>
      %swap3A_133 = vector.shape_cast %add3A_128 : vector<16xf32> to vector<1x16xf32>
      tpu.vector_store %arg5[%swap3A_129, %swap3A_130], %swap3A_133 {strides = array<i32>} : memref<64x768xf32, #tpu.memory_space<vmem>>, vector<1x16xf32>,
      %get3A_134 = arith.index_cast %add3A_37 : i32 to index
      %get3A_135 = arith.constant 112 : index
      %get3A_136 = tpu.vector_load %arg5[%get3A_134, %get3A_135] {strides = array<i32>} : memref<64x768xf32, #tpu.memory_space<vmem>>, vector<1x16xf32>,
      %get3A_137 = vector.shape_cast %get3A_136 : vector<1x16xf32> to vector<16xf32>
      %get3A_138 = arith.index_cast %add3A_37 : i32 to index
      %get3A_139 = arith.constant 112 : index
      %get3A_140 = tpu.vector_load %arg6[%get3A_138, %get3A_139] {strides = array<i32>} : memref<64x768xf32, #tpu.memory_space<vmem>>, vector<1x16xf32>,
      %get3A_141 = vector.shape_cast %get3A_140 : vector<1x16xf32> to vector<16xf32>
      %add3A_142 = arith.addf %get3A_137, %get3A_141 : vector<16xf32>
      %swap3A_143 = arith.index_cast %add3A_37 : i32 to index
      %swap3A_144 = arith.constant 112 : index
      %swap3A_145 = tpu.vector_load %arg5[%swap3A_143, %swap3A_144] {strides = array<i32>} : memref<64x768xf32, #tpu.memory_space<vmem>>, vector<1x16xf32>,
      %swap3A_146 = vector.shape_cast %swap3A_145 : vector<1x16xf32> to vector<16xf32>
      %swap3A_147 = vector.shape_cast %add3A_142 : vector<16xf32> to vector<1x16xf32>
      tpu.vector_store %arg5[%swap3A_143, %swap3A_144], %swap3A_147 {strides = array<i32>} : memref<64x768xf32, #tpu.memory_space<vmem>>, vector<1x16xf32>,
      %get3A_148 = arith.index_cast %add3A_37 : i32 to index
      %get3A_149 = arith.constant 128 : index
      %get3A_150 = tpu.vector_load %arg5[%get3A_148, %get3A_149] {strides = array<i32>} : memref<64x768xf32, #tpu.memory_space<vmem>>, vector<1x16xf32>,
      %get3A_151 = vector.shape_cast %get3A_150 : vector<1x16xf32> to vector<16xf32>
      %get3A_152 = arith.index_cast %add3A_37 : i32 to index
      %get3A_153 = arith.constant 128 : index
      %get3A_154 = tpu.vector_load %arg6[%get3A_152, %get3A_153] {strides = array<i32>} : memref<64x768xf32, #tpu.memory_space<vmem>>, vector<1x16xf32>,
      %get3A_155 = vector.shape_cast %get3A_154 : vector<1x16xf32> to vector<16xf32>
      %add3A_156 = arith.addf %get3A_151, %get3A_155 : vector<16xf32>
      %swap3A_157 = arith.index_cast %add3A_37 : i32 to index
      %swap3A_158 = arith.constant 128 : index
      %swap3A_159 = tpu.vector_load %arg5[%swap3A_157, %swap3A_158] {strides = array<i32>} : memref<64x768xf32, #tpu.memory_space<vmem>>, vector<1x16xf32>,
      %swap3A_160 = vector.shape_cast %swap3A_159 : vector<1x16xf32> to vector<16xf32>
      %swap3A_161 = vector.shape_cast %add3A_156 : vector<16xf32> to vector<1x16xf32>
      tpu.vector_store %arg5[%swap3A_157, %swap3A_158], %swap3A_161 {strides = array<i32>} : memref<64x768xf32, #tpu.memory_space<vmem>>, vector<1x16xf32>,
      %get3A_162 = arith.index_cast %add3A_37 : i32 to index
      %get3A_163 = arith.constant 144 : index
      %get3A_164 = tpu.vector_load %arg5[%get3A_162, %get3A_163] {strides = array<i32>} : memref<64x768xf32, #tpu.memory_space<vmem>>, vector<1x16xf32>,
      %get3A_165 = vector.shape_cast %get3A_164 : vector<1x16xf32> to vector<16xf32>
      %get3A_166 = arith.index_cast %add3A_37 : i32 to index
      %get3A_167 = arith.constant 144 : index
      %get3A_168 = tpu.vector_load %arg6[%get3A_166, %get3A_167] {strides = array<i32>} : memref<64x768xf32, #tpu.memory_space<vmem>>, vector<1x16xf32>,
      %get3A_169 = vector.shape_cast %get3A_168 : vector<1x16xf32> to vector<16xf32>
      %add3A_170 = arith.addf %get3A_165, %get3A_169 : vector<16xf32>
      %swap3A_171 = arith.index_cast %add3A_37 : i32 to index
      %swap3A_172 = arith.constant 144 : index
      %swap3A_173 = tpu.vector_load %arg5[%swap3A_171, %swap3A_172] {strides = array<i32>} : memref<64x768xf32, #tpu.memory_space<vmem>>, vector<1x16xf32>,
      %swap3A_174 = vector.shape_cast %swap3A_173 : vector<1x16xf32> to vector<16xf32>
      %swap3A_175 = vector.shape_cast %add3A_170 : vector<16xf32> to vector<1x16xf32>
      tpu.vector_store %arg5[%swap3A_171, %swap3A_172], %swap3A_175 {strides = array<i32>} : memref<64x768xf32, #tpu.memory_space<vmem>>, vector<1x16xf32>,
      %get3A_176 = arith.index_cast %add3A_37 : i32 to index
      %get3A_177 = arith.constant 160 : index
      %get3A_178 = tpu.vector_load %arg5[%get3A_176, %get3A_177] {strides = array<i32>} : memref<64x768xf32, #tpu.memory_space<vmem>>, vector<1x16xf32>,
      %get3A_179 = vector.shape_cast %get3A_178 : vector<1x16xf32> to vector<16xf32>
      %get3A_180 = arith.index_cast %add3A_37 : i32 to index
      %get3A_181 = arith.constant 160 : index
      %get3A_182 = tpu.vector_load %arg6[%get3A_180, %get3A_181] {strides = array<i32>} : memref<64x768xf32, #tpu.memory_space<vmem>>, vector<1x16xf32>,
      %get3A_183 = vector.shape_cast %get3A_182 : vector<1x16xf32> to vector<16xf32>
      %add3A_184 = arith.addf %get3A_179, %get3A_183 : vector<16xf32>
      %swap3A_185 = arith.index_cast %add3A_37 : i32 to index
      %swap3A_186 = arith.constant 160 : index
      %swap3A_187 = tpu.vector_load %arg5[%swap3A_185, %swap3A_186] {strides = array<i32>} : memref<64x768xf32, #tpu.memory_space<vmem>>, vector<1x16xf32>,
      %swap3A_188 = vector.shape_cast %swap3A_187 : vector<1x16xf32> to vector<16xf32>
      %swap3A_189 = vector.shape_cast %add3A_184 : vector<16xf32> to vector<1x16xf32>
      tpu.vector_store %arg5[%swap3A_185, %swap3A_186], %swap3A_189 {strides = array<i32>} : memref<64x768xf32, #tpu.memory_space<vmem>>, vector<1x16xf32>,
      %get3A_190 = arith.index_cast %add3A_37 : i32 to index
      %get3A_191 = arith.constant 176 : index
      %get3A_192 = tpu.vector_load %arg5[%get3A_190, %get3A_191] {strides = array<i32>} : memref<64x768xf32, #tpu.memory_space<vmem>>, vector<1x16xf32>,
      %get3A_193 = vector.shape_cast %get3A_192 : vector<1x16xf32> to vector<16xf32>
      %get3A_194 = arith.index_cast %add3A_37 : i32 to index
      %get3A_195 = arith.constant 176 : index
      %get3A_196 = tpu.vector_load %arg6[%get3A_194, %get3A_195] {strides = array<i32>} : memref<64x768xf32, #tpu.memory_space<vmem>>, vector<1x16xf32>,
      %get3A_197 = vector.shape_cast %get3A_196 : vector<1x16xf32> to vector<16xf32>
      %add3A_198 = arith.addf %get3A_193, %get3A_197 : vector<16xf32>
      %swap3A_199 = arith.index_cast %add3A_37 : i32 to index
      %swap3A_200 = arith.constant 176 : index
      %swap3A_201 = tpu.vector_load %arg5[%swap3A_199, %swap3A_200] {strides = array<i32>} : memref<64x768xf32, #tpu.memory_space<vmem>>, vector<1x16xf32>,
      %swap3A_202 = vector.shape_cast %swap3A_201 : vector<1x16xf32> to vector<16xf32>
      %swap3A_203 = vector.shape_cast %add3A_198 : vector<16xf32> to vector<1x16xf32>
      tpu.vector_store %arg5[%swap3A_199, %swap3A_200], %swap3A_203 {strides = array<i32>} : memref<64x768xf32, #tpu.memory_space<vmem>>, vector<1x16xf32>,
      %get3A_204 = arith.index_cast %add3A_37 : i32 to index
      %get3A_205 = arith.constant 192 : index
      %get3A_206 = tpu.vector_load %arg5[%get3A_204, %get3A_205] {strides = array<i32>} : memref<64x768xf32, #tpu.memory_space<vmem>>, vector<1x16xf32>,
      %get3A_207 = vector.shape_cast %get3A_206 : vector<1x16xf32> to vector<16xf32>
      %get3A_208 = arith.index_cast %add3A_37 : i32 to index
      %get3A_209 = arith.constant 192 : index
      %get3A_210 = tpu.vector_load %arg6[%get3A_208, %get3A_209] {strides = array<i32>} : memref<64x768xf32, #tpu.memory_space<vmem>>, vector<1x16xf32>,
      %get3A_211 = vector.shape_cast %get3A_210 : vector<1x16xf32> to vector<16xf32>
      %add3A_212 = arith.addf %get3A_207, %get3A_211 : vector<16xf32>
      %swap3A_213 = arith.index_cast %add3A_37 : i32 to index
      %swap3A_214 = arith.constant 192 : index
      %swap3A_215 = tpu.vector_load %arg5[%swap3A_213, %swap3A_214] {strides = array<i32>} : memref<64x768xf32, #tpu.memory_space<vmem>>, vector<1x16xf32>,
      %swap3A_216 = vector.shape_cast %swap3A_215 : vector<1x16xf32> to vector<16xf32>
      %swap3A_217 = vector.shape_cast %add3A_212 : vector<16xf32> to vector<1x16xf32>
      tpu.vector_store %arg5[%swap3A_213, %swap3A_214], %swap3A_217 {strides = array<i32>} : memref<64x768xf32, #tpu.memory_space<vmem>>, vector<1x16xf32>,
      %get3A_218 = arith.index_cast %add3A_37 : i32 to index
      %get3A_219 = arith.constant 208 : index
      %get3A_220 = tpu.vector_load %arg5[%get3A_218, %get3A_219] {strides = array<i32>} : memref<64x768xf32, #tpu.memory_space<vmem>>, vector<1x16xf32>,
      %get3A_221 = vector.shape_cast %get3A_220 : vector<1x16xf32> to vector<16xf32>
      %get3A_222 = arith.index_cast %add3A_37 : i32 to index
      %get3A_223 = arith.constant 208 : index
      %get3A_224 = tpu.vector_load %arg6[%get3A_222, %get3A_223] {strides = array<i32>} : memref<64x768xf32, #tpu.memory_space<vmem>>, vector<1x16xf32>,
      %get3A_225 = vector.shape_cast %get3A_224 : vector<1x16xf32> to vector<16xf32>
      %add3A_226 = arith.addf %get3A_221, %get3A_225 : vector<16xf32>
      %swap3A_227 = arith.index_cast %add3A_37 : i32 to index
      %swap3A_228 = arith.constant 208 : index
      %swap3A_229 = tpu.vector_load %arg5[%swap3A_227, %swap3A_228] {strides = array<i32>} : memref<64x768xf32, #tpu.memory_space<vmem>>, vector<1x16xf32>,
      %swap3A_230 = vector.shape_cast %swap3A_229 : vector<1x16xf32> to vector<16xf32>
      %swap3A_231 = vector.shape_cast %add3A_226 : vector<16xf32> to vector<1x16xf32>
      tpu.vector_store %arg5[%swap3A_227, %swap3A_228], %swap3A_231 {strides = array<i32>} : memref<64x768xf32, #tpu.memory_space<vmem>>, vector<1x16xf32>,
      %get3A_232 = arith.index_cast %add3A_37 : i32 to index
      %get3A_233 = arith.constant 224 : index
      %get3A_234 = tpu.vector_load %arg5[%get3A_232, %get3A_233] {strides = array<i32>} : memref<64x768xf32, #tpu.memory_space<vmem>>, vector<1x16xf32>,
      %get3A_235 = vector.shape_cast %get3A_234 : vector<1x16xf32> to vector<16xf32>
      %get3A_236 = arith.index_cast %add3A_37 : i32 to index
      %get3A_237 = arith.constant 224 : index
      %get3A_238 = tpu.vector_load %arg6[%get3A_236, %get3A_237] {strides = array<i32>} : memref<64x768xf32, #tpu.memory_space<vmem>>, vector<1x16xf32>,
      %get3A_239 = vector.shape_cast %get3A_238 : vector<1x16xf32> to vector<16xf32>
      %add3A_240 = arith.addf %get3A_235, %get3A_239 : vector<16xf32>
      %swap3A_241 = arith.index_cast %add3A_37 : i32 to index
      %swap3A_242 = arith.constant 224 : index
      %swap3A_243 = tpu.vector_load %arg5[%swap3A_241, %swap3A_242] {strides = array<i32>} : memref<64x768xf32, #tpu.memory_space<vmem>>, vector<1x16xf32>,
      %swap3A_244 = vector.shape_cast %swap3A_243 : vector<1x16xf32> to vector<16xf32>
      %swap3A_245 = vector.shape_cast %add3A_240 : vector<16xf32> to vector<1x16xf32>
      tpu.vector_store %arg5[%swap3A_241, %swap3A_242], %swap3A_245 {strides = array<i32>} : memref<64x768xf32, #tpu.memory_space<vmem>>, vector<1x16xf32>,
      %get3A_246 = arith.index_cast %add3A_37 : i32 to index
      %get3A_247 = arith.constant 240 : index
      %get3A_248 = tpu.vector_load %arg5[%get3A_246, %get3A_247] {strides = array<i32>} : memref<64x768xf32, #tpu.memory_space<vmem>>, vector<1x16xf32>,
      %get3A_249 = vector.shape_cast %get3A_248 : vector<1x16xf32> to vector<16xf32>
      %get3A_250 = arith.index_cast %add3A_37 : i32 to index
      %get3A_251 = arith.constant 240 : index
      %get3A_252 = tpu.vector_load %arg6[%get3A_250, %get3A_251] {strides = array<i32>} : memref<64x768xf32, #tpu.memory_space<vmem>>, vector<1x16xf32>,
      %get3A_253 = vector.shape_cast %get3A_252 : vector<1x16xf32> to vector<16xf32>
      %add3A_254 = arith.addf %get3A_249, %get3A_253 : vector<16xf32>
      %swap3A_255 = arith.index_cast %add3A_37 : i32 to index
      %swap3A_256 = arith.constant 240 : index
      %swap3A_257 = tpu.vector_load %arg5[%swap3A_255, %swap3A_256] {strides = array<i32>} : memref<64x768xf32, #tpu.memory_space<vmem>>, vector<1x16xf32>,
      %swap3A_258 = vector.shape_cast %swap3A_257 : vector<1x16xf32> to vector<16xf32>
      %swap3A_259 = vector.shape_cast %add3A_254 : vector<16xf32> to vector<1x16xf32>
      tpu.vector_store %arg5[%swap3A_255, %swap3A_256], %swap3A_259 {strides = array<i32>} : memref<64x768xf32, #tpu.memory_space<vmem>>, vector<1x16xf32>,
      %get3A_260 = arith.index_cast %add3A_37 : i32 to index
      %get3A_261 = arith.constant 256 : index
      %get3A_262 = tpu.vector_load %arg5[%get3A_260, %get3A_261] {strides = array<i32>} : memref<64x768xf32, #tpu.memory_space<vmem>>, vector<1x16xf32>,
      %get3A_263 = vector.shape_cast %get3A_262 : vector<1x16xf32> to vector<16xf32>
      %get3A_264 = arith.index_cast %add3A_37 : i32 to index
      %get3A_265 = arith.constant 256 : index
      %get3A_266 = tpu.vector_load %arg6[%get3A_264, %get3A_265] {strides = array<i32>} : memref<64x768xf32, #tpu.memory_space<vmem>>, vector<1x16xf32>,
      %get3A_267 = vector.shape_cast %get3A_266 : vector<1x16xf32> to vector<16xf32>
      %add3A_268 = arith.addf %get3A_263, %get3A_267 : vector<16xf32>
      %swap3A_269 = arith.index_cast %add3A_37 : i32 to index
      %swap3A_270 = arith.constant 256 : index
      %swap3A_271 = tpu.vector_load %arg5[%swap3A_269, %swap3A_270] {strides = array<i32>} : memref<64x768xf32, #tpu.memory_space<vmem>>, vector<1x16xf32>,
      %swap3A_272 = vector.shape_cast %swap3A_271 : vector<1x16xf32> to vector<16xf32>
      %swap3A_273 = vector.shape_cast %add3A_268 : vector<16xf32> to vector<1x16xf32>
      tpu.vector_store %arg5[%swap3A_269, %swap3A_270], %swap3A_273 {strides = array<i32>} : memref<64x768xf32, #tpu.memory_space<vmem>>, vector<1x16xf32>,
      %get3A_274 = arith.index_cast %add3A_37 : i32 to index
      %get3A_275 = arith.constant 272 : index
      %get3A_276 = tpu.vector_load %arg5[%get3A_274, %get3A_275] {strides = array<i32>} : memref<64x768xf32, #tpu.memory_space<vmem>>, vector<1x16xf32>,
      %get3A_277 = vector.shape_cast %get3A_276 : vector<1x16xf32> to vector<16xf32>
      %get3A_278 = arith.index_cast %add3A_37 : i32 to index
      %get3A_279 = arith.constant 272 : index
      %get3A_280 = tpu.vector_load %arg6[%get3A_278, %get3A_279] {strides = array<i32>} : memref<64x768xf32, #tpu.memory_space<vmem>>, vector<1x16xf32>,
      %get3A_281 = vector.shape_cast %get3A_280 : vector<1x16xf32> to vector<16xf32>
      %add3A_282 = arith.addf %get3A_277, %get3A_281 : vector<16xf32>
      %swap3A_283 = arith.index_cast %add3A_37 : i32 to index
      %swap3A_284 = arith.constant 272 : index
      %swap3A_285 = tpu.vector_load %arg5[%swap3A_283, %swap3A_284] {strides = array<i32>} : memref<64x768xf32, #tpu.memory_space<vmem>>, vector<1x16xf32>,
      %swap3A_286 = vector.shape_cast %swap3A_285 : vector<1x16xf32> to vector<16xf32>
      %swap3A_287 = vector.shape_cast %add3A_282 : vector<16xf32> to vector<1x16xf32>
      tpu.vector_store %arg5[%swap3A_283, %swap3A_284], %swap3A_287 {strides = array<i32>} : memref<64x768xf32, #tpu.memory_space<vmem>>, vector<1x16xf32>,
      %get3A_288 = arith.index_cast %add3A_37 : i32 to index
      %get3A_289 = arith.constant 288 : index
      %get3A_290 = tpu.vector_load %arg5[%get3A_288, %get3A_289] {strides = array<i32>} : memref<64x768xf32, #tpu.memory_space<vmem>>, vector<1x16xf32>,
      %get3A_291 = vector.shape_cast %get3A_290 : vector<1x16xf32> to vector<16xf32>
      %get3A_292 = arith.index_cast %add3A_37 : i32 to index
      %get3A_293 = arith.constant 288 : index
      %get3A_294 = tpu.vector_load %arg6[%get3A_292, %get3A_293] {strides = array<i32>} : memref<64x768xf32, #tpu.memory_space<vmem>>, vector<1x16xf32>,
      %get3A_295 = vector.shape_cast %get3A_294 : vector<1x16xf32> to vector<16xf32>
      %add3A_296 = arith.addf %get3A_291, %get3A_295 : vector<16xf32>
      %swap3A_297 = arith.index_cast %add3A_37 : i32 to index
      %swap3A_298 = arith.constant 288 : index
      %swap3A_299 = tpu.vector_load %arg5[%swap3A_297, %swap3A_298] {strides = array<i32>} : memref<64x768xf32, #tpu.memory_space<vmem>>, vector<1x16xf32>,
      %swap3A_300 = vector.shape_cast %swap3A_299 : vector<1x16xf32> to vector<16xf32>
      %swap3A_301 = vector.shape_cast %add3A_296 : vector<16xf32> to vector<1x16xf32>
      tpu.vector_store %arg5[%swap3A_297, %swap3A_298], %swap3A_301 {strides = array<i32>} : memref<64x768xf32, #tpu.memory_space<vmem>>, vector<1x16xf32>,
      %get3A_302 = arith.index_cast %add3A_37 : i32 to index
      %get3A_303 = arith.constant 304 : index
      %get3A_304 = tpu.vector_load %arg5[%get3A_302, %get3A_303] {strides = array<i32>} : memref<64x768xf32, #tpu.memory_space<vmem>>, vector<1x16xf32>,
      %get3A_305 = vector.shape_cast %get3A_304 : vector<1x16xf32> to vector<16xf32>
      %get3A_306 = arith.index_cast %add3A_37 : i32 to index
      %get3A_307 = arith.constant 304 : index
      %get3A_308 = tpu.vector_load %arg6[%get3A_306, %get3A_307] {strides = array<i32>} : memref<64x768xf32, #tpu.memory_space<vmem>>, vector<1x16xf32>,
      %get3A_309 = vector.shape_cast %get3A_308 : vector<1x16xf32> to vector<16xf32>
      %add3A_310 = arith.addf %get3A_305, %get3A_309 : vector<16xf32>
      %swap3A_311 = arith.index_cast %add3A_37 : i32 to index
      %swap3A_312 = arith.constant 304 : index
      %swap3A_313 = tpu.vector_load %arg5[%swap3A_311, %swap3A_312] {strides = array<i32>} : memref<64x768xf32, #tpu.memory_space<vmem>>, vector<1x16xf32>,
      %swap3A_314 = vector.shape_cast %swap3A_313 : vector<1x16xf32> to vector<16xf32>
      %swap3A_315 = vector.shape_cast %add3A_310 : vector<16xf32> to vector<1x16xf32>
      tpu.vector_store %arg5[%swap3A_311, %swap3A_312], %swap3A_315 {strides = array<i32>} : memref<64x768xf32, #tpu.memory_space<vmem>>, vector<1x16xf32>,
      %get3A_316 = arith.index_cast %add3A_37 : i32 to index
      %get3A_317 = arith.constant 320 : index
      %get3A_318 = tpu.vector_load %arg5[%get3A_316, %get3A_317] {strides = array<i32>} : memref<64x768xf32, #tpu.memory_space<vmem>>, vector<1x16xf32>,
      %get3A_319 = vector.shape_cast %get3A_318 : vector<1x16xf32> to vector<16xf32>
      %get3A_320 = arith.index_cast %add3A_37 : i32 to index
      %get3A_321 = arith.constant 320 : index
      %get3A_322 = tpu.vector_load %arg6[%get3A_320, %get3A_321] {strides = array<i32>} : memref<64x768xf32, #tpu.memory_space<vmem>>, vector<1x16xf32>,
      %get3A_323 = vector.shape_cast %get3A_322 : vector<1x16xf32> to vector<16xf32>
      %add3A_324 = arith.addf %get3A_319, %get3A_323 : vector<16xf32>
      %swap3A_325 = arith.index_cast %add3A_37 : i32 to index
      %swap3A_326 = arith.constant 320 : index
      %swap3A_327 = tpu.vector_load %arg5[%swap3A_325, %swap3A_326] {strides = array<i32>} : memref<64x768xf32, #tpu.memory_space<vmem>>, vector<1x16xf32>,
      %swap3A_328 = vector.shape_cast %swap3A_327 : vector<1x16xf32> to vector<16xf32>
      %swap3A_329 = vector.shape_cast %add3A_324 : vector<16xf32> to vector<1x16xf32>
      tpu.vector_store %arg5[%swap3A_325, %swap3A_326], %swap3A_329 {strides = array<i32>} : memref<64x768xf32, #tpu.memory_space<vmem>>, vector<1x16xf32>,
      %get3A_330 = arith.index_cast %add3A_37 : i32 to index
      %get3A_331 = arith.constant 336 : index
      %get3A_332 = tpu.vector_load %arg5[%get3A_330, %get3A_331] {strides = array<i32>} : memref<64x768xf32, #tpu.memory_space<vmem>>, vector<1x16xf32>,
      %get3A_333 = vector.shape_cast %get3A_332 : vector<1x16xf32> to vector<16xf32>
      %get3A_334 = arith.index_cast %add3A_37 : i32 to index
      %get3A_335 = arith.constant 336 : index
      %get3A_336 = tpu.vector_load %arg6[%get3A_334, %get3A_335] {strides = array<i32>} : memref<64x768xf32, #tpu.memory_space<vmem>>, vector<1x16xf32>,
      %get3A_337 = vector.shape_cast %get3A_336 : vector<1x16xf32> to vector<16xf32>
      %add3A_338 = arith.addf %get3A_333, %get3A_337 : vector<16xf32>
      %swap3A_339 = arith.index_cast %add3A_37 : i32 to index
      %swap3A_340 = arith.constant 336 : index
      %swap3A_341 = tpu.vector_load %arg5[%swap3A_339, %swap3A_340] {strides = array<i32>} : memref<64x768xf32, #tpu.memory_space<vmem>>, vector<1x16xf32>,
      %swap3A_342 = vector.shape_cast %swap3A_341 : vector<1x16xf32> to vector<16xf32>
      %swap3A_343 = vector.shape_cast %add3A_338 : vector<16xf32> to vector<1x16xf32>
      tpu.vector_store %arg5[%swap3A_339, %swap3A_340], %swap3A_343 {strides = array<i32>} : memref<64x768xf32, #tpu.memory_space<vmem>>, vector<1x16xf32>,
      %get3A_344 = arith.index_cast %add3A_37 : i32 to index
      %get3A_345 = arith.constant 352 : index
      %get3A_346 = tpu.vector_load %arg5[%get3A_344, %get3A_345] {strides = array<i32>} : memref<64x768xf32, #tpu.memory_space<vmem>>, vector<1x16xf32>,
      %get3A_347 = vector.shape_cast %get3A_346 : vector<1x16xf32> to vector<16xf32>
      %get3A_348 = arith.index_cast %add3A_37 : i32 to index
      %get3A_349 = arith.constant 352 : index
      %get3A_350 = tpu.vector_load %arg6[%get3A_348, %get3A_349] {strides = array<i32>} : memref<64x768xf32, #tpu.memory_space<vmem>>, vector<1x16xf32>,
      %get3A_351 = vector.shape_cast %get3A_350 : vector<1x16xf32> to vector<16xf32>
      %add3A_352 = arith.addf %get3A_347, %get3A_351 : vector<16xf32>
      %swap3A_353 = arith.index_cast %add3A_37 : i32 to index
      %swap3A_354 = arith.constant 352 : index
      %swap3A_355 = tpu.vector_load %arg5[%swap3A_353, %swap3A_354] {strides = array<i32>} : memref<64x768xf32, #tpu.memory_space<vmem>>, vector<1x16xf32>,
      %swap3A_356 = vector.shape_cast %swap3A_355 : vector<1x16xf32> to vector<16xf32>
      %swap3A_357 = vector.shape_cast %add3A_352 : vector<16xf32> to vector<1x16xf32>
      tpu.vector_store %arg5[%swap3A_353, %swap3A_354], %swap3A_357 {strides = array<i32>} : memref<64x768xf32, #tpu.memory_space<vmem>>, vector<1x16xf32>,
      %get3A_358 = arith.index_cast %add3A_37 : i32 to index
      %get3A_359 = arith.constant 368 : index
      %get3A_360 = tpu.vector_load %arg5[%get3A_358, %get3A_359] {strides = array<i32>} : memref<64x768xf32, #tpu.memory_space<vmem>>, vector<1x16xf32>,
      %get3A_361 = vector.shape_cast %get3A_360 : vector<1x16xf32> to vector<16xf32>
      %get3A_362 = arith.index_cast %add3A_37 : i32 to index
      %get3A_363 = arith.constant 368 : index
      %get3A_364 = tpu.vector_load %arg6[%get3A_362, %get3A_363] {strides = array<i32>} : memref<64x768xf32, #tpu.memory_space<vmem>>, vector<1x16xf32>,
      %get3A_365 = vector.shape_cast %get3A_364 : vector<1x16xf32> to vector<16xf32>
      %add3A_366 = arith.addf %get3A_361, %get3A_365 : vector<16xf32>
      %swap3A_367 = arith.index_cast %add3A_37 : i32 to index
      %swap3A_368 = arith.constant 368 : index
      %swap3A_369 = tpu.vector_load %arg5[%swap3A_367, %swap3A_368] {strides = array<i32>} : memref<64x768xf32, #tpu.memory_space<vmem>>, vector<1x16xf32>,
      %swap3A_370 = vector.shape_cast %swap3A_369 : vector<1x16xf32> to vector<16xf32>
      %swap3A_371 = vector.shape_cast %add3A_366 : vector<16xf32> to vector<1x16xf32>
      tpu.vector_store %arg5[%swap3A_367, %swap3A_368], %swap3A_371 {strides = array<i32>} : memref<64x768xf32, #tpu.memory_space<vmem>>, vector<1x16xf32>,
      %get3A_372 = arith.index_cast %add3A_37 : i32 to index
      %get3A_373 = arith.constant 384 : index
      %get3A_374 = tpu.vector_load %arg5[%get3A_372, %get3A_373] {strides = array<i32>} : memref<64x768xf32, #tpu.memory_space<vmem>>, vector<1x16xf32>,
      %get3A_375 = vector.shape_cast %get3A_374 : vector<1x16xf32> to vector<16xf32>
      %get3A_376 = arith.index_cast %add3A_37 : i32 to index
      %get3A_377 = arith.constant 384 : index
      %get3A_378 = tpu.vector_load %arg6[%get3A_376, %get3A_377] {strides = array<i32>} : memref<64x768xf32, #tpu.memory_space<vmem>>, vector<1x16xf32>,
      %get3A_379 = vector.shape_cast %get3A_378 : vector<1x16xf32> to vector<16xf32>
      %add3A_380 = arith.addf %get3A_375, %get3A_379 : vector<16xf32>
      %swap3A_381 = arith.index_cast %add3A_37 : i32 to index
      %swap3A_382 = arith.constant 384 : index
      %swap3A_383 = tpu.vector_load %arg5[%swap3A_381, %swap3A_382] {strides = array<i32>} : memref<64x768xf32, #tpu.memory_space<vmem>>, vector<1x16xf32>,
      %swap3A_384 = vector.shape_cast %swap3A_383 : vector<1x16xf32> to vector<16xf32>
      %swap3A_385 = vector.shape_cast %add3A_380 : vector<16xf32> to vector<1x16xf32>
      tpu.vector_store %arg5[%swap3A_381, %swap3A_382], %swap3A_385 {strides = array<i32>} : memref<64x768xf32, #tpu.memory_space<vmem>>, vector<1x16xf32>,
      %get3A_386 = arith.index_cast %add3A_37 : i32 to index
      %get3A_387 = arith.constant 400 : index
      %get3A_388 = tpu.vector_load %arg5[%get3A_386, %get3A_387] {strides = array<i32>} : memref<64x768xf32, #tpu.memory_space<vmem>>, vector<1x16xf32>,
      %get3A_389 = vector.shape_cast %get3A_388 : vector<1x16xf32> to vector<16xf32>
      %get3A_390 = arith.index_cast %add3A_37 : i32 to index
      %get3A_391 = arith.constant 400 : index
      %get3A_392 = tpu.vector_load %arg6[%get3A_390, %get3A_391] {strides = array<i32>} : memref<64x768xf32, #tpu.memory_space<vmem>>, vector<1x16xf32>,
      %get3A_393 = vector.shape_cast %get3A_392 : vector<1x16xf32> to vector<16xf32>
      %add3A_394 = arith.addf %get3A_389, %get3A_393 : vector<16xf32>
      %swap3A_395 = arith.index_cast %add3A_37 : i32 to index
      %swap3A_396 = arith.constant 400 : index
      %swap3A_397 = tpu.vector_load %arg5[%swap3A_395, %swap3A_396] {strides = array<i32>} : memref<64x768xf32, #tpu.memory_space<vmem>>, vector<1x16xf32>,
      %swap3A_398 = vector.shape_cast %swap3A_397 : vector<1x16xf32> to vector<16xf32>
      %swap3A_399 = vector.shape_cast %add3A_394 : vector<16xf32> to vector<1x16xf32>
      tpu.vector_store %arg5[%swap3A_395, %swap3A_396], %swap3A_399 {strides = array<i32>} : memref<64x768xf32, #tpu.memory_space<vmem>>, vector<1x16xf32>,
      %get3A_400 = arith.index_cast %add3A_37 : i32 to index
      %get3A_401 = arith.constant 416 : index
      %get3A_402 = tpu.vector_load %arg5[%get3A_400, %get3A_401] {strides = array<i32>} : memref<64x768xf32, #tpu.memory_space<vmem>>, vector<1x16xf32>,
      %get3A_403 = vector.shape_cast %get3A_402 : vector<1x16xf32> to vector<16xf32>
      %get3A_404 = arith.index_cast %add3A_37 : i32 to index
      %get3A_405 = arith.constant 416 : index
      %get3A_406 = tpu.vector_load %arg6[%get3A_404, %get3A_405] {strides = array<i32>} : memref<64x768xf32, #tpu.memory_space<vmem>>, vector<1x16xf32>,
      %get3A_407 = vector.shape_cast %get3A_406 : vector<1x16xf32> to vector<16xf32>
      %add3A_408 = arith.addf %get3A_403, %get3A_407 : vector<16xf32>
      %swap3A_409 = arith.index_cast %add3A_37 : i32 to index
      %swap3A_410 = arith.constant 416 : index
      %swap3A_411 = tpu.vector_load %arg5[%swap3A_409, %swap3A_410] {strides = array<i32>} : memref<64x768xf32, #tpu.memory_space<vmem>>, vector<1x16xf32>,
      %swap3A_412 = vector.shape_cast %swap3A_411 : vector<1x16xf32> to vector<16xf32>
      %swap3A_413 = vector.shape_cast %add3A_408 : vector<16xf32> to vector<1x16xf32>
      tpu.vector_store %arg5[%swap3A_409, %swap3A_410], %swap3A_413 {strides = array<i32>} : memref<64x768xf32, #tpu.memory_space<vmem>>, vector<1x16xf32>,
      %get3A_414 = arith.index_cast %add3A_37 : i32 to index
      %get3A_415 = arith.constant 432 : index
      %get3A_416 = tpu.vector_load %arg5[%get3A_414, %get3A_415] {strides = array<i32>} : memref<64x768xf32, #tpu.memory_space<vmem>>, vector<1x16xf32>,
      %get3A_417 = vector.shape_cast %get3A_416 : vector<1x16xf32> to vector<16xf32>
      %get3A_418 = arith.index_cast %add3A_37 : i32 to index
      %get3A_419 = arith.constant 432 : index
      %get3A_420 = tpu.vector_load %arg6[%get3A_418, %get3A_419] {strides = array<i32>} : memref<64x768xf32, #tpu.memory_space<vmem>>, vector<1x16xf32>,
      %get3A_421 = vector.shape_cast %get3A_420 : vector<1x16xf32> to vector<16xf32>
      %add3A_422 = arith.addf %get3A_417, %get3A_421 : vector<16xf32>
      %swap3A_423 = arith.index_cast %add3A_37 : i32 to index
      %swap3A_424 = arith.constant 432 : index
      %swap3A_425 = tpu.vector_load %arg5[%swap3A_423, %swap3A_424] {strides = array<i32>} : memref<64x768xf32, #tpu.memory_space<vmem>>, vector<1x16xf32>,
      %swap3A_426 = vector.shape_cast %swap3A_425 : vector<1x16xf32> to vector<16xf32>
      %swap3A_427 = vector.shape_cast %add3A_422 : vector<16xf32> to vector<1x16xf32>
      tpu.vector_store %arg5[%swap3A_423, %swap3A_424], %swap3A_427 {strides = array<i32>} : memref<64x768xf32, #tpu.memory_space<vmem>>, vector<1x16xf32>,
      %get3A_428 = arith.index_cast %add3A_37 : i32 to index
      %get3A_429 = arith.constant 448 : index
      %get3A_430 = tpu.vector_load %arg5[%get3A_428, %get3A_429] {strides = array<i32>} : memref<64x768xf32, #tpu.memory_space<vmem>>, vector<1x16xf32>,
      %get3A_431 = vector.shape_cast %get3A_430 : vector<1x16xf32> to vector<16xf32>
      %get3A_432 = arith.index_cast %add3A_37 : i32 to index
      %get3A_433 = arith.constant 448 : index
      %get3A_434 = tpu.vector_load %arg6[%get3A_432, %get3A_433] {strides = array<i32>} : memref<64x768xf32, #tpu.memory_space<vmem>>, vector<1x16xf32>,
      %get3A_435 = vector.shape_cast %get3A_434 : vector<1x16xf32> to vector<16xf32>
      %add3A_436 = arith.addf %get3A_431, %get3A_435 : vector<16xf32>
      %swap3A_437 = arith.index_cast %add3A_37 : i32 to index
      %swap3A_438 = arith.constant 448 : index
      %swap3A_439 = tpu.vector_load %arg5[%swap3A_437, %swap3A_438] {strides = array<i32>} : memref<64x768xf32, #tpu.memory_space<vmem>>, vector<1x16xf32>,
      %swap3A_440 = vector.shape_cast %swap3A_439 : vector<1x16xf32> to vector<16xf32>
      %swap3A_441 = vector.shape_cast %add3A_436 : vector<16xf32> to vector<1x16xf32>
      tpu.vector_store %arg5[%swap3A_437, %swap3A_438], %swap3A_441 {strides = array<i32>} : memref<64x768xf32, #tpu.memory_space<vmem>>, vector<1x16xf32>,
      %get3A_442 = arith.index_cast %add3A_37 : i32 to index
      %get3A_443 = arith.constant 464 : index
      %get3A_444 = tpu.vector_load %arg5[%get3A_442, %get3A_443] {strides = array<i32>} : memref<64x768xf32, #tpu.memory_space<vmem>>, vector<1x16xf32>,
      %get3A_445 = vector.shape_cast %get3A_444 : vector<1x16xf32> to vector<16xf32>
      %get3A_446 = arith.index_cast %add3A_37 : i32 to index
      %get3A_447 = arith.constant 464 : index
      %get3A_448 = tpu.vector_load %arg6[%get3A_446, %get3A_447] {strides = array<i32>} : memref<64x768xf32, #tpu.memory_space<vmem>>, vector<1x16xf32>,
      %get3A_449 = vector.shape_cast %get3A_448 : vector<1x16xf32> to vector<16xf32>
      %add3A_450 = arith.addf %get3A_445, %get3A_449 : vector<16xf32>
      %swap3A_451 = arith.index_cast %add3A_37 : i32 to index
      %swap3A_452 = arith.constant 464 : index
      %swap3A_453 = tpu.vector_load %arg5[%swap3A_451, %swap3A_452] {strides = array<i32>} : memref<64x768xf32, #tpu.memory_space<vmem>>, vector<1x16xf32>,
      %swap3A_454 = vector.shape_cast %swap3A_453 : vector<1x16xf32> to vector<16xf32>
      %swap3A_455 = vector.shape_cast %add3A_450 : vector<16xf32> to vector<1x16xf32>
      tpu.vector_store %arg5[%swap3A_451, %swap3A_452], %swap3A_455 {strides = array<i32>} : memref<64x768xf32, #tpu.memory_space<vmem>>, vector<1x16xf32>,
      %get3A_456 = arith.index_cast %add3A_37 : i32 to index
      %get3A_457 = arith.constant 480 : index
      %get3A_458 = tpu.vector_load %arg5[%get3A_456, %get3A_457] {strides = array<i32>} : memref<64x768xf32, #tpu.memory_space<vmem>>, vector<1x16xf32>,
      %get3A_459 = vector.shape_cast %get3A_458 : vector<1x16xf32> to vector<16xf32>
      %get3A_460 = arith.index_cast %add3A_37 : i32 to index
      %get3A_461 = arith.constant 480 : index
      %get3A_462 = tpu.vector_load %arg6[%get3A_460, %get3A_461] {strides = array<i32>} : memref<64x768xf32, #tpu.memory_space<vmem>>, vector<1x16xf32>,
      %get3A_463 = vector.shape_cast %get3A_462 : vector<1x16xf32> to vector<16xf32>
      %add3A_464 = arith.addf %get3A_459, %get3A_463 : vector<16xf32>
      %swap3A_465 = arith.index_cast %add3A_37 : i32 to index
      %swap3A_466 = arith.constant 480 : index
      %swap3A_467 = tpu.vector_load %arg5[%swap3A_465, %swap3A_466] {strides = array<i32>} : memref<64x768xf32, #tpu.memory_space<vmem>>, vector<1x16xf32>,
      %swap3A_468 = vector.shape_cast %swap3A_467 : vector<1x16xf32> to vector<16xf32>
      %swap3A_469 = vector.shape_cast %add3A_464 : vector<16xf32> to vector<1x16xf32>
      tpu.vector_store %arg5[%swap3A_465, %swap3A_466], %swap3A_469 {strides = array<i32>} : memref<64x768xf32, #tpu.memory_space<vmem>>, vector<1x16xf32>,
      %get3A_470 = arith.index_cast %add3A_37 : i32 to index
      %get3A_471 = arith.constant 496 : index
      %get3A_472 = tpu.vector_load %arg5[%get3A_470, %get3A_471] {strides = array<i32>} : memref<64x768xf32, #tpu.memory_space<vmem>>, vector<1x16xf32>,
      %get3A_473 = vector.shape_cast %get3A_472 : vector<1x16xf32> to vector<16xf32>
      %get3A_474 = arith.index_cast %add3A_37 : i32 to index
      %get3A_475 = arith.constant 496 : index
      %get3A_476 = tpu.vector_load %arg6[%get3A_474, %get3A_475] {strides = array<i32>} : memref<64x768xf32, #tpu.memory_space<vmem>>, vector<1x16xf32>,
      %get3A_477 = vector.shape_cast %get3A_476 : vector<1x16xf32> to vector<16xf32>
      %add3A_478 = arith.addf %get3A_473, %get3A_477 : vector<16xf32>
      %swap3A_479 = arith.index_cast %add3A_37 : i32 to index
      %swap3A_480 = arith.constant 496 : index
      %swap3A_481 = tpu.vector_load %arg5[%swap3A_479, %swap3A_480] {strides = array<i32>} : memref<64x768xf32, #tpu.memory_space<vmem>>, vector<1x16xf32>,
      %swap3A_482 = vector.shape_cast %swap3A_481 : vector<1x16xf32> to vector<16xf32>
      %swap3A_483 = vector.shape_cast %add3A_478 : vector<16xf32> to vector<1x16xf32>
      tpu.vector_store %arg5[%swap3A_479, %swap3A_480], %swap3A_483 {strides = array<i32>} : memref<64x768xf32, #tpu.memory_space<vmem>>, vector<1x16xf32>,
      %get3A_484 = arith.index_cast %add3A_37 : i32 to index
      %get3A_485 = arith.constant 512 : index
      %get3A_486 = tpu.vector_load %arg5[%get3A_484, %get3A_485] {strides = array<i32>} : memref<64x768xf32, #tpu.memory_space<vmem>>, vector<1x16xf32>,
      %get3A_487 = vector.shape_cast %get3A_486 : vector<1x16xf32> to vector<16xf32>
      %get3A_488 = arith.index_cast %add3A_37 : i32 to index
      %get3A_489 = arith.constant 512 : index
      %get3A_490 = tpu.vector_load %arg6[%get3A_488, %get3A_489] {strides = array<i32>} : memref<64x768xf32, #tpu.memory_space<vmem>>, vector<1x16xf32>,
      %get3A_491 = vector.shape_cast %get3A_490 : vector<1x16xf32> to vector<16xf32>
      %add3A_492 = arith.addf %get3A_487, %get3A_491 : vector<16xf32>
      %swap3A_493 = arith.index_cast %add3A_37 : i32 to index
      %swap3A_494 = arith.constant 512 : index
      %swap3A_495 = tpu.vector_load %arg5[%swap3A_493, %swap3A_494] {strides = array<i32>} : memref<64x768xf32, #tpu.memory_space<vmem>>, vector<1x16xf32>,
      %swap3A_496 = vector.shape_cast %swap3A_495 : vector<1x16xf32> to vector<16xf32>
      %swap3A_497 = vector.shape_cast %add3A_492 : vector<16xf32> to vector<1x16xf32>
      tpu.vector_store %arg5[%swap3A_493, %swap3A_494], %swap3A_497 {strides = array<i32>} : memref<64x768xf32, #tpu.memory_space<vmem>>, vector<1x16xf32>,
      %get3A_498 = arith.index_cast %add3A_37 : i32 to index
      %get3A_499 = arith.constant 528 : index
      %get3A_500 = tpu.vector_load %arg5[%get3A_498, %get3A_499] {strides = array<i32>} : memref<64x768xf32, #tpu.memory_space<vmem>>, vector<1x16xf32>,
      %get3A_501 = vector.shape_cast %get3A_500 : vector<1x16xf32> to vector<16xf32>
      %get3A_502 = arith.index_cast %add3A_37 : i32 to index
      %get3A_503 = arith.constant 528 : index
      %get3A_504 = tpu.vector_load %arg6[%get3A_502, %get3A_503] {strides = array<i32>} : memref<64x768xf32, #tpu.memory_space<vmem>>, vector<1x16xf32>,
      %get3A_505 = vector.shape_cast %get3A_504 : vector<1x16xf32> to vector<16xf32>
      %add3A_506 = arith.addf %get3A_501, %get3A_505 : vector<16xf32>
      %swap3A_507 = arith.index_cast %add3A_37 : i32 to index
      %swap3A_508 = arith.constant 528 : index
      %swap3A_509 = tpu.vector_load %arg5[%swap3A_507, %swap3A_508] {strides = array<i32>} : memref<64x768xf32, #tpu.memory_space<vmem>>, vector<1x16xf32>,
      %swap3A_510 = vector.shape_cast %swap3A_509 : vector<1x16xf32> to vector<16xf32>
      %swap3A_511 = vector.shape_cast %add3A_506 : vector<16xf32> to vector<1x16xf32>
      tpu.vector_store %arg5[%swap3A_507, %swap3A_508], %swap3A_511 {strides = array<i32>} : memref<64x768xf32, #tpu.memory_space<vmem>>, vector<1x16xf32>,
      %get3A_512 = arith.index_cast %add3A_37 : i32 to index
      %get3A_513 = arith.constant 544 : index
      %get3A_514 = tpu.vector_load %arg5[%get3A_512, %get3A_513] {strides = array<i32>} : memref<64x768xf32, #tpu.memory_space<vmem>>, vector<1x16xf32>,
      %get3A_515 = vector.shape_cast %get3A_514 : vector<1x16xf32> to vector<16xf32>
      %get3A_516 = arith.index_cast %add3A_37 : i32 to index
      %get3A_517 = arith.constant 544 : index
      %get3A_518 = tpu.vector_load %arg6[%get3A_516, %get3A_517] {strides = array<i32>} : memref<64x768xf32, #tpu.memory_space<vmem>>, vector<1x16xf32>,
      %get3A_519 = vector.shape_cast %get3A_518 : vector<1x16xf32> to vector<16xf32>
      %add3A_520 = arith.addf %get3A_515, %get3A_519 : vector<16xf32>
      %swap3A_521 = arith.index_cast %add3A_37 : i32 to index
      %swap3A_522 = arith.constant 544 : index
      %swap3A_523 = tpu.vector_load %arg5[%swap3A_521, %swap3A_522] {strides = array<i32>} : memref<64x768xf32, #tpu.memory_space<vmem>>, vector<1x16xf32>,
      %swap3A_524 = vector.shape_cast %swap3A_523 : vector<1x16xf32> to vector<16xf32>
      %swap3A_525 = vector.shape_cast %add3A_520 : vector<16xf32> to vector<1x16xf32>
      tpu.vector_store %arg5[%swap3A_521, %swap3A_522], %swap3A_525 {strides = array<i32>} : memref<64x768xf32, #tpu.memory_space<vmem>>, vector<1x16xf32>,
      %get3A_526 = arith.index_cast %add3A_37 : i32 to index
      %get3A_527 = arith.constant 560 : index
      %get3A_528 = tpu.vector_load %arg5[%get3A_526, %get3A_527] {strides = array<i32>} : memref<64x768xf32, #tpu.memory_space<vmem>>, vector<1x16xf32>,
      %get3A_529 = vector.shape_cast %get3A_528 : vector<1x16xf32> to vector<16xf32>
      %get3A_530 = arith.index_cast %add3A_37 : i32 to index
      %get3A_531 = arith.constant 560 : index
      %get3A_532 = tpu.vector_load %arg6[%get3A_530, %get3A_531] {strides = array<i32>} : memref<64x768xf32, #tpu.memory_space<vmem>>, vector<1x16xf32>,
      %get3A_533 = vector.shape_cast %get3A_532 : vector<1x16xf32> to vector<16xf32>
      %add3A_534 = arith.addf %get3A_529, %get3A_533 : vector<16xf32>
      %swap3A_535 = arith.index_cast %add3A_37 : i32 to index
      %swap3A_536 = arith.constant 560 : index
      %swap3A_537 = tpu.vector_load %arg5[%swap3A_535, %swap3A_536] {strides = array<i32>} : memref<64x768xf32, #tpu.memory_space<vmem>>, vector<1x16xf32>,
      %swap3A_538 = vector.shape_cast %swap3A_537 : vector<1x16xf32> to vector<16xf32>
      %swap3A_539 = vector.shape_cast %add3A_534 : vector<16xf32> to vector<1x16xf32>
      tpu.vector_store %arg5[%swap3A_535, %swap3A_536], %swap3A_539 {strides = array<i32>} : memref<64x768xf32, #tpu.memory_space<vmem>>, vector<1x16xf32>,
      %get3A_540 = arith.index_cast %add3A_37 : i32 to index
      %get3A_541 = arith.constant 576 : index
      %get3A_542 = tpu.vector_load %arg5[%get3A_540, %get3A_541] {strides = array<i32>} : memref<64x768xf32, #tpu.memory_space<vmem>>, vector<1x16xf32>,
      %get3A_543 = vector.shape_cast %get3A_542 : vector<1x16xf32> to vector<16xf32>
      %get3A_544 = arith.index_cast %add3A_37 : i32 to index
      %get3A_545 = arith.constant 576 : index
      %get3A_546 = tpu.vector_load %arg6[%get3A_544, %get3A_545] {strides = array<i32>} : memref<64x768xf32, #tpu.memory_space<vmem>>, vector<1x16xf32>,
      %get3A_547 = vector.shape_cast %get3A_546 : vector<1x16xf32> to vector<16xf32>
      %add3A_548 = arith.addf %get3A_543, %get3A_547 : vector<16xf32>
      %swap3A_549 = arith.index_cast %add3A_37 : i32 to index
      %swap3A_550 = arith.constant 576 : index
      %swap3A_551 = tpu.vector_load %arg5[%swap3A_549, %swap3A_550] {strides = array<i32>} : memref<64x768xf32, #tpu.memory_space<vmem>>, vector<1x16xf32>,
      %swap3A_552 = vector.shape_cast %swap3A_551 : vector<1x16xf32> to vector<16xf32>
      %swap3A_553 = vector.shape_cast %add3A_548 : vector<16xf32> to vector<1x16xf32>
      tpu.vector_store %arg5[%swap3A_549, %swap3A_550], %swap3A_553 {strides = array<i32>} : memref<64x768xf32, #tpu.memory_space<vmem>>, vector<1x16xf32>,
      %get3A_554 = arith.index_cast %add3A_37 : i32 to index
      %get3A_555 = arith.constant 592 : index
      %get3A_556 = tpu.vector_load %arg5[%get3A_554, %get3A_555] {strides = array<i32>} : memref<64x768xf32, #tpu.memory_space<vmem>>, vector<1x16xf32>,
      %get3A_557 = vector.shape_cast %get3A_556 : vector<1x16xf32> to vector<16xf32>
      %get3A_558 = arith.index_cast %add3A_37 : i32 to index
      %get3A_559 = arith.constant 592 : index
      %get3A_560 = tpu.vector_load %arg6[%get3A_558, %get3A_559] {strides = array<i32>} : memref<64x768xf32, #tpu.memory_space<vmem>>, vector<1x16xf32>,
      %get3A_561 = vector.shape_cast %get3A_560 : vector<1x16xf32> to vector<16xf32>
      %add3A_562 = arith.addf %get3A_557, %get3A_561 : vector<16xf32>
      %swap3A_563 = arith.index_cast %add3A_37 : i32 to index
      %swap3A_564 = arith.constant 592 : index
      %swap3A_565 = tpu.vector_load %arg5[%swap3A_563, %swap3A_564] {strides = array<i32>} : memref<64x768xf32, #tpu.memory_space<vmem>>, vector<1x16xf32>,
      %swap3A_566 = vector.shape_cast %swap3A_565 : vector<1x16xf32> to vector<16xf32>
      %swap3A_567 = vector.shape_cast %add3A_562 : vector<16xf32> to vector<1x16xf32>
      tpu.vector_store %arg5[%swap3A_563, %swap3A_564], %swap3A_567 {strides = array<i32>} : memref<64x768xf32, #tpu.memory_space<vmem>>, vector<1x16xf32>,
      %get3A_568 = arith.index_cast %add3A_37 : i32 to index
      %get3A_569 = arith.constant 608 : index
      %get3A_570 = tpu.vector_load %arg5[%get3A_568, %get3A_569] {strides = array<i32>} : memref<64x768xf32, #tpu.memory_space<vmem>>, vector<1x16xf32>,
      %get3A_571 = vector.shape_cast %get3A_570 : vector<1x16xf32> to vector<16xf32>
      %get3A_572 = arith.index_cast %add3A_37 : i32 to index
      %get3A_573 = arith.constant 608 : index
      %get3A_574 = tpu.vector_load %arg6[%get3A_572, %get3A_573] {strides = array<i32>} : memref<64x768xf32, #tpu.memory_space<vmem>>, vector<1x16xf32>,
      %get3A_575 = vector.shape_cast %get3A_574 : vector<1x16xf32> to vector<16xf32>
      %add3A_576 = arith.addf %get3A_571, %get3A_575 : vector<16xf32>
      %swap3A_577 = arith.index_cast %add3A_37 : i32 to index
      %swap3A_578 = arith.constant 608 : index
      %swap3A_579 = tpu.vector_load %arg5[%swap3A_577, %swap3A_578] {strides = array<i32>} : memref<64x768xf32, #tpu.memory_space<vmem>>, vector<1x16xf32>,
      %swap3A_580 = vector.shape_cast %swap3A_579 : vector<1x16xf32> to vector<16xf32>
      %swap3A_581 = vector.shape_cast %add3A_576 : vector<16xf32> to vector<1x16xf32>
      tpu.vector_store %arg5[%swap3A_577, %swap3A_578], %swap3A_581 {strides = array<i32>} : memref<64x768xf32, #tpu.memory_space<vmem>>, vector<1x16xf32>,
      %get3A_582 = arith.index_cast %add3A_37 : i32 to index
      %get3A_583 = arith.constant 624 : index
      %get3A_584 = tpu.vector_load %arg5[%get3A_582, %get3A_583] {strides = array<i32>} : memref<64x768xf32, #tpu.memory_space<vmem>>, vector<1x16xf32>,
      %get3A_585 = vector.shape_cast %get3A_584 : vector<1x16xf32> to vector<16xf32>
      %get3A_586 = arith.index_cast %add3A_37 : i32 to index
      %get3A_587 = arith.constant 624 : index
      %get3A_588 = tpu.vector_load %arg6[%get3A_586, %get3A_587] {strides = array<i32>} : memref<64x768xf32, #tpu.memory_space<vmem>>, vector<1x16xf32>,
      %get3A_589 = vector.shape_cast %get3A_588 : vector<1x16xf32> to vector<16xf32>
      %add3A_590 = arith.addf %get3A_585, %get3A_589 : vector<16xf32>
      %swap3A_591 = arith.index_cast %add3A_37 : i32 to index
      %swap3A_592 = arith.constant 624 : index
      %swap3A_593 = tpu.vector_load %arg5[%swap3A_591, %swap3A_592] {strides = array<i32>} : memref<64x768xf32, #tpu.memory_space<vmem>>, vector<1x16xf32>,
      %swap3A_594 = vector.shape_cast %swap3A_593 : vector<1x16xf32> to vector<16xf32>
      %swap3A_595 = vector.shape_cast %add3A_590 : vector<16xf32> to vector<1x16xf32>
      tpu.vector_store %arg5[%swap3A_591, %swap3A_592], %swap3A_595 {strides = array<i32>} : memref<64x768xf32, #tpu.memory_space<vmem>>, vector<1x16xf32>,
      %get3A_596 = arith.index_cast %add3A_37 : i32 to index
      %get3A_597 = arith.constant 640 : index
      %get3A_598 = tpu.vector_load %arg5[%get3A_596, %get3A_597] {strides = array<i32>} : memref<64x768xf32, #tpu.memory_space<vmem>>, vector<1x16xf32>,
      %get3A_599 = vector.shape_cast %get3A_598 : vector<1x16xf32> to vector<16xf32>
      %get3A_600 = arith.index_cast %add3A_37 : i32 to index
      %get3A_601 = arith.constant 640 : index
      %get3A_602 = tpu.vector_load %arg6[%get3A_600, %get3A_601] {strides = array<i32>} : memref<64x768xf32, #tpu.memory_space<vmem>>, vector<1x16xf32>,
      %get3A_603 = vector.shape_cast %get3A_602 : vector<1x16xf32> to vector<16xf32>
      %add3A_604 = arith.addf %get3A_599, %get3A_603 : vector<16xf32>
      %swap3A_605 = arith.index_cast %add3A_37 : i32 to index
      %swap3A_606 = arith.constant 640 : index
      %swap3A_607 = tpu.vector_load %arg5[%swap3A_605, %swap3A_606] {strides = array<i32>} : memref<64x768xf32, #tpu.memory_space<vmem>>, vector<1x16xf32>,
      %swap3A_608 = vector.shape_cast %swap3A_607 : vector<1x16xf32> to vector<16xf32>
      %swap3A_609 = vector.shape_cast %add3A_604 : vector<16xf32> to vector<1x16xf32>
      tpu.vector_store %arg5[%swap3A_605, %swap3A_606], %swap3A_609 {strides = array<i32>} : memref<64x768xf32, #tpu.memory_space<vmem>>, vector<1x16xf32>,
      %get3A_610 = arith.index_cast %add3A_37 : i32 to index
      %get3A_611 = arith.constant 656 : index
      %get3A_612 = tpu.vector_load %arg5[%get3A_610, %get3A_611] {strides = array<i32>} : memref<64x768xf32, #tpu.memory_space<vmem>>, vector<1x16xf32>,
      %get3A_613 = vector.shape_cast %get3A_612 : vector<1x16xf32> to vector<16xf32>
      %get3A_614 = arith.index_cast %add3A_37 : i32 to index
      %get3A_615 = arith.constant 656 : index
      %get3A_616 = tpu.vector_load %arg6[%get3A_614, %get3A_615] {strides = array<i32>} : memref<64x768xf32, #tpu.memory_space<vmem>>, vector<1x16xf32>,
      %get3A_617 = vector.shape_cast %get3A_616 : vector<1x16xf32> to vector<16xf32>
      %add3A_618 = arith.addf %get3A_613, %get3A_617 : vector<16xf32>
      %swap3A_619 = arith.index_cast %add3A_37 : i32 to index
      %swap3A_620 = arith.constant 656 : index
      %swap3A_621 = tpu.vector_load %arg5[%swap3A_619, %swap3A_620] {strides = array<i32>} : memref<64x768xf32, #tpu.memory_space<vmem>>, vector<1x16xf32>,
      %swap3A_622 = vector.shape_cast %swap3A_621 : vector<1x16xf32> to vector<16xf32>
      %swap3A_623 = vector.shape_cast %add3A_618 : vector<16xf32> to vector<1x16xf32>
      tpu.vector_store %arg5[%swap3A_619, %swap3A_620], %swap3A_623 {strides = array<i32>} : memref<64x768xf32, #tpu.memory_space<vmem>>, vector<1x16xf32>,
      %get3A_624 = arith.index_cast %add3A_37 : i32 to index
      %get3A_625 = arith.constant 672 : index
      %get3A_626 = tpu.vector_load %arg5[%get3A_624, %get3A_625] {strides = array<i32>} : memref<64x768xf32, #tpu.memory_space<vmem>>, vector<1x16xf32>,
      %get3A_627 = vector.shape_cast %get3A_626 : vector<1x16xf32> to vector<16xf32>
      %get3A_628 = arith.index_cast %add3A_37 : i32 to index
      %get3A_629 = arith.constant 672 : index
      %get3A_630 = tpu.vector_load %arg6[%get3A_628, %get3A_629] {strides = array<i32>} : memref<64x768xf32, #tpu.memory_space<vmem>>, vector<1x16xf32>,
      %get3A_631 = vector.shape_cast %get3A_630 : vector<1x16xf32> to vector<16xf32>
      %add3A_632 = arith.addf %get3A_627, %get3A_631 : vector<16xf32>
      %swap3A_633 = arith.index_cast %add3A_37 : i32 to index
      %swap3A_634 = arith.constant 672 : index
      %swap3A_635 = tpu.vector_load %arg5[%swap3A_633, %swap3A_634] {strides = array<i32>} : memref<64x768xf32, #tpu.memory_space<vmem>>, vector<1x16xf32>,
      %swap3A_636 = vector.shape_cast %swap3A_635 : vector<1x16xf32> to vector<16xf32>
      %swap3A_637 = vector.shape_cast %add3A_632 : vector<16xf32> to vector<1x16xf32>
      tpu.vector_store %arg5[%swap3A_633, %swap3A_634], %swap3A_637 {strides = array<i32>} : memref<64x768xf32, #tpu.memory_space<vmem>>, vector<1x16xf32>,
      %get3A_638 = arith.index_cast %add3A_37 : i32 to index
      %get3A_639 = arith.constant 688 : index
      %get3A_640 = tpu.vector_load %arg5[%get3A_638, %get3A_639] {strides = array<i32>} : memref<64x768xf32, #tpu.memory_space<vmem>>, vector<1x16xf32>,
      %get3A_641 = vector.shape_cast %get3A_640 : vector<1x16xf32> to vector<16xf32>
      %get3A_642 = arith.index_cast %add3A_37 : i32 to index
      %get3A_643 = arith.constant 688 : index
      %get3A_644 = tpu.vector_load %arg6[%get3A_642, %get3A_643] {strides = array<i32>} : memref<64x768xf32, #tpu.memory_space<vmem>>, vector<1x16xf32>,
      %get3A_645 = vector.shape_cast %get3A_644 : vector<1x16xf32> to vector<16xf32>
      %add3A_646 = arith.addf %get3A_641, %get3A_645 : vector<16xf32>
      %swap3A_647 = arith.index_cast %add3A_37 : i32 to index
      %swap3A_648 = arith.constant 688 : index
      %swap3A_649 = tpu.vector_load %arg5[%swap3A_647, %swap3A_648] {strides = array<i32>} : memref<64x768xf32, #tpu.memory_space<vmem>>, vector<1x16xf32>,
      %swap3A_650 = vector.shape_cast %swap3A_649 : vector<1x16xf32> to vector<16xf32>
      %swap3A_651 = vector.shape_cast %add3A_646 : vector<16xf32> to vector<1x16xf32>
      tpu.vector_store %arg5[%swap3A_647, %swap3A_648], %swap3A_651 {strides = array<i32>} : memref<64x768xf32, #tpu.memory_space<vmem>>, vector<1x16xf32>,
      %get3A_652 = arith.index_cast %add3A_37 : i32 to index
      %get3A_653 = arith.constant 704 : index
      %get3A_654 = tpu.vector_load %arg5[%get3A_652, %get3A_653] {strides = array<i32>} : memref<64x768xf32, #tpu.memory_space<vmem>>, vector<1x16xf32>,
      %get3A_655 = vector.shape_cast %get3A_654 : vector<1x16xf32> to vector<16xf32>
      %get3A_656 = arith.index_cast %add3A_37 : i32 to index
      %get3A_657 = arith.constant 704 : index
      %get3A_658 = tpu.vector_load %arg6[%get3A_656, %get3A_657] {strides = array<i32>} : memref<64x768xf32, #tpu.memory_space<vmem>>, vector<1x16xf32>,
      %get3A_659 = vector.shape_cast %get3A_658 : vector<1x16xf32> to vector<16xf32>
      %add3A_660 = arith.addf %get3A_655, %get3A_659 : vector<16xf32>
      %swap3A_661 = arith.index_cast %add3A_37 : i32 to index
      %swap3A_662 = arith.constant 704 : index
      %swap3A_663 = tpu.vector_load %arg5[%swap3A_661, %swap3A_662] {strides = array<i32>} : memref<64x768xf32, #tpu.memory_space<vmem>>, vector<1x16xf32>,
      %swap3A_664 = vector.shape_cast %swap3A_663 : vector<1x16xf32> to vector<16xf32>
      %swap3A_665 = vector.shape_cast %add3A_660 : vector<16xf32> to vector<1x16xf32>
      tpu.vector_store %arg5[%swap3A_661, %swap3A_662], %swap3A_665 {strides = array<i32>} : memref<64x768xf32, #tpu.memory_space<vmem>>, vector<1x16xf32>,
      %get3A_666 = arith.index_cast %add3A_37 : i32 to index
      %get3A_667 = arith.constant 720 : index
      %get3A_668 = tpu.vector_load %arg5[%get3A_666, %get3A_667] {strides = array<i32>} : memref<64x768xf32, #tpu.memory_space<vmem>>, vector<1x16xf32>,
      %get3A_669 = vector.shape_cast %get3A_668 : vector<1x16xf32> to vector<16xf32>
      %get3A_670 = arith.index_cast %add3A_37 : i32 to index
      %get3A_671 = arith.constant 720 : index
      %get3A_672 = tpu.vector_load %arg6[%get3A_670, %get3A_671] {strides = array<i32>} : memref<64x768xf32, #tpu.memory_space<vmem>>, vector<1x16xf32>,
      %get3A_673 = vector.shape_cast %get3A_672 : vector<1x16xf32> to vector<16xf32>
      %add3A_674 = arith.addf %get3A_669, %get3A_673 : vector<16xf32>
      %swap3A_675 = arith.index_cast %add3A_37 : i32 to index
      %swap3A_676 = arith.constant 720 : index
      %swap3A_677 = tpu.vector_load %arg5[%swap3A_675, %swap3A_676] {strides = array<i32>} : memref<64x768xf32, #tpu.memory_space<vmem>>, vector<1x16xf32>,
      %swap3A_678 = vector.shape_cast %swap3A_677 : vector<1x16xf32> to vector<16xf32>
      %swap3A_679 = vector.shape_cast %add3A_674 : vector<16xf32> to vector<1x16xf32>
      tpu.vector_store %arg5[%swap3A_675, %swap3A_676], %swap3A_679 {strides = array<i32>} : memref<64x768xf32, #tpu.memory_space<vmem>>, vector<1x16xf32>,
      %get3A_680 = arith.index_cast %add3A_37 : i32 to index
      %get3A_681 = arith.constant 736 : index
      %get3A_682 = tpu.vector_load %arg5[%get3A_680, %get3A_681] {strides = array<i32>} : memref<64x768xf32, #tpu.memory_space<vmem>>, vector<1x16xf32>,
      %get3A_683 = vector.shape_cast %get3A_682 : vector<1x16xf32> to vector<16xf32>
      %get3A_684 = arith.index_cast %add3A_37 : i32 to index
      %get3A_685 = arith.constant 736 : index
      %get3A_686 = tpu.vector_load %arg6[%get3A_684, %get3A_685] {strides = array<i32>} : memref<64x768xf32, #tpu.memory_space<vmem>>, vector<1x16xf32>,
      %get3A_687 = vector.shape_cast %get3A_686 : vector<1x16xf32> to vector<16xf32>
      %add3A_688 = arith.addf %get3A_683, %get3A_687 : vector<16xf32>
      %swap3A_689 = arith.index_cast %add3A_37 : i32 to index
      %swap3A_690 = arith.constant 736 : index
      %swap3A_691 = tpu.vector_load %arg5[%swap3A_689, %swap3A_690] {strides = array<i32>} : memref<64x768xf32, #tpu.memory_space<vmem>>, vector<1x16xf32>,
      %swap3A_692 = vector.shape_cast %swap3A_691 : vector<1x16xf32> to vector<16xf32>
      %swap3A_693 = vector.shape_cast %add3A_688 : vector<16xf32> to vector<1x16xf32>
      tpu.vector_store %arg5[%swap3A_689, %swap3A_690], %swap3A_693 {strides = array<i32>} : memref<64x768xf32, #tpu.memory_space<vmem>>, vector<1x16xf32>,
      %get3A_694 = arith.index_cast %add3A_37 : i32 to index
      %get3A_695 = arith.constant 752 : index
      %get3A_696 = tpu.vector_load %arg5[%get3A_694, %get3A_695] {strides = array<i32>} : memref<64x768xf32, #tpu.memory_space<vmem>>, vector<1x16xf32>,
      %get3A_697 = vector.shape_cast %get3A_696 : vector<1x16xf32> to vector<16xf32>
      %get3A_698 = arith.index_cast %add3A_37 : i32 to index
      %get3A_699 = arith.constant 752 : index
      %get3A_700 = tpu.vector_load %arg6[%get3A_698, %get3A_699] {strides = array<i32>} : memref<64x768xf32, #tpu.memory_space<vmem>>, vector<1x16xf32>,
      %get3A_701 = vector.shape_cast %get3A_700 : vector<1x16xf32> to vector<16xf32>
      %add3A_702 = arith.addf %get3A_697, %get3A_701 : vector<16xf32>
      %swap3A_703 = arith.index_cast %add3A_37 : i32 to index
      %swap3A_704 = arith.constant 752 : index
      %swap3A_705 = tpu.vector_load %arg5[%swap3A_703, %swap3A_704] {strides = array<i32>} : memref<64x768xf32, #tpu.memory_space<vmem>>, vector<1x16xf32>,
      %swap3A_706 = vector.shape_cast %swap3A_705 : vector<1x16xf32> to vector<16xf32>
      %swap3A_707 = vector.shape_cast %add3A_702 : vector<16xf32> to vector<1x16xf32>
      tpu.vector_store %arg5[%swap3A_703, %swap3A_704], %swap3A_707 {strides = array<i32>} : memref<64x768xf32, #tpu.memory_space<vmem>>, vector<1x16xf32>,
    }
    %scan3A_30 = arith.constant 64 : i32
    %mul3A_31 = arith.constant 64 : i32
    %mul3A_32 = arith.muli %add3A, %mul3A_31 : i32
    "tpu.region"() ({
      %run_scoped3A = tpu.sem_alloc : memref<!tpu.dma_semaphore, #tpu.memory_space<semaphore_mem>>
      %dma_start3A_33 = arith.constant 0 : i32
      %dma_start3A_34 = tpu.memref_slice %arg4[%mul3A_32, %dma_start3A_33] : memref<2048x768xf32, #tpu.memory_space<hbm>> -> memref<64x768xf32, #tpu.memory_space<hbm>>
      %dma_start3A_35 = arith.constant 0 : i32
      %dma_start3A_36 = tpu.memref_slice %arg4[%mul3A_32, %dma_start3A_35] : memref<2048x768xf32, #tpu.memory_space<hbm>> -> memref<64x768xf32, #tpu.memory_space<hbm>>
      tpu.enqueue_dma source(%arg5 : memref<64x768xf32, #tpu.memory_space<vmem>>) target(%dma_start3A_36 : memref<64x768xf32, #tpu.memory_space<hbm>>) target_semaphore(%run_scoped3A : memref<!tpu.dma_semaphore, #tpu.memory_space<semaphore_mem>>)
      %dma_wait3A_37 = arith.constant 0 : i32
      %dma_wait3A_38 = tpu.memref_slice %arg4[%mul3A_32, %dma_wait3A_37] : memref<2048x768xf32, #tpu.memory_space<hbm>> -> memref<64x768xf32, #tpu.memory_space<hbm>>
      %dma_wait3A_39 = arith.constant 0 : i32
      %dma_wait3A_40 = tpu.memref_slice %arg4[%mul3A_32, %dma_wait3A_39] : memref<2048x768xf32, #tpu.memory_space<hbm>> -> memref<64x768xf32, #tpu.memory_space<hbm>>
      tpu.wait_dma2 semaphore(%run_scoped3A : memref<!tpu.dma_semaphore, #tpu.memory_space<semaphore_mem>>) src(%arg5 : memref<64x768xf32, #tpu.memory_space<vmem>>) dst(%dma_wait3A_40 : memref<64x768xf32, #tpu.memory_space<hbm>>)
      tpu.yield
    }) : () -> ()
    return
  }
}

module attributes {stable_mosaic.version = 14 : i64} {
  func.func @_gate_route_body(%arg0: memref<2048x768xf32, #tpu.memory_space<vmem>>, %arg1: memref<768x384xf32, #tpu.memory_space<vmem>>, %arg2: memref<384xf32, #tpu.memory_space<vmem>>, %arg3: memref<384x192xf32, #tpu.memory_space<vmem>>, %arg4: memref<192xf32, #tpu.memory_space<vmem>>, %arg5: memref<192x8xf32, #tpu.memory_space<vmem>>, %arg6: memref<8xf32, #tpu.memory_space<vmem>>, %arg7: memref<768x8xf32, #tpu.memory_space<vmem>>, %arg8: memref<8xf32, #tpu.memory_space<vmem>>, %arg9: memref<2048x1xi32, #tpu.memory_space<vmem>>, %arg10: memref<2048x1xi32, #tpu.memory_space<vmem>>, %arg11: memref<2048x128xf32, #tpu.memory_space<vmem>>, %arg12: memref<2048x128xf32, #tpu.memory_space<vmem>>, %arg13: memref<16x1xi32, #tpu.memory_space<vmem>>) attributes {dimension_semantics = [], scalar_prefetch = 0 : i64, scratch_operands = 0 : i64, tpu.core_type = #tpu.core_type<tc>} {
    %get3A = arith.constant 0 : index
    %get3A_0 = arith.constant 0 : index
    %get3A_1 = vector.load %arg0[%get3A, %get3A_0] : memref<2048x768xf32, #tpu.memory_space<vmem>>, vector<2048x768xf32>
    %get3A_2 = arith.constant 0 : index
    %get3A_3 = arith.constant 0 : index
    %get3A_4 = vector.load %arg1[%get3A_2, %get3A_3] : memref<768x384xf32, #tpu.memory_space<vmem>>, vector<768x384xf32>
    %convert_element_type3A = arith.truncf %get3A_1 : vector<2048x768xf32> to vector<2048x768xbf16>
    %convert_element_type3A_5 = arith.truncf %get3A_4 : vector<768x384xf32> to vector<768x384xbf16>
    %dot_general3A = arith.constant dense<0.000000e+00> : vector<2048x384xf32>
    %dot_general3A_6 = tpu.matmul %convert_element_type3A, %convert_element_type3A_5, %dot_general3A {dimension_numbers = #tpu.dot_dimension_numbers<[1], [0], [0], [1], [0, 0, 1, 1], [], []>, transpose_lhs_hint = false} : vector<2048x768xbf16>, vector<768x384xbf16>, vector<2048x384xf32> -> vector<2048x384xf32>
    %get3A_7 = arith.constant 0 : index
    %get3A_8 = vector.load %arg2[%get3A_7] : memref<384xf32, #tpu.memory_space<vmem>>, vector<384xf32>
    %broadcast_in_dim3A = vector.shape_cast %get3A_8 : vector<384xf32> to vector<1x384xf32>
    %add3A = vector.broadcast %broadcast_in_dim3A : vector<1x384xf32> to vector<2048x384xf32>
    %add3A_9 = arith.addf %dot_general3A_6, %add3A : vector<2048x384xf32>
    %max3A = arith.constant 0.000000e+00 : f32
    %max3A_10 = vector.broadcast %max3A : f32 to vector<2048x384xf32>
    %max3A_11 = arith.maximumf %add3A_9, %max3A_10 : vector<2048x384xf32>
    %get3A_12 = arith.constant 0 : index
    %get3A_13 = arith.constant 0 : index
    %get3A_14 = vector.load %arg3[%get3A_12, %get3A_13] : memref<384x192xf32, #tpu.memory_space<vmem>>, vector<384x192xf32>
    %convert_element_type3A_15 = arith.truncf %max3A_11 : vector<2048x384xf32> to vector<2048x384xbf16>
    %convert_element_type3A_16 = arith.truncf %get3A_14 : vector<384x192xf32> to vector<384x192xbf16>
    %dot_general3A_17 = arith.constant dense<0.000000e+00> : vector<2048x192xf32>
    %dot_general3A_18 = tpu.matmul %convert_element_type3A_15, %convert_element_type3A_16, %dot_general3A_17 {dimension_numbers = #tpu.dot_dimension_numbers<[1], [0], [0], [1], [0, 0, 1, 1], [], []>, transpose_lhs_hint = false} : vector<2048x384xbf16>, vector<384x192xbf16>, vector<2048x192xf32> -> vector<2048x192xf32>
    %get3A_19 = arith.constant 0 : index
    %get3A_20 = vector.load %arg4[%get3A_19] : memref<192xf32, #tpu.memory_space<vmem>>, vector<192xf32>
    %broadcast_in_dim3A_21 = vector.shape_cast %get3A_20 : vector<192xf32> to vector<1x192xf32>
    %add3A_22 = vector.broadcast %broadcast_in_dim3A_21 : vector<1x192xf32> to vector<2048x192xf32>
    %add3A_23 = arith.addf %dot_general3A_18, %add3A_22 : vector<2048x192xf32>
    %max3A_24 = arith.constant 0.000000e+00 : f32
    %max3A_25 = vector.broadcast %max3A_24 : f32 to vector<2048x192xf32>
    %max3A_26 = arith.maximumf %add3A_23, %max3A_25 : vector<2048x192xf32>
    %get3A_27 = arith.constant 0 : index
    %get3A_28 = arith.constant 0 : index
    %get3A_29 = vector.load %arg5[%get3A_27, %get3A_28] : memref<192x8xf32, #tpu.memory_space<vmem>>, vector<192x8xf32>
    %convert_element_type3A_30 = arith.truncf %max3A_26 : vector<2048x192xf32> to vector<2048x192xbf16>
    %convert_element_type3A_31 = arith.truncf %get3A_29 : vector<192x8xf32> to vector<192x8xbf16>
    %dot_general3A_32 = arith.constant dense<0.000000e+00> : vector<2048x8xf32>
    %dot_general3A_33 = tpu.matmul %convert_element_type3A_30, %convert_element_type3A_31, %dot_general3A_32 {dimension_numbers = #tpu.dot_dimension_numbers<[1], [0], [0], [1], [0, 0, 1, 1], [], []>, transpose_lhs_hint = false} : vector<2048x192xbf16>, vector<192x8xbf16>, vector<2048x8xf32> -> vector<2048x8xf32>
    %get3A_34 = arith.constant 0 : index
    %get3A_35 = vector.load %arg6[%get3A_34] : memref<8xf32, #tpu.memory_space<vmem>>, vector<8xf32>
    %broadcast_in_dim3A_36 = vector.shape_cast %get3A_35 : vector<8xf32> to vector<1x8xf32>
    %add3A_37 = vector.broadcast %broadcast_in_dim3A_36 : vector<1x8xf32> to vector<2048x8xf32>
    %add3A_38 = arith.addf %dot_general3A_33, %add3A_37 : vector<2048x8xf32>
    %get3A_39 = arith.constant 0 : index
    %get3A_40 = arith.constant 0 : index
    %get3A_41 = vector.load %arg7[%get3A_39, %get3A_40] : memref<768x8xf32, #tpu.memory_space<vmem>>, vector<768x8xf32>
    %convert_element_type3A_42 = arith.truncf %get3A_1 : vector<2048x768xf32> to vector<2048x768xbf16>
    %convert_element_type3A_43 = arith.truncf %get3A_41 : vector<768x8xf32> to vector<768x8xbf16>
    %dot_general3A_44 = arith.constant dense<0.000000e+00> : vector<2048x8xf32>
    %dot_general3A_45 = tpu.matmul %convert_element_type3A_42, %convert_element_type3A_43, %dot_general3A_44 {dimension_numbers = #tpu.dot_dimension_numbers<[1], [0], [0], [1], [0, 0, 1, 1], [], []>, transpose_lhs_hint = false} : vector<2048x768xbf16>, vector<768x8xbf16>, vector<2048x8xf32> -> vector<2048x8xf32>
    %get3A_46 = arith.constant 0 : index
    %get3A_47 = vector.load %arg8[%get3A_46] : memref<8xf32, #tpu.memory_space<vmem>>, vector<8xf32>
    %broadcast_in_dim3A_48 = vector.shape_cast %get3A_47 : vector<8xf32> to vector<1x8xf32>
    %add3A_49 = vector.broadcast %broadcast_in_dim3A_48 : vector<1x8xf32> to vector<2048x8xf32>
    %add3A_50 = arith.addf %dot_general3A_45, %add3A_49 : vector<2048x8xf32>
    %mul3A = arith.constant 1.000000e-01 : f32
    %mul3A_51 = vector.broadcast %mul3A : f32 to vector<2048x8xf32>
    %mul3A_52 = arith.mulf %add3A_50, %mul3A_51 : vector<2048x8xf32>
    %add3A_53 = arith.addf %add3A_38, %mul3A_52 : vector<2048x8xf32>
    %reduce_max3A = arith.constant dense<0xFF800000> : vector<2048xf32>
    %reduce_max3A_54 = vector.multi_reduction <maximumf>, %add3A_53, %reduce_max3A [1] : vector<2048x8xf32> to vector<2048xf32>
    %max3A_55 = arith.constant 0xFF800000 : f32
    %max3A_56 = vector.broadcast %max3A_55 : f32 to vector<2048xf32>
    %max3A_57 = arith.maximumf %max3A_56, %reduce_max3A_54 : vector<2048xf32>
    %broadcast_in_dim3A_58 = vector.shape_cast %max3A_57 : vector<2048xf32> to vector<2048x1xf32>
    %sub3A = vector.broadcast %broadcast_in_dim3A_58 : vector<2048x1xf32> to vector<2048x8xf32>
    %sub3A_59 = arith.subf %add3A_53, %sub3A : vector<2048x8xf32>
    %exp3A = math.exp %sub3A_59 : vector<2048x8xf32>
    %reduce_sum3A = arith.constant dense<0.000000e+00> : vector<2048xf32>
    %reduce_sum3A_60 = vector.multi_reduction <add>, %exp3A, %reduce_sum3A [1] : vector<2048x8xf32> to vector<2048xf32>
    %broadcast_in_dim3A_61 = vector.shape_cast %reduce_sum3A_60 : vector<2048xf32> to vector<2048x1xf32>
    %div3A = vector.broadcast %broadcast_in_dim3A_61 : vector<2048x1xf32> to vector<2048x8xf32>
    %div3A_62 = arith.divf %exp3A, %div3A : vector<2048x8xf32>
    %iota3A = tpu.iota {dimensions = array<i32: 1>} : vector<2048x8xi32>
    %reduce_max3A_63 = arith.constant dense<0xFF800000> : vector<2048xf32>
    %reduce_max3A_64 = vector.multi_reduction <maximumf>, %div3A_62, %reduce_max3A_63 [1] : vector<2048x8xf32> to vector<2048xf32>
    %broadcast_in_dim3A_65 = vector.shape_cast %reduce_max3A_64 : vector<2048xf32> to vector<2048x1xf32>
    %eq3A = vector.broadcast %broadcast_in_dim3A_65 : vector<2048x1xf32> to vector<2048x8xf32>
    %eq3A_66 = arith.cmpf oeq, %div3A_62, %eq3A : vector<2048x8xf32>
    %jit3A = arith.constant 8 : i32
    %broadcast_in_dim3A_67 = vector.broadcast %jit3A : i32 to vector<2048x8xi32>
    %select_n3A = arith.select %eq3A_66, %iota3A, %broadcast_in_dim3A_67 : vector<2048x8xi1>, vector<2048x8xi32>
    %reduce_min3A = arith.constant dense<2147483647> : vector<2048xi32>
    %reduce_min3A_68 = vector.multi_reduction <minsi>, %select_n3A, %reduce_min3A [1] : vector<2048x8xi32> to vector<2048xi32>
    %broadcast_in_dim3A_69 = vector.shape_cast %reduce_min3A_68 : vector<2048xi32> to vector<2048x1xi32>
    %eq3A_70 = vector.broadcast %broadcast_in_dim3A_69 : vector<2048x1xi32> to vector<2048x8xi32>
    %eq3A_71 = arith.cmpi eq, %iota3A, %eq3A_70 : vector<2048x8xi32>
    %jit3A_72 = arith.constant 0xFF800000 : f32
    %broadcast_in_dim3A_73 = vector.broadcast %jit3A_72 : f32 to vector<2048x8xf32>
    %select_n3A_74 = arith.select %eq3A_71, %broadcast_in_dim3A_73, %div3A_62 : vector<2048x8xi1>, vector<2048x8xf32>
    %reduce_max3A_75 = arith.constant dense<0xFF800000> : vector<2048xf32>
    %reduce_max3A_76 = vector.multi_reduction <maximumf>, %select_n3A_74, %reduce_max3A_75 [1] : vector<2048x8xf32> to vector<2048xf32>
    %broadcast_in_dim3A_77 = vector.shape_cast %reduce_max3A_76 : vector<2048xf32> to vector<2048x1xf32>
    %eq3A_78 = vector.broadcast %broadcast_in_dim3A_77 : vector<2048x1xf32> to vector<2048x8xf32>
    %eq3A_79 = arith.cmpf oeq, %select_n3A_74, %eq3A_78 : vector<2048x8xf32>
    %jit3A_80 = arith.constant 8 : i32
    %broadcast_in_dim3A_81 = vector.broadcast %jit3A_80 : i32 to vector<2048x8xi32>
    %select_n3A_82 = arith.select %eq3A_79, %iota3A, %broadcast_in_dim3A_81 : vector<2048x8xi1>, vector<2048x8xi32>
    %reduce_min3A_83 = arith.constant dense<2147483647> : vector<2048xi32>
    %reduce_min3A_84 = vector.multi_reduction <minsi>, %select_n3A_82, %reduce_min3A_83 [1] : vector<2048x8xi32> to vector<2048xi32>
    %broadcast_in_dim3A_85 = vector.shape_cast %reduce_min3A_84 : vector<2048xi32> to vector<2048x1xi32>
    %sub3A_86 = arith.subf %broadcast_in_dim3A_77, %broadcast_in_dim3A_65 : vector<2048x1xf32>
    %exp3A_87 = math.exp %sub3A_86 : vector<2048x1xf32>
    %add3A_88 = arith.constant 1.000000e+00 : f32
    %add3A_89 = vector.broadcast %add3A_88 : f32 to vector<2048x1xf32>
    %add3A_90 = arith.addf %add3A_89, %exp3A_87 : vector<2048x1xf32>
    %div3A_91 = arith.constant 1.000000e+00 : f32
    %div3A_92 = vector.broadcast %div3A_91 : f32 to vector<2048x1xf32>
    %div3A_93 = arith.divf %div3A_92, %add3A_90 : vector<2048x1xf32>
    %add3A_94 = arith.constant 1.000000e+00 : f32
    %add3A_95 = vector.broadcast %add3A_94 : f32 to vector<2048x1xf32>
    %add3A_96 = arith.addf %add3A_95, %exp3A_87 : vector<2048x1xf32>
    %div3A_97 = arith.divf %exp3A_87, %add3A_96 : vector<2048x1xf32>
    %gt3A = arith.constant 0.00999999977 : f32
    %gt3A_98 = vector.broadcast %gt3A : f32 to vector<2048x1xf32>
    %gt3A_99 = arith.cmpf ogt, %div3A_93, %gt3A_98 : vector<2048x1xf32>
    %jit3A_100 = arith.constant 0.000000e+00 : f32
    %broadcast_in_dim3A_101 = vector.broadcast %jit3A_100 : f32 to vector<2048x1xf32>
    %select_n3A_102 = arith.select %gt3A_99, %div3A_93, %broadcast_in_dim3A_101 : vector<2048x1xi1>, vector<2048x1xf32>
    %gt3A_103 = arith.constant 0.00999999977 : f32
    %gt3A_104 = vector.broadcast %gt3A_103 : f32 to vector<2048x1xf32>
    %gt3A_105 = arith.cmpf ogt, %div3A_97, %gt3A_104 : vector<2048x1xf32>
    %jit3A_106 = arith.constant 0.000000e+00 : f32
    %broadcast_in_dim3A_107 = vector.broadcast %jit3A_106 : f32 to vector<2048x1xf32>
    %select_n3A_108 = arith.select %gt3A_105, %div3A_97, %broadcast_in_dim3A_107 : vector<2048x1xi1>, vector<2048x1xf32>
    %eq3A_109 = vector.broadcast %broadcast_in_dim3A_69 : vector<2048x1xi32> to vector<2048x8xi32>
    %eq3A_110 = arith.cmpi eq, %iota3A, %eq3A_109 : vector<2048x8xi32>
    %convert_element_type3A_111 = arith.extui %eq3A_110 : vector<2048x8xi1> to vector<2048x8xi32>
    %convert_element_type3A_112 = arith.sitofp %convert_element_type3A_111 : vector<2048x8xi32> to vector<2048x8xf32>
    %convert_element_type3A_113 = arith.truncf %convert_element_type3A_112 : vector<2048x8xf32> to vector<2048x8xbf16>
    %eq3A_114 = vector.broadcast %broadcast_in_dim3A_85 : vector<2048x1xi32> to vector<2048x8xi32>
    %eq3A_115 = arith.cmpi eq, %iota3A, %eq3A_114 : vector<2048x8xi32>
    %convert_element_type3A_116 = arith.extui %eq3A_115 : vector<2048x8xi1> to vector<2048x8xi32>
    %convert_element_type3A_117 = arith.sitofp %convert_element_type3A_116 : vector<2048x8xi32> to vector<2048x8xf32>
    %convert_element_type3A_118 = arith.truncf %convert_element_type3A_117 : vector<2048x8xf32> to vector<2048x8xbf16>
    %concatenate3A = tpu.concatenate %convert_element_type3A_113, %convert_element_type3A_118 in 1 : vector<2048x8xbf16>, vector<2048x8xbf16> -> vector<2048x16xbf16>
    %iota3A_119 = tpu.iota {dimensions = array<i32: 0>} : vector<256x256xi32>
    %iota3A_120 = tpu.iota {dimensions = array<i32: 1>} : vector<256x256xi32>
    %gt3A_121 = arith.cmpi sgt, %iota3A_119, %iota3A_120 : vector<256x256xi32>
    %convert_element_type3A_122 = arith.extui %gt3A_121 : vector<256x256xi1> to vector<256x256xi32>
    %convert_element_type3A_123 = arith.sitofp %convert_element_type3A_122 : vector<256x256xi32> to vector<256x256xf32>
    %convert_element_type3A_124 = arith.truncf %convert_element_type3A_123 : vector<256x256xf32> to vector<256x256xbf16>
    %broadcast_in_dim3A_125 = arith.constant 0.000000e+00 : f32
    %broadcast_in_dim3A_126 = vector.broadcast %broadcast_in_dim3A_125 : f32 to vector<1x16xf32>
    %slice3A = vector.extract_strided_slice %concatenate3A {offsets = [0, 0], sizes = [256, 16], strides = [1, 1]} : vector<2048x16xbf16> to vector<256x16xbf16>
    %dot_general3A_127 = arith.constant dense<0.000000e+00> : vector<256x16xf32>
    %dot_general3A_128 = tpu.matmul %convert_element_type3A_124, %slice3A, %dot_general3A_127 {dimension_numbers = #tpu.dot_dimension_numbers<[1], [0], [0], [1], [0, 0, 1, 1], [], []>, transpose_lhs_hint = false} : vector<256x256xbf16>, vector<256x16xbf16>, vector<256x16xf32> -> vector<256x16xf32>
    %add3A_129 = vector.broadcast %broadcast_in_dim3A_126 : vector<1x16xf32> to vector<256x16xf32>
    %add3A_130 = arith.addf %dot_general3A_128, %add3A_129 : vector<256x16xf32>
    %convert_element_type3A_131 = arith.extf %slice3A : vector<256x16xbf16> to vector<256x16xf32>
    %reduce_sum3A_132 = arith.constant dense<0.000000e+00> : vector<16xf32>
    %reduce_sum3A_133 = vector.multi_reduction <add>, %convert_element_type3A_131, %reduce_sum3A_132 [0] : vector<256x16xf32> to vector<16xf32>
    %broadcast_in_dim3A_134 = vector.shape_cast %reduce_sum3A_133 : vector<16xf32> to vector<1x16xf32>
    %add3A_135 = arith.addf %broadcast_in_dim3A_126, %broadcast_in_dim3A_134 : vector<1x16xf32>
    %slice3A_136 = vector.extract_strided_slice %concatenate3A {offsets = [256, 0], sizes = [256, 16], strides = [1, 1]} : vector<2048x16xbf16> to vector<256x16xbf16>
    %dot_general3A_137 = arith.constant dense<0.000000e+00> : vector<256x16xf32>
    %dot_general3A_138 = tpu.matmul %convert_element_type3A_124, %slice3A_136, %dot_general3A_137 {dimension_numbers = #tpu.dot_dimension_numbers<[1], [0], [0], [1], [0, 0, 1, 1], [], []>, transpose_lhs_hint = false} : vector<256x256xbf16>, vector<256x16xbf16>, vector<256x16xf32> -> vector<256x16xf32>
    %add3A_139 = vector.broadcast %add3A_135 : vector<1x16xf32> to vector<256x16xf32>
    %add3A_140 = arith.addf %dot_general3A_138, %add3A_139 : vector<256x16xf32>
    %convert_element_type3A_141 = arith.extf %slice3A_136 : vector<256x16xbf16> to vector<256x16xf32>
    %reduce_sum3A_142 = arith.constant dense<0.000000e+00> : vector<16xf32>
    %reduce_sum3A_143 = vector.multi_reduction <add>, %convert_element_type3A_141, %reduce_sum3A_142 [0] : vector<256x16xf32> to vector<16xf32>
    %broadcast_in_dim3A_144 = vector.shape_cast %reduce_sum3A_143 : vector<16xf32> to vector<1x16xf32>
    %add3A_145 = arith.addf %add3A_135, %broadcast_in_dim3A_144 : vector<1x16xf32>
    %slice3A_146 = vector.extract_strided_slice %concatenate3A {offsets = [512, 0], sizes = [256, 16], strides = [1, 1]} : vector<2048x16xbf16> to vector<256x16xbf16>
    %dot_general3A_147 = arith.constant dense<0.000000e+00> : vector<256x16xf32>
    %dot_general3A_148 = tpu.matmul %convert_element_type3A_124, %slice3A_146, %dot_general3A_147 {dimension_numbers = #tpu.dot_dimension_numbers<[1], [0], [0], [1], [0, 0, 1, 1], [], []>, transpose_lhs_hint = false} : vector<256x256xbf16>, vector<256x16xbf16>, vector<256x16xf32> -> vector<256x16xf32>
    %add3A_149 = vector.broadcast %add3A_145 : vector<1x16xf32> to vector<256x16xf32>
    %add3A_150 = arith.addf %dot_general3A_148, %add3A_149 : vector<256x16xf32>
    %convert_element_type3A_151 = arith.extf %slice3A_146 : vector<256x16xbf16> to vector<256x16xf32>
    %reduce_sum3A_152 = arith.constant dense<0.000000e+00> : vector<16xf32>
    %reduce_sum3A_153 = vector.multi_reduction <add>, %convert_element_type3A_151, %reduce_sum3A_152 [0] : vector<256x16xf32> to vector<16xf32>
    %broadcast_in_dim3A_154 = vector.shape_cast %reduce_sum3A_153 : vector<16xf32> to vector<1x16xf32>
    %add3A_155 = arith.addf %add3A_145, %broadcast_in_dim3A_154 : vector<1x16xf32>
    %slice3A_156 = vector.extract_strided_slice %concatenate3A {offsets = [768, 0], sizes = [256, 16], strides = [1, 1]} : vector<2048x16xbf16> to vector<256x16xbf16>
    %dot_general3A_157 = arith.constant dense<0.000000e+00> : vector<256x16xf32>
    %dot_general3A_158 = tpu.matmul %convert_element_type3A_124, %slice3A_156, %dot_general3A_157 {dimension_numbers = #tpu.dot_dimension_numbers<[1], [0], [0], [1], [0, 0, 1, 1], [], []>, transpose_lhs_hint = false} : vector<256x256xbf16>, vector<256x16xbf16>, vector<256x16xf32> -> vector<256x16xf32>
    %add3A_159 = vector.broadcast %add3A_155 : vector<1x16xf32> to vector<256x16xf32>
    %add3A_160 = arith.addf %dot_general3A_158, %add3A_159 : vector<256x16xf32>
    %convert_element_type3A_161 = arith.extf %slice3A_156 : vector<256x16xbf16> to vector<256x16xf32>
    %reduce_sum3A_162 = arith.constant dense<0.000000e+00> : vector<16xf32>
    %reduce_sum3A_163 = vector.multi_reduction <add>, %convert_element_type3A_161, %reduce_sum3A_162 [0] : vector<256x16xf32> to vector<16xf32>
    %broadcast_in_dim3A_164 = vector.shape_cast %reduce_sum3A_163 : vector<16xf32> to vector<1x16xf32>
    %add3A_165 = arith.addf %add3A_155, %broadcast_in_dim3A_164 : vector<1x16xf32>
    %slice3A_166 = vector.extract_strided_slice %concatenate3A {offsets = [1024, 0], sizes = [256, 16], strides = [1, 1]} : vector<2048x16xbf16> to vector<256x16xbf16>
    %dot_general3A_167 = arith.constant dense<0.000000e+00> : vector<256x16xf32>
    %dot_general3A_168 = tpu.matmul %convert_element_type3A_124, %slice3A_166, %dot_general3A_167 {dimension_numbers = #tpu.dot_dimension_numbers<[1], [0], [0], [1], [0, 0, 1, 1], [], []>, transpose_lhs_hint = false} : vector<256x256xbf16>, vector<256x16xbf16>, vector<256x16xf32> -> vector<256x16xf32>
    %add3A_169 = vector.broadcast %add3A_165 : vector<1x16xf32> to vector<256x16xf32>
    %add3A_170 = arith.addf %dot_general3A_168, %add3A_169 : vector<256x16xf32>
    %convert_element_type3A_171 = arith.extf %slice3A_166 : vector<256x16xbf16> to vector<256x16xf32>
    %reduce_sum3A_172 = arith.constant dense<0.000000e+00> : vector<16xf32>
    %reduce_sum3A_173 = vector.multi_reduction <add>, %convert_element_type3A_171, %reduce_sum3A_172 [0] : vector<256x16xf32> to vector<16xf32>
    %broadcast_in_dim3A_174 = vector.shape_cast %reduce_sum3A_173 : vector<16xf32> to vector<1x16xf32>
    %add3A_175 = arith.addf %add3A_165, %broadcast_in_dim3A_174 : vector<1x16xf32>
    %slice3A_176 = vector.extract_strided_slice %concatenate3A {offsets = [1280, 0], sizes = [256, 16], strides = [1, 1]} : vector<2048x16xbf16> to vector<256x16xbf16>
    %dot_general3A_177 = arith.constant dense<0.000000e+00> : vector<256x16xf32>
    %dot_general3A_178 = tpu.matmul %convert_element_type3A_124, %slice3A_176, %dot_general3A_177 {dimension_numbers = #tpu.dot_dimension_numbers<[1], [0], [0], [1], [0, 0, 1, 1], [], []>, transpose_lhs_hint = false} : vector<256x256xbf16>, vector<256x16xbf16>, vector<256x16xf32> -> vector<256x16xf32>
    %add3A_179 = vector.broadcast %add3A_175 : vector<1x16xf32> to vector<256x16xf32>
    %add3A_180 = arith.addf %dot_general3A_178, %add3A_179 : vector<256x16xf32>
    %convert_element_type3A_181 = arith.extf %slice3A_176 : vector<256x16xbf16> to vector<256x16xf32>
    %reduce_sum3A_182 = arith.constant dense<0.000000e+00> : vector<16xf32>
    %reduce_sum3A_183 = vector.multi_reduction <add>, %convert_element_type3A_181, %reduce_sum3A_182 [0] : vector<256x16xf32> to vector<16xf32>
    %broadcast_in_dim3A_184 = vector.shape_cast %reduce_sum3A_183 : vector<16xf32> to vector<1x16xf32>
    %add3A_185 = arith.addf %add3A_175, %broadcast_in_dim3A_184 : vector<1x16xf32>
    %slice3A_186 = vector.extract_strided_slice %concatenate3A {offsets = [1536, 0], sizes = [256, 16], strides = [1, 1]} : vector<2048x16xbf16> to vector<256x16xbf16>
    %dot_general3A_187 = arith.constant dense<0.000000e+00> : vector<256x16xf32>
    %dot_general3A_188 = tpu.matmul %convert_element_type3A_124, %slice3A_186, %dot_general3A_187 {dimension_numbers = #tpu.dot_dimension_numbers<[1], [0], [0], [1], [0, 0, 1, 1], [], []>, transpose_lhs_hint = false} : vector<256x256xbf16>, vector<256x16xbf16>, vector<256x16xf32> -> vector<256x16xf32>
    %add3A_189 = vector.broadcast %add3A_185 : vector<1x16xf32> to vector<256x16xf32>
    %add3A_190 = arith.addf %dot_general3A_188, %add3A_189 : vector<256x16xf32>
    %convert_element_type3A_191 = arith.extf %slice3A_186 : vector<256x16xbf16> to vector<256x16xf32>
    %reduce_sum3A_192 = arith.constant dense<0.000000e+00> : vector<16xf32>
    %reduce_sum3A_193 = vector.multi_reduction <add>, %convert_element_type3A_191, %reduce_sum3A_192 [0] : vector<256x16xf32> to vector<16xf32>
    %broadcast_in_dim3A_194 = vector.shape_cast %reduce_sum3A_193 : vector<16xf32> to vector<1x16xf32>
    %add3A_195 = arith.addf %add3A_185, %broadcast_in_dim3A_194 : vector<1x16xf32>
    %slice3A_196 = vector.extract_strided_slice %concatenate3A {offsets = [1792, 0], sizes = [256, 16], strides = [1, 1]} : vector<2048x16xbf16> to vector<256x16xbf16>
    %dot_general3A_197 = arith.constant dense<0.000000e+00> : vector<256x16xf32>
    %dot_general3A_198 = tpu.matmul %convert_element_type3A_124, %slice3A_196, %dot_general3A_197 {dimension_numbers = #tpu.dot_dimension_numbers<[1], [0], [0], [1], [0, 0, 1, 1], [], []>, transpose_lhs_hint = false} : vector<256x256xbf16>, vector<256x16xbf16>, vector<256x16xf32> -> vector<256x16xf32>
    %add3A_199 = vector.broadcast %add3A_195 : vector<1x16xf32> to vector<256x16xf32>
    %add3A_200 = arith.addf %dot_general3A_198, %add3A_199 : vector<256x16xf32>
    %convert_element_type3A_201 = arith.extf %slice3A_196 : vector<256x16xbf16> to vector<256x16xf32>
    %reduce_sum3A_202 = arith.constant dense<0.000000e+00> : vector<16xf32>
    %reduce_sum3A_203 = vector.multi_reduction <add>, %convert_element_type3A_201, %reduce_sum3A_202 [0] : vector<256x16xf32> to vector<16xf32>
    %broadcast_in_dim3A_204 = vector.shape_cast %reduce_sum3A_203 : vector<16xf32> to vector<1x16xf32>
    %add3A_205 = arith.addf %add3A_195, %broadcast_in_dim3A_204 : vector<1x16xf32>
    %concatenate3A_206 = tpu.concatenate %add3A_130, %add3A_140, %add3A_150, %add3A_160, %add3A_170, %add3A_180, %add3A_190, %add3A_200 in 0 : vector<256x16xf32>, vector<256x16xf32>, vector<256x16xf32>, vector<256x16xf32>, vector<256x16xf32>, vector<256x16xf32>, vector<256x16xf32>, vector<256x16xf32> -> vector<2048x16xf32>
    %slice3A_207 = vector.extract_strided_slice %concatenate3A_206 {offsets = [0, 0], sizes = [2048, 8], strides = [1, 1]} : vector<2048x16xf32> to vector<2048x8xf32>
    %slice3A_208 = vector.extract_strided_slice %concatenate3A_206 {offsets = [0, 8], sizes = [2048, 8], strides = [1, 1]} : vector<2048x16xf32> to vector<2048x8xf32>
    %slice3A_209 = vector.extract_strided_slice %add3A_205 {offsets = [0, 0], sizes = [1, 8], strides = [1, 1]} : vector<1x16xf32> to vector<1x8xf32>
    %slice3A_210 = vector.extract_strided_slice %add3A_205 {offsets = [0, 8], sizes = [1, 8], strides = [1, 1]} : vector<1x16xf32> to vector<1x8xf32>
    %add3A_211 = arith.addf %slice3A_209, %slice3A_210 : vector<1x8xf32>
    %convert_element_type3A_212 = arith.fptosi %add3A_211 : vector<1x8xf32> to vector<1x8xi32>
    %add3A_213 = arith.constant 511 : i32
    %add3A_214 = vector.broadcast %add3A_213 : i32 to vector<1x8xi32>
    %add3A_215 = arith.addi %convert_element_type3A_212, %add3A_214 : vector<1x8xi32>
    %jit3A_216 = arith.constant 512 : i32
    %div3A_217 = vector.broadcast %jit3A_216 : i32 to vector<1x8xi32>
    %div3A_218 = arith.divsi %add3A_215, %div3A_217 : vector<1x8xi32>
    %sign3A = arith.constant 0 : i32
    %sign3A_219 = vector.broadcast %sign3A : i32 to vector<1x8xi32>
    %sign3A_220 = arith.cmpi sgt, %add3A_215, %sign3A_219 : vector<1x8xi32>
    %sign3A_221 = arith.extui %sign3A_220 : vector<1x8xi1> to vector<1x8xi32>
    %sign3A_222 = arith.constant 0 : i32
    %sign3A_223 = vector.broadcast %sign3A_222 : i32 to vector<1x8xi32>
    %sign3A_224 = arith.cmpi slt, %add3A_215, %sign3A_223 : vector<1x8xi32>
    %sign3A_225 = arith.extui %sign3A_224 : vector<1x8xi1> to vector<1x8xi32>
    %sign3A_226 = arith.subi %sign3A_221, %sign3A_225 : vector<1x8xi32>
    %sign3A_227 = arith.constant 0 : i32
    %sign3A_228 = arith.cmpi sgt, %jit3A_216, %sign3A_227 : i32
    %sign3A_229 = arith.extui %sign3A_228 : i1 to i32
    %sign3A_230 = arith.constant 0 : i32
    %sign3A_231 = arith.cmpi slt, %jit3A_216, %sign3A_230 : i32
    %sign3A_232 = arith.extui %sign3A_231 : i1 to i32
    %sign3A_233 = arith.subi %sign3A_229, %sign3A_232 : i32
    %ne3A = vector.broadcast %sign3A_233 : i32 to vector<1x8xi32>
    %ne3A_234 = arith.cmpi ne, %sign3A_226, %ne3A : vector<1x8xi32>
    %rem3A = vector.broadcast %jit3A_216 : i32 to vector<1x8xi32>
    %rem3A_235 = arith.remsi %add3A_215, %rem3A : vector<1x8xi32>
    %ne3A_236 = arith.constant 0 : i32
    %ne3A_237 = vector.broadcast %ne3A_236 : i32 to vector<1x8xi32>
    %ne3A_238 = arith.cmpi ne, %rem3A_235, %ne3A_237 : vector<1x8xi32>
    %and3A = arith.andi %ne3A_234, %ne3A_238 : vector<1x8xi1>
    %sub3A_239 = arith.constant 1 : i32
    %sub3A_240 = vector.broadcast %sub3A_239 : i32 to vector<1x8xi32>
    %sub3A_241 = arith.subi %div3A_218, %sub3A_240 : vector<1x8xi32>
    %select_n3A_242 = arith.select %and3A, %sub3A_241, %div3A_218 : vector<1x8xi1>, vector<1x8xi32>
    %mul3A_243 = arith.constant 512 : i32
    %mul3A_244 = vector.broadcast %mul3A_243 : i32 to vector<1x8xi32>
    %mul3A_245 = arith.muli %select_n3A_242, %mul3A_244 : vector<1x8xi32>
    %iota3A_246 = tpu.iota {dimensions = array<i32: 0>} : vector<8x8xi32>
    %iota3A_247 = tpu.iota {dimensions = array<i32: 1>} : vector<8x8xi32>
    %lt3A = arith.cmpi slt, %iota3A_246, %iota3A_247 : vector<8x8xi32>
    %convert_element_type3A_248 = arith.extui %lt3A : vector<8x8xi1> to vector<8x8xi32>
    %convert_element_type3A_249 = arith.sitofp %convert_element_type3A_248 : vector<8x8xi32> to vector<8x8xf32>
    %convert_element_type3A_250 = arith.truncf %convert_element_type3A_249 : vector<8x8xf32> to vector<8x8xbf16>
    %convert_element_type3A_251 = arith.sitofp %mul3A_245 : vector<1x8xi32> to vector<1x8xbf16>
    %dot_general3A_252 = arith.constant dense<0.000000e+00> : vector<1x8xf32>
    %dot_general3A_253 = tpu.matmul %convert_element_type3A_251, %convert_element_type3A_250, %dot_general3A_252 {dimension_numbers = #tpu.dot_dimension_numbers<[1], [0], [0], [1], [0, 0, 1, 1], [], []>, transpose_lhs_hint = false} : vector<1x8xbf16>, vector<8x8xbf16>, vector<1x8xf32> -> vector<1x8xf32>
    %eq3A_254 = vector.broadcast %broadcast_in_dim3A_69 : vector<2048x1xi32> to vector<2048x8xi32>
    %eq3A_255 = arith.cmpi eq, %iota3A, %eq3A_254 : vector<2048x8xi32>
    %jit3A_256 = arith.constant 0.000000e+00 : f32
    %broadcast_in_dim3A_257 = vector.broadcast %jit3A_256 : f32 to vector<2048x8xf32>
    %select_n3A_258 = arith.select %eq3A_255, %slice3A_207, %broadcast_in_dim3A_257 : vector<2048x8xi1>, vector<2048x8xf32>
    %reduce_sum3A_259 = arith.constant dense<0.000000e+00> : vector<2048xf32>
    %reduce_sum3A_260 = vector.multi_reduction <add>, %select_n3A_258, %reduce_sum3A_259 [1] : vector<2048x8xf32> to vector<2048xf32>
    %broadcast_in_dim3A_261 = vector.shape_cast %reduce_sum3A_260 : vector<2048xf32> to vector<2048x1xf32>
    %eq3A_262 = vector.broadcast %broadcast_in_dim3A_85 : vector<2048x1xi32> to vector<2048x8xi32>
    %eq3A_263 = arith.cmpi eq, %iota3A, %eq3A_262 : vector<2048x8xi32>
    %add3A_264 = vector.broadcast %slice3A_209 : vector<1x8xf32> to vector<2048x8xf32>
    %add3A_265 = arith.addf %slice3A_208, %add3A_264 : vector<2048x8xf32>
    %jit3A_266 = arith.constant 0.000000e+00 : f32
    %broadcast_in_dim3A_267 = vector.broadcast %jit3A_266 : f32 to vector<2048x8xf32>
    %select_n3A_268 = arith.select %eq3A_263, %add3A_265, %broadcast_in_dim3A_267 : vector<2048x8xi1>, vector<2048x8xf32>
    %reduce_sum3A_269 = arith.constant dense<0.000000e+00> : vector<2048xf32>
    %reduce_sum3A_270 = vector.multi_reduction <add>, %select_n3A_268, %reduce_sum3A_269 [1] : vector<2048x8xf32> to vector<2048xf32>
    %broadcast_in_dim3A_271 = vector.shape_cast %reduce_sum3A_270 : vector<2048xf32> to vector<2048x1xf32>
    %eq3A_272 = vector.broadcast %broadcast_in_dim3A_69 : vector<2048x1xi32> to vector<2048x8xi32>
    %eq3A_273 = arith.cmpi eq, %iota3A, %eq3A_272 : vector<2048x8xi32>
    %jit3A_274 = arith.constant 0.000000e+00 : f32
    %broadcast_in_dim3A_275 = vector.shape_cast %dot_general3A_253 : vector<1x8xf32> to vector<1x8xf32>
    %broadcast_in_dim3A_276 = vector.broadcast %broadcast_in_dim3A_275 : vector<1x8xf32> to vector<2048x8xf32>
    %broadcast_in_dim3A_277 = vector.broadcast %jit3A_274 : f32 to vector<2048x8xf32>
    %select_n3A_278 = arith.select %eq3A_273, %broadcast_in_dim3A_276, %broadcast_in_dim3A_277 : vector<2048x8xi1>, vector<2048x8xf32>
    %reduce_sum3A_279 = arith.constant dense<0.000000e+00> : vector<2048xf32>
    %reduce_sum3A_280 = vector.multi_reduction <add>, %select_n3A_278, %reduce_sum3A_279 [1] : vector<2048x8xf32> to vector<2048xf32>
    %broadcast_in_dim3A_281 = vector.shape_cast %reduce_sum3A_280 : vector<2048xf32> to vector<2048x1xf32>
    %eq3A_282 = vector.broadcast %broadcast_in_dim3A_85 : vector<2048x1xi32> to vector<2048x8xi32>
    %eq3A_283 = arith.cmpi eq, %iota3A, %eq3A_282 : vector<2048x8xi32>
    %jit3A_284 = arith.constant 0.000000e+00 : f32
    %broadcast_in_dim3A_285 = vector.shape_cast %dot_general3A_253 : vector<1x8xf32> to vector<1x8xf32>
    %broadcast_in_dim3A_286 = vector.broadcast %broadcast_in_dim3A_285 : vector<1x8xf32> to vector<2048x8xf32>
    %broadcast_in_dim3A_287 = vector.broadcast %jit3A_284 : f32 to vector<2048x8xf32>
    %select_n3A_288 = arith.select %eq3A_283, %broadcast_in_dim3A_286, %broadcast_in_dim3A_287 : vector<2048x8xi1>, vector<2048x8xf32>
    %reduce_sum3A_289 = arith.constant dense<0.000000e+00> : vector<2048xf32>
    %reduce_sum3A_290 = vector.multi_reduction <add>, %select_n3A_288, %reduce_sum3A_289 [1] : vector<2048x8xf32> to vector<2048xf32>
    %broadcast_in_dim3A_291 = vector.shape_cast %reduce_sum3A_290 : vector<2048xf32> to vector<2048x1xf32>
    %add3A_292 = arith.addf %broadcast_in_dim3A_281, %broadcast_in_dim3A_261 : vector<2048x1xf32>
    %convert_element_type3A_293 = arith.fptosi %add3A_292 : vector<2048x1xf32> to vector<2048x1xi32>
    %swap3A = arith.constant 0 : index
    %swap3A_294 = arith.constant 0 : index
    %swap3A_295 = vector.load %arg9[%swap3A, %swap3A_294] : memref<2048x1xi32, #tpu.memory_space<vmem>>, vector<2048x1xi32>
    tpu.vector_store %arg9[%swap3A, %swap3A_294], %convert_element_type3A_293 {strides = array<i32>} : memref<2048x1xi32, #tpu.memory_space<vmem>>, vector<2048x1xi32>,
    %add3A_296 = arith.addf %broadcast_in_dim3A_291, %broadcast_in_dim3A_271 : vector<2048x1xf32>
    %convert_element_type3A_297 = arith.fptosi %add3A_296 : vector<2048x1xf32> to vector<2048x1xi32>
    %swap3A_298 = arith.constant 0 : index
    %swap3A_299 = arith.constant 0 : index
    %swap3A_300 = vector.load %arg10[%swap3A_298, %swap3A_299] : memref<2048x1xi32, #tpu.memory_space<vmem>>, vector<2048x1xi32>
    tpu.vector_store %arg10[%swap3A_298, %swap3A_299], %convert_element_type3A_297 {strides = array<i32>} : memref<2048x1xi32, #tpu.memory_space<vmem>>, vector<2048x1xi32>,
    %broadcast_in_dim3A_301 = arith.constant 1.000000e+00 : f32
    %broadcast_in_dim3A_302 = vector.broadcast %broadcast_in_dim3A_301 : f32 to vector<1x128xf32>
    %mul3A_303 = vector.broadcast %select_n3A_102 : vector<2048x1xf32> to vector<2048x128xf32>
    %mul3A_304 = vector.broadcast %broadcast_in_dim3A_302 : vector<1x128xf32> to vector<2048x128xf32>
    %mul3A_305 = arith.mulf %mul3A_303, %mul3A_304 : vector<2048x128xf32>
    %swap3A_306 = arith.constant 0 : index
    %swap3A_307 = arith.constant 0 : index
    %swap3A_308 = vector.load %arg11[%swap3A_306, %swap3A_307] : memref<2048x128xf32, #tpu.memory_space<vmem>>, vector<2048x128xf32>
    tpu.vector_store %arg11[%swap3A_306, %swap3A_307], %mul3A_305 {strides = array<i32>} : memref<2048x128xf32, #tpu.memory_space<vmem>>, vector<2048x128xf32>,
    %mul3A_309 = vector.broadcast %select_n3A_108 : vector<2048x1xf32> to vector<2048x128xf32>
    %mul3A_310 = vector.broadcast %broadcast_in_dim3A_302 : vector<1x128xf32> to vector<2048x128xf32>
    %mul3A_311 = arith.mulf %mul3A_309, %mul3A_310 : vector<2048x128xf32>
    %swap3A_312 = arith.constant 0 : index
    %swap3A_313 = arith.constant 0 : index
    %swap3A_314 = vector.load %arg12[%swap3A_312, %swap3A_313] : memref<2048x128xf32, #tpu.memory_space<vmem>>, vector<2048x128xf32>
    tpu.vector_store %arg12[%swap3A_312, %swap3A_313], %mul3A_311 {strides = array<i32>} : memref<2048x128xf32, #tpu.memory_space<vmem>>, vector<2048x128xf32>,
    %reduce_sum3A_315 = arith.constant dense<0> : vector<1xi32>
    %reduce_sum3A_316 = vector.multi_reduction <add>, %mul3A_245, %reduce_sum3A_315 [1] : vector<1x8xi32> to vector<1xi32>
    %broadcast_in_dim3A_317 = vector.shape_cast %reduce_sum3A_316 : vector<1xi32> to vector<1x1xi32>
    %iota3A_318 = tpu.iota {dimensions = array<i32: 0>} : vector<16x1xi32>
    %mul3A_319 = arith.constant 512 : i32
    %mul3A_320 = vector.broadcast %mul3A_319 : i32 to vector<16x1xi32>
    %mul3A_321 = arith.muli %iota3A_318, %mul3A_320 : vector<16x1xi32>
    %convert_element_type3A_322 = arith.fptosi %dot_general3A_253 : vector<1x8xf32> to vector<1x8xi32>
    %ge3A = vector.broadcast %mul3A_321 : vector<16x1xi32> to vector<16x8xi32>
    %ge3A_323 = vector.broadcast %convert_element_type3A_322 : vector<1x8xi32> to vector<16x8xi32>
    %ge3A_324 = arith.cmpi sge, %ge3A, %ge3A_323 : vector<16x8xi32>
    %convert_element_type3A_325 = arith.extui %ge3A_324 : vector<16x8xi1> to vector<16x8xi32>
    %reduce_sum3A_326 = arith.constant dense<0> : vector<16xi32>
    %reduce_sum3A_327 = vector.multi_reduction <add>, %convert_element_type3A_325, %reduce_sum3A_326 [1] : vector<16x8xi32> to vector<16xi32>
    %broadcast_in_dim3A_328 = vector.shape_cast %reduce_sum3A_327 : vector<16xi32> to vector<16x1xi32>
    %sub3A_329 = arith.constant 1 : i32
    %sub3A_330 = vector.broadcast %sub3A_329 : i32 to vector<16x1xi32>
    %sub3A_331 = arith.subi %broadcast_in_dim3A_328, %sub3A_330 : vector<16x1xi32>
    %lt3A_332 = vector.broadcast %broadcast_in_dim3A_317 : vector<1x1xi32> to vector<16x1xi32>
    %lt3A_333 = arith.cmpi slt, %mul3A_321, %lt3A_332 : vector<16x1xi32>
    %jit3A_334 = arith.constant -1 : i32
    %broadcast_in_dim3A_335 = vector.broadcast %jit3A_334 : i32 to vector<16x1xi32>
    %select_n3A_336 = arith.select %lt3A_333, %sub3A_331, %broadcast_in_dim3A_335 : vector<16x1xi1>, vector<16x1xi32>
    %swap3A_337 = arith.constant 0 : index
    %swap3A_338 = arith.constant 0 : index
    %swap3A_339 = vector.load %arg13[%swap3A_337, %swap3A_338] : memref<16x1xi32, #tpu.memory_space<vmem>>, vector<16x1xi32>
    tpu.vector_store %arg13[%swap3A_337, %swap3A_338], %select_n3A_336 {strides = array<i32>} : memref<16x1xi32, #tpu.memory_space<vmem>>, vector<16x1xi32>,
    return
  }
}

module attributes {stable_mosaic.version = 14 : i64} {
  func.func @_ffn_body(%arg0: i32, %arg1: memref<16xi32, #tpu.memory_space<smem>>, %arg2: memref<512x768xf32, #tpu.memory_space<vmem>>, %arg3: memref<512x128xf32, #tpu.memory_space<vmem>>, %arg4: memref<1x768x1536xbf16, #tpu.memory_space<vmem>>, %arg5: memref<1x1x1536xf32, #tpu.memory_space<vmem>>, %arg6: memref<1x1536x768xbf16, #tpu.memory_space<vmem>>, %arg7: memref<1x1x768xf32, #tpu.memory_space<vmem>>, %arg8: memref<512x768xf32, #tpu.memory_space<vmem>>) attributes {dimension_semantics = [#tpu.dimension_semantics<arbitrary>], iteration_bounds = array<i64: 16>, scalar_prefetch = 1 : i64, scratch_operands = 0 : i64, tpu.core_type = #tpu.core_type<tc>, window_params = [{transform_indices = @transform_0, window_bounds = array<i64: 512, 768>}, {transform_indices = @transform_1, window_bounds = array<i64: 512, 128>}, {transform_indices = @transform_2, window_bounds = array<i64: 1, 768, 1536>}, {transform_indices = @transform_3, window_bounds = array<i64: 1, 1, 1536>}, {transform_indices = @transform_4, window_bounds = array<i64: 1, 1536, 768>}, {transform_indices = @transform_5, window_bounds = array<i64: 1, 1, 768>}, {transform_indices = @transform_6, window_bounds = array<i64: 512, 768>}]} {
    %get3A = arith.index_cast %arg0 : i32 to index
    %get3A_0 = memref.load %arg1[%get3A] : memref<16xi32, #tpu.memory_space<smem>>
    %ge3A = arith.constant 0 : i32
    %ge3A_1 = arith.cmpi sge, %get3A_0, %ge3A : i32
    %convert_element_type3A = arith.extui %ge3A_1 : i1 to i32
    %cond3A = arith.constant 0 : i32
    %cond3A_2 = arith.cmpi ne, %convert_element_type3A, %cond3A : i32
    scf.if %cond3A_2 {
      %get3A_3 = arith.constant 0 : index
      %get3A_4 = arith.constant 0 : index
      %get3A_5 = vector.load %arg2[%get3A_3, %get3A_4] : memref<512x768xf32, #tpu.memory_space<vmem>>, vector<512x768xf32>
      %convert_element_type3A_6 = arith.truncf %get3A_5 : vector<512x768xf32> to vector<512x768xbf16>
      %get3A_7 = arith.constant 0 : index
      %get3A_8 = arith.constant 0 : index
      %get3A_9 = arith.constant 0 : index
      %get3A_10 = vector.load %arg4[%get3A_7, %get3A_8, %get3A_9] : memref<1x768x1536xbf16, #tpu.memory_space<vmem>>, vector<1x768x1536xbf16>
      %get3A_11 = vector.shape_cast %get3A_10 : vector<1x768x1536xbf16> to vector<768x1536xbf16>
      %dot_general3A = arith.constant dense<0.000000e+00> : vector<512x1536xf32>
      %dot_general3A_12 = tpu.matmul %convert_element_type3A_6, %get3A_11, %dot_general3A {dimension_numbers = #tpu.dot_dimension_numbers<[1], [0], [0], [1], [0, 0, 1, 1], [], []>, transpose_lhs_hint = false} : vector<512x768xbf16>, vector<768x1536xbf16>, vector<512x1536xf32> -> vector<512x1536xf32>
      %get3A_13 = arith.constant 0 : index
      %get3A_14 = arith.constant 0 : index
      %get3A_15 = arith.constant 0 : index
      %get3A_16 = vector.load %arg5[%get3A_13, %get3A_14, %get3A_15] : memref<1x1x1536xf32, #tpu.memory_space<vmem>>, vector<1x1x1536xf32>
      %get3A_17 = vector.shape_cast %get3A_16 : vector<1x1x1536xf32> to vector<1536xf32>
      %broadcast_in_dim3A = vector.shape_cast %get3A_17 : vector<1536xf32> to vector<1x1536xf32>
      %add3A = vector.broadcast %broadcast_in_dim3A : vector<1x1536xf32> to vector<512x1536xf32>
      %add3A_18 = arith.addf %dot_general3A_12, %add3A : vector<512x1536xf32>
      %max3A = arith.constant 0.000000e+00 : f32
      %max3A_19 = vector.broadcast %max3A : f32 to vector<512x1536xf32>
      %max3A_20 = arith.maximumf %add3A_18, %max3A_19 : vector<512x1536xf32>
      %convert_element_type3A_21 = arith.truncf %max3A_20 : vector<512x1536xf32> to vector<512x1536xbf16>
      %get3A_22 = arith.constant 0 : index
      %get3A_23 = arith.constant 0 : index
      %get3A_24 = arith.constant 0 : index
      %get3A_25 = vector.load %arg6[%get3A_22, %get3A_23, %get3A_24] : memref<1x1536x768xbf16, #tpu.memory_space<vmem>>, vector<1x1536x768xbf16>
      %get3A_26 = vector.shape_cast %get3A_25 : vector<1x1536x768xbf16> to vector<1536x768xbf16>
      %dot_general3A_27 = arith.constant dense<0.000000e+00> : vector<512x768xf32>
      %dot_general3A_28 = tpu.matmul %convert_element_type3A_21, %get3A_26, %dot_general3A_27 {dimension_numbers = #tpu.dot_dimension_numbers<[1], [0], [0], [1], [0, 0, 1, 1], [], []>, transpose_lhs_hint = false} : vector<512x1536xbf16>, vector<1536x768xbf16>, vector<512x768xf32> -> vector<512x768xf32>
      %get3A_29 = arith.constant 0 : index
      %get3A_30 = arith.constant 0 : index
      %get3A_31 = arith.constant 0 : index
      %get3A_32 = vector.load %arg7[%get3A_29, %get3A_30, %get3A_31] : memref<1x1x768xf32, #tpu.memory_space<vmem>>, vector<1x1x768xf32>
      %get3A_33 = vector.shape_cast %get3A_32 : vector<1x1x768xf32> to vector<768xf32>
      %broadcast_in_dim3A_34 = vector.shape_cast %get3A_33 : vector<768xf32> to vector<1x768xf32>
      %add3A_35 = vector.broadcast %broadcast_in_dim3A_34 : vector<1x768xf32> to vector<512x768xf32>
      %add3A_36 = arith.addf %dot_general3A_28, %add3A_35 : vector<512x768xf32>
      %reduce_sum3A = arith.constant dense<0.000000e+00> : vector<512xf32>
      %reduce_sum3A_37 = vector.multi_reduction <add>, %add3A_36, %reduce_sum3A [1] : vector<512x768xf32> to vector<512xf32>
      %div3A = arith.constant 7.680000e+02 : f32
      %div3A_38 = vector.broadcast %div3A : f32 to vector<512xf32>
      %div3A_39 = arith.divf %reduce_sum3A_37, %div3A_38 : vector<512xf32>
      %logistic3A = arith.negf %div3A_39 : vector<512xf32>
      %logistic3A_40 = math.exp %logistic3A : vector<512xf32>
      %logistic3A_41 = arith.constant 1.000000e+00 : f32
      %logistic3A_42 = vector.broadcast %logistic3A_41 : f32 to vector<512xf32>
      %logistic3A_43 = arith.addf %logistic3A_42, %logistic3A_40 : vector<512xf32>
      %logistic3A_44 = arith.divf %logistic3A_42, %logistic3A_43 : vector<512xf32>
      %get3A_45 = arith.constant 0 : index
      %get3A_46 = arith.constant 0 : index
      %get3A_47 = vector.load %arg3[%get3A_45, %get3A_46] : memref<512x128xf32, #tpu.memory_space<vmem>>, vector<512x1xf32>
      %get3A_48 = vector.shape_cast %get3A_47 : vector<512x1xf32> to vector<512xf32>
      %mul3A = arith.mulf %get3A_48, %logistic3A_44 : vector<512xf32>
      %broadcast_in_dim3A_49 = vector.shape_cast %mul3A : vector<512xf32> to vector<512x1xf32>
      %mul3A_50 = vector.broadcast %broadcast_in_dim3A_49 : vector<512x1xf32> to vector<512x768xf32>
      %mul3A_51 = arith.mulf %add3A_36, %mul3A_50 : vector<512x768xf32>
      %swap3A = arith.constant 0 : index
      %swap3A_52 = arith.constant 0 : index
      %swap3A_53 = vector.load %arg8[%swap3A, %swap3A_52] : memref<512x768xf32, #tpu.memory_space<vmem>>, vector<512x768xf32>
      tpu.vector_store %arg8[%swap3A, %swap3A_52], %mul3A_51 {strides = array<i32>} : memref<512x768xf32, #tpu.memory_space<vmem>>, vector<512x768xf32>,
    } else {
    }
    return
  }
  func.func @transform_0(%arg0: i32, %arg1: memref<16xi32, #tpu.memory_space<smem>>) -> (i32, i32) {
    %c0_i32 = arith.constant 0 : i32
    %c0_i32_0 = arith.constant 0 : i32
    return %arg0, %c0_i32 : i32, i32
  }
  func.func @transform_1(%arg0: i32, %arg1: memref<16xi32, #tpu.memory_space<smem>>) -> (i32, i32) {
    %c0_i32 = arith.constant 0 : i32
    %c0_i32_0 = arith.constant 0 : i32
    return %arg0, %c0_i32 : i32, i32
  }
  func.func @transform_2(%arg0: i32, %arg1: memref<16xi32, #tpu.memory_space<smem>>) -> (i32, i32, i32) {
    %get3A = arith.index_cast %arg0 : i32 to index
    %get3A_0 = memref.load %arg1[%get3A] : memref<16xi32, #tpu.memory_space<smem>>
    %max3A = arith.constant 0 : i32
    %max3A_1 = arith.maxsi %get3A_0, %max3A : i32
    %c0_i32 = arith.constant 0 : i32
    %c0_i32_2 = arith.constant 0 : i32
    %c0_i32_3 = arith.constant 0 : i32
    return %max3A_1, %c0_i32, %c0_i32_2 : i32, i32, i32
  }
  func.func @transform_3(%arg0: i32, %arg1: memref<16xi32, #tpu.memory_space<smem>>) -> (i32, i32, i32) {
    %get3A = arith.index_cast %arg0 : i32 to index
    %get3A_0 = memref.load %arg1[%get3A] : memref<16xi32, #tpu.memory_space<smem>>
    %max3A = arith.constant 0 : i32
    %max3A_1 = arith.maxsi %get3A_0, %max3A : i32
    %c0_i32 = arith.constant 0 : i32
    %c0_i32_2 = arith.constant 0 : i32
    %c0_i32_3 = arith.constant 0 : i32
    return %max3A_1, %c0_i32, %c0_i32_2 : i32, i32, i32
  }
  func.func @transform_4(%arg0: i32, %arg1: memref<16xi32, #tpu.memory_space<smem>>) -> (i32, i32, i32) {
    %get3A = arith.index_cast %arg0 : i32 to index
    %get3A_0 = memref.load %arg1[%get3A] : memref<16xi32, #tpu.memory_space<smem>>
    %max3A = arith.constant 0 : i32
    %max3A_1 = arith.maxsi %get3A_0, %max3A : i32
    %c0_i32 = arith.constant 0 : i32
    %c0_i32_2 = arith.constant 0 : i32
    %c0_i32_3 = arith.constant 0 : i32
    return %max3A_1, %c0_i32, %c0_i32_2 : i32, i32, i32
  }
  func.func @transform_5(%arg0: i32, %arg1: memref<16xi32, #tpu.memory_space<smem>>) -> (i32, i32, i32) {
    %get3A = arith.index_cast %arg0 : i32 to index
    %get3A_0 = memref.load %arg1[%get3A] : memref<16xi32, #tpu.memory_space<smem>>
    %max3A = arith.constant 0 : i32
    %max3A_1 = arith.maxsi %get3A_0, %max3A : i32
    %c0_i32 = arith.constant 0 : i32
    %c0_i32_2 = arith.constant 0 : i32
    %c0_i32_3 = arith.constant 0 : i32
    return %max3A_1, %c0_i32, %c0_i32_2 : i32, i32, i32
  }
  func.func @transform_6(%arg0: i32, %arg1: memref<16xi32, #tpu.memory_space<smem>>) -> (i32, i32) {
    %c0_i32 = arith.constant 0 : i32
    %c0_i32_0 = arith.constant 0 : i32
    return %arg0, %c0_i32 : i32, i32
  }
}

</mosaic_0001>

<sc_bundles>
// kernel: kernel.6.cloned.1.call-start
scs
__scs_entry_jumppad:
0x0: {  	(pc) =	sbr.rel $0x88, $3  }
0x1: {  	(tag) =	ssettag $0x0;
	lr =	simm.s32 $0x1  }
0x2: {  	[smem:$0x3F94] =	sst lr;
	_ =	strace $0xD0000000  }
0x3: {  	_ = 	snop  }
0x4: {  	_ = 	snop  }
0x5: {  	_ = 	snop  }
0x6: {  	_ = 	snop  }
0x7: {  	_ = 	snop  }
__scs_overlays_trampoline_lowered:
0x8: {  	[smem:$0x3FA3] =	sst s0  }
0x9: {  	[smem:$0x3FA4] =	sst s1  }
0xa: {  	[smem:$0x3FA5] =	sst s2  }
0xb: {  	[smem:$0x3FA6] =	sst s3  }
0xc: {  	[smem:$0x3FA7] =	sst s4  }
0xd: {  	[smem:$0x3FA8] =	sst s5  }
0xe: {  	[smem:$0x3FA9] =	sst s6  }
0xf: {  	[smem:$0x3FAA] =	sst s7  }
0x10: {  	[smem:$0x3FAB] =	sst s8  }
0x11: {  	[smem:$0x3FAC] =	sst s9;
	s0 =	simm.s32 @!p0 $0x0  }
0x12: {  	s1 =	sld [smem:$0x3F92];
	s0 =	simm.s32 @p0 $0x1  }
0x13: {  	[smem:$0x3FAD] =	sst s0;
	s0 =	simm.s32 @!p1 $0x0  }
0x14: {  	s2 =	sld [smem:$0x3F91];
	s0 =	simm.s32 @p1 $0x1  }
0x15: {  	[smem:$0x3FAE] =	sst s0;
	s0 =	simm.s32 @!p2 $0x0  }
0x16: {  	s3 =	sld [smem:$0x3FDB];
	s0 =	simm.s32 @p2 $0x1  }
0x17: {  	s4 =	simm.s32 $0x1BF5;
	[smem:$0x3FB0] =	sst s0  }
0x18: {  	s0 =	sld [smem:$0x3F93];
	_ =	swait.ge [sflag:s4], $0x0  }
0x19: {  	s7 =	sld [smem:$0x3F94]  }
0x1a: {  	s8 =	sadd.s32 $0xFFFFE003, lr  }
0x1b: {  	s9 =	sadd.s32 $0xFFFFFEF7, lr;
	s5 =	simm.s32 $0xFFFFFFFF;
	p2 =	slt.u32 s8, $0xFFFFF086  }
0x1c: {  	p1 =	slt.u32 s9, $0xF7A;
	s5 =	simm.s32 @!p2 $0x0  }
0x1d: {  	s5 =	simm.s32 @p1 $0x1;
	p0 =	seq.s32 s7, s2  }
0x1e: {  	s7 =	smul.u32 @!p0 $0xF7A, s2;
	p2 =	seq.s32 @!p0 s5, $0x0  }
0x1f: {  	s9 =	smul.u32 $0xF7A, s1;
	s8 =	simm.s32 @!p0 $0x1BF5;
	p2 =	por !p2, p0  }
0x20: {  	[sflag:s8] =	ssyncset.s32 @!p0 $0xFFFFF086;
	s6 =	sadd.s32 @!p0 s3, s7;
	s7 =	simm.s32 @!p0 $0x108  }
0x21: {  	s3 =	sadd.s32 s3, s9;
	s6 =	sadd.s32 @!p0 $0x88, s6;
	s7 =	simm.s32 @p2 $0x1082  }
0x22: {  	[simem:s7], [sflag:s8] =	dma.local @!p0 [hbm:s6], $0xF7A  }
0x23: {  	s9 =	sor.u32 $0xD0000000, s2;
	s6 =	simm.s32 $0x108;
	_ =	swait.ge @!p0 [sflag:s8], $0x0  }
0x24: {  	s3 =	sadd.s32 $0x88, s3;
	s6 =	simm.s32 @!p1 $0x1082;
	[sflag:s4] =	ssyncset.s32 $0xFFFFF086  }
0x25: {  	[simem:s6], [sflag:s4] =	dma.local [hbm:s3], $0xF7A  }
0x26: {  	[smem:$0x3F94] =	sst s1;
	(tag) =	ssettag s2;
	_ =	strace s9  }
0x27: {  	s1 =	sld [smem:$0x3FA4]  }
0x28: {  	s2 =	sld [smem:$0x3FA5]  }
0x29: {  	s4 =	sld [smem:$0x3FA7]  }
0x2a: {  	p0 =	seq.s32 s5, $0x0;
	s5 =	sld [smem:$0x3FA8]  }
0x2b: {  	s6 =	sld [smem:$0x3FA9]  }
0x2c: {  	s7 =	sld [smem:$0x3FAA]  }
0x2d: {  	s3 =	simm.s32 $0x108;
	s8 =	sld [smem:$0x3FAB]  }
0x2e: {  	s3 =	simm.s32 @!p0 $0x1082;
	s9 =	sld [smem:$0x3FAC]  }
0x2f: {  	lr =	sadd.s32 s0, s3;
	s0 =	sld [smem:$0x3FA3]  }
0x30: {  	s3 =	sld [smem:$0x3FA6]  }
0x31: {  	[smem:$0x3FAF] =	sst s10  }
0x32: {  	s10 =	sld [smem:$0x3FAD];
	_ =	sdelay $0x3  }
0x33: {  	p0 =	seq.s32 s10, $0x1;
	s10 =	sld [smem:$0x3FAF];
	_ =	sdelay $0x3  }
0x34: {  	[smem:$0x3FAF] =	sst s10  }
0x35: {  	s10 =	sld [smem:$0x3FAE];
	_ =	sdelay $0x3  }
0x36: {  	p1 =	seq.s32 s10, $0x1;
	s10 =	sld [smem:$0x3FAF];
	_ =	sdelay $0x3  }
0x37: {  	[smem:$0x3FAF] =	sst s10  }
0x38: {  	s10 =	sld [smem:$0x3FB0]  }
0x39: {  	_ = 	snop;
	(pc) =	sbr.ind lr, $3  }
0x3a: {  	_ = 	snop  }
0x3b: {  	_ = 	snop  }
0x3c: {  	p2 =	seq.s32 s10, $0x1;
	s10 =	sld [smem:$0x3FAF]  }
0x3d: {  	_ =	shalt  }
0x3e: {  	_ =	shalt  }
0x3f: {  	_ =	shalt  }
0x40: {  	_ =	shalt  }
0x41: {  	_ =	shalt  }
0x42: {  	_ =	shalt  }
0x43: {  	_ =	shalt  }
0x44: {  	_ =	shalt  }
0x45: {  	_ =	shalt  }
0x46: {  	_ =	shalt  }
0x47: {  	_ =	shalt  }
0x48: {  	_ =	shalt  }
0x49: {  	_ =	shalt  }
0x4a: {  	_ =	shalt  }
0x4b: {  	_ =	shalt  }
0x4c: {  	_ =	shalt  }
0x4d: {  	_ =	shalt  }
0x4e: {  	_ =	shalt  }
0x4f: {  	_ =	shalt  }
0x50: {  	_ =	shalt  }
0x51: {  	_ =	shalt  }
0x52: {  	_ =	shalt  }
0x53: {  	_ =	shalt  }
0x54: {  	_ =	shalt  }
0x55: {  	_ =	shalt  }
0x56: {  	_ =	shalt  }
0x57: {  	_ =	shalt  }
0x58: {  	_ =	shalt  }
0x59: {  	_ =	shalt  }
0x5a: {  	_ =	shalt  }
0x5b: {  	_ =	shalt  }
0x5c: {  	_ =	shalt  }
0x5d: {  	_ =	shalt  }
0x5e: {  	_ =	shalt  }
0x5f: {  	_ =	shalt  }
0x60: {  	_ =	shalt  }
0x61: {  	_ =	shalt  }
0x62: {  	_ =	shalt  }
0x63: {  	_ =	shalt  }
0x64: {  	_ =	shalt  }
0x65: {  	_ =	shalt  }
0x66: {  	_ =	shalt  }
0x67: {  	_ =	shalt  }
0x68: {  	_ =	shalt  }
0x69: {  	_ =	shalt  }
0x6a: {  	_ =	shalt  }
0x6b: {  	_ =	shalt  }
0x6c: {  	_ =	shalt  }
0x6d: {  	_ =	shalt  }
0x6e: {  	_ =	shalt  }
0x6f: {  	_ =	shalt  }
0x70: {  	_ =	shalt  }
0x71: {  	_ =	shalt  }
0x72: {  	_ =	shalt  }
0x73: {  	_ =	shalt  }
0x74: {  	_ =	shalt  }
0x75: {  	_ =	shalt  }
0x76: {  	_ =	shalt  }
0x77: {  	_ =	shalt  }
0x78: {  	_ =	shalt  }
0x79: {  	_ =	shalt  }
0x7a: {  	_ =	shalt  }
0x7b: {  	_ =	shalt  }
0x7c: {  	_ =	shalt  }
0x7d: {  	_ =	shalt  }
0x7e: {  	_ =	shalt  }
0x7f: {  	_ =	shalt  }
0x80: {  	_ =	shalt  }
0x81: {  	_ =	shalt  }
0x82: {  	_ =	shalt  }
0x83: {  	_ =	shalt  }
0x84: {  	_ =	shalt  }
0x85: {  	_ =	shalt  }
0x86: {  	_ =	shalt  }
0x87: {  	_ =	shalt  }
.Lfunc_end0:
.L_simem_size_0:
called_computation_lowered:
.L_overlay_start_0:
0x88: {  	s2 =	sld [smem:$0x3FD9]  }
0x89: {  	s3 =	sld [smem:$0x3FFE];
	_ =	sdelay $0x1  }
0x8a: {  	s1 =	srdreg.scid  }
0x8b: {  	s0 =	sand.u32 $0x1, s1  }
0x8c: {  	s17 =	sshll.u32 s0, $0xA;
	s2 =	sadd.s32 s3, s2  }
0x8d: {  	s2 =	sadd.s32 s2, s17  }
0x8e: {  	[smem:$0x3FBB] =	sst s2  }
0x8f: {  	_ = 	snop  }
0x90: {  	s2 =	sld [smem:$0x3FC9]  }
0x91: {  	s18 =	sld [smem:$0x3FD0];
	(tm) =	ssettm $0x1  }
0x92: {  	s4 =	sld [smem:$0x3FFB];
	_ =	sdelay $0x3  }
0x93: {  	_ =	strace s4  }
0x94: {  	s4 =	sld [smem:$0x3FFC];
	_ =	sdelay $0x3  }
0x95: {  	_ =	strace s4  }
0x96: {  	s4 =	sld [smem:$0x3FFD];
	_ =	sdelay $0x3  }
0x97: {  	_ =	strace s4  }
0x98: {  	_ =	strace $0x8FFFFFFF  }
0x99: {  	s19 =	sld [smem:$0x3FDB];
	_ =	sdelay $0x1  }
0x9a: {  	s5 =	simm.s32 $_scs_section_size  }
0x9b: {  	s6 =	simm.s32 $_size__tile_overlayer_lowered;
	s7 =	simm.s32 $_tile_overlayer_lowered  }
0x9c: {  	s22 =	simm.s32 $0x1BFF;
	s21 =	sshll.u32 s7, $0x1;
	s4 =	sadd.s32 s5, s19  }
0x9d: {  	s8 =	simm.s32 $0x0;
	s20 =	sshll.u32 s6, $0x1;
	s6 =	sadd.s32 s21, s4  }
0x9e: {  	[timem:s8], [sflag:s22] =	dma.local [hbm:s6], s20  }
0x9f: {  	_ =	swait.ge [sflag:s22], s20  }
0xa0: {  	s5 =	ssub.s32 $0x0, s20;
	[sflag:s22] =	ssyncset.done $0x0  }
0xa1: {  	[sflag:s22] =	ssyncadd.s32 s5;
	_ =	sdelay $0x1  }
0xa2: {  	s23 =	simm.s32 $0x1B8B  }
0xa3: {  	_ =	swait.ge [sflag:s23], $0x1  }
0xa4: {  	[sflag:s23] =	ssyncset.done $0x0  }
0xa5: {  	s25 =	simm.s32 $0x1B8E;
	s24 =	sld [smem:$0x3FFE];
	[sflag:s23] =	ssyncadd.s32 $0xFFFFFFFF  }
0xa6: {  	s26 =	simm.s32 $execute0_lowered;
	[smem:$0x3FD2] =	sst s25  }
0xa7: {  	s6 =	sshll.u32 s26, $0x1;
	_ =	strace $0x80000046;
	[dreg:$0x1] =	wrdreg $0xFFFFFFFF  }
0xa8: {  	s28 =	simm.s32 $_size_execute0_lowered;
	s4 =	sadd.s32 s4, s6;
	[dreg:$0x0] =	wrdreg $0x0  }
0xa9: {  	s6 =	sshll.u32 s28, $0x1;
	[dreg:$0x2] =	wrdreg s4  }
0xaa: {  	[dreg:$0x3] =	wrdreg s6  }
0xab: {  	[dreg:$0x4] =	wrdreg $0xC0  }
0xac: {  	_ =	task [dreg:s8], $0x5FFFF  }
0xad: {  	[dreg:$0x1] =	wrdreg $0xFFFFFFFF  }
0xae: {  	[dreg:$0x0] =	wrdreg $0x60  }
0xaf: {  	[dreg:$0x2] =	wrdreg s2  }
0xb0: {  	[dreg:$0x3] =	wrdreg s24  }
0xb1: {  	[dreg:$0x4] =	wrdreg s18  }
0xb2: {  	[dreg:$0x5] =	wrdreg $0x9  }
0xb3: {  	_ =	task.clear_ibuf [dreg:s8], $0x6FFFF;
	_ =	strace $0x90000046  }
0xb4: {  	s29 =	simm.s32 $0x9;
	_ =	strace $0x80000048  }
0xb5: {  	_ =	swait.ge [sflag:s29], $0x1  }
0xb6: {  	[sflag:s29] =	ssyncadd.s32 $0xFFFFFFFF  }
0xb7: {  	_ =	strace $0x90000048  }
0xb8: {  	_ =	sfence  }
0xb9: {  	s30 =	sld [smem:$0x0];
	_ =	sdelay $0x2  }
0xba: {  	s31 =	sshll.u32 s1, $0xD;
	s1 =	sshrl.u32 s1, $0x2  }
0xbb: {  	s3 =	sand.u32 $0x4000, s31;
	s1 =	sadd.s32 s1, s30  }
0xbc: {  	s0 =	sor.u32 s3, s0;
	s1 =	sshll.u32 s1, $0x11  }
0xbd: {  	s0 =	sor.u32 s1, s0  }
0xbe: {  	s0 =	sadd.s32 $0x8F2B, s0  }
0xbf: {  	[sflag:s0] =	ssyncadd.remote.s32 $0x1  }
0xc0: {  	_ =	sfence.sel $0xFFFF  }
0xc1: {  	[dreg:$0x0] =	wrdreg $0xFFFFFFFF;
	(pc) =	sbr.abs _section_cstart, $3  }
0xc2: {  	[dreg:$0x1] =	wrdreg $0xFFFFFFFF  }
0xc3: {  	_ =	task.clear_ibuf [dreg:s8], $0x2FFFF;
	_ =	strace $0x9FFFFFFF  }
0xc4: {  	(tm) =	ssettm $0x7FFFFFFF  }
0xc5: {  	_ =	shalt  }
tec
execute0_lowered:
.L_overlay_start_1:
0x0: {  	(tag) =	ssettag $0x1  }
0x1: {  	s0 =	rddreg [dreg:$0x0]  }
0x2: {  	s1 =	srdreg.scid;
	s3 =	stileid.u32  }
0x3: {  	s2 =	rddreg [dreg:$0x1];
	s9 =	simm.s32 $0x1;
	s26 =	simm.s32 $0xC080  }
0x4: {  	s14 =	simm.s32 $0xC100;
	s15 =	simm.s32 $0xE100;
	s16 =	simm.s32 $0x1800  }
0x5: {  	s17 =	simm.s32 $0x2000;
	s18 =	simm.s32 $0x2800;
	s19 =	simm.s32 $0x3000  }
0x6: {  	s20 =	simm.s32 $0x3800;
	s21 =	simm.s32 $0x4000;
	s22 =	simm.s32 $0x4800  }
0x7: {  	s28 =	simm.s32 $0x7000;
	s29 =	simm.s32 $0x7800;
	s30 =	simm.s32 $0x8000  }
0x8: {  	s31 =	simm.s32 $0x8800;
	s8 =	simm.s32 $0xA800;
	s10 =	simm.s32 $0xB000  }
0x9: {  	s13 =	simm.s32 $0xB800;
	s1 =	sand.u32 $0x1, s1;
	s3 =	sshll.u32 s3, $0x1  }
0xa: {  	s4 =	sor.u32 s1, s3;
	s3 =	simm.s32 $0x0;
	s1 =	ssub.s32 $0x2, s1  }
0xb: {  	s5 =	sshll.u32 s4, $0x5;
	[smem:$0x7FF] =	sst s3;
	s6 =	smul.u32 $0x1800, s4  }
0xc: {  	s4 =	sshll.u32 s4, $0xA;
	s24 =	sshrl.u32 s1, $0x1;
	s5 =	sadd.s32 s5, s2  }
0xd: {  	_ =	strace $0x80000047;
	s4 =	sadd.s32 s4, s2;
	s1 =	ssub.s32 s1, s24  }
0xe: {  	[dreg:$0x8] =	wrdreg s26;
	s24 =	simm.s32 $0x5800;
	s5 =	sadd.s32 $0x11400, s5  }
0xf: {  	s26 =	simm.s32 $0x6800;
	s0 =	sadd.s32 s0, s6;
	[dreg:$0x4] =	wrdreg s5  }
0x10: {  	s23 =	sadd.s32 $0x1400, s4;
	s25 =	sadd.s32 $0x9400, s4;
	[dreg:$0x5] =	wrdreg s0  }
0x11: {  	v2 =	vlaneseq.u32;
	s4 =	sadd.s32 $0x11800, s2;
	s6 =	sadd.s32 $0x11A00, s2;
	[dreg:$0x6] =	wrdreg s23  }
0x12: {  	vm0 =	vmmov $0xffff;
	v1 =	vshrl.u32 v2, $0x3;
	s7 =	smax.u32 s1, $0x1;
	[dreg:$0x7] =	wrdreg s25;
	s5 =	sadd.s32 $0x11900, s2  }
0x13: {  	v0 =	vand.u32 $0x7, v2;
	v2 =	vor.u32 $0x8, v2;
	v1 =	vmul.u32 $0x8, v1;
	s23 =	simm.s32 $0x5000;
	s25 =	simm.s32 $0x6000;
	s2 =	simm.s32 $0xA000  }
.LBB2_1:
0x14: {  	s11 =	rddreg [dreg:$0x4];
	s0 =	simm.s32 $0xC000  }
0x15: {  	[tilespmem:s0], [sflag:$0x1] =	stream.linear.gather [hbm4b:s11+s3], $0x100, $0x38;
	[tilespmem:$0x10100] =	vst v63  }
0x16: {  	_ =	swait.ge [sflag:s9], $0x100  }
0x17: {  	[sflag:s9] =	ssyncset.done $0x0  }
0x18: {  	s12 =	rddreg [dreg:$0x5];
	[sflag:s9] =	ssyncadd.s32 $0xFFFFFF00  }
0x19: {  	[tilespmem:s3], [sflag:$0x1] =	stream.linear.gather [hbm4b:s12+s3], $0xC000, $0x38;
	[tilespmem:$0x10100] =	vst v63  }
0x1a: {  	_ =	swait.ge [sflag:s9], $0xC000  }
0x1b: {  	[sflag:s9] =	ssyncset.done $0x0  }
0x1c: {  	s0 =	rddreg [dreg:$0x6];
	[sflag:s9] =	ssyncadd.s32 $0xFFFF4000  }
0x1d: {  	[tilespmem:s14], [sflag:$0x1] =	stream.linear.gather [hbm4b:s0+s3], $0x2000, $0x38;
	[tilespmem:$0x10100] =	vst v63  }
0x1e: {  	_ =	swait.ge [sflag:s9], $0x2000  }
0x1f: {  	[sflag:s9] =	ssyncset.done $0x0  }
0x20: {  	s1 =	rddreg [dreg:$0x7];
	[sflag:s9] =	ssyncadd.s32 $0xFFFFE000  }
0x21: {  	[tilespmem:s15], [sflag:$0x1] =	stream.linear.gather [hbm4b:s1+s3], $0x2000, $0x38;
	[tilespmem:$0x10100] =	vst v63  }
0x22: {  	_ =	swait.ge [sflag:s9], $0x2000  }
0x23: {  	[sflag:s9] =	ssyncset.done $0x0  }
0x24: {  	[sflag:s9] =	ssyncadd.s32 $0xFFFFE000  }
0x25: {  	v3 =	vld [tilespmem:$0xC000];
	_ =	sdelay $0x4  }
0x26: {  	v4 =	vshrl.u32 v3, $0x3  }
0x27: {  	v4 =	vmul.u32 $0x30, v4  }
0x28: {  	v3 =	vand.u32 $0x7, v3  }
0x29: {  	v3 =	vor.u32 v3, v4  }
0x2a: {  	v4 =	vperm.xlane v3, v0;
	_ =	sdelay $0x1  }
0x2b: {  	v4 =	vadd.s32 v1, v4;
	_ =	sdelay $0x3  }
0x2c: {  	v3 =	vperm.xlane v3, v2  }
0x2d: {  	[hbm4b:s4+s3] =	stream.indirect_vreg.scatter [tilespmem:s3], [sflag:$0x1], $0x80, v4, vm0, $0xb8;
	[tilespmem:$0x10100] =	vst v63  }
0x2e: {  	s11 =	simm.s32 $0x800;
	v3 =	vadd.s32 v1, v3  }
0x2f: {  	[hbm4b:s5+s3] =	stream.indirect_vreg.scatter [tilespmem:s11], [sflag:$0x1], $0x80, v4, vm0, $0xb8;
	[tilespmem:$0x10100] =	vst v63  }
0x30: {  	s12 =	simm.s32 $0x1000  }
0x31: {  	[hbm4b:s6+s3] =	stream.indirect_vreg.scatter [tilespmem:s12], [sflag:$0x1], $0x80, v4, vm0, $0xb8;
	[tilespmem:$0x10100] =	vst v63  }
0x32: {  	_ = 	snop  }
0x33: {  	[hbm4b:s4+s3] =	stream.indirect_vreg.scatter [tilespmem:s16], [sflag:$0x1], $0x80, v3, vm0, $0xb8;
	[tilespmem:$0x10100] =	vst v63  }
0x34: {  	_ = 	snop  }
0x35: {  	[hbm4b:s5+s3] =	stream.indirect_vreg.scatter [tilespmem:s17], [sflag:$0x1], $0x80, v3, vm0, $0xb8;
	[tilespmem:$0x10100] =	vst v63  }
0x36: {  	_ = 	snop  }
0x37: {  	[hbm4b:s6+s3] =	stream.indirect_vreg.scatter [tilespmem:s18], [sflag:$0x1], $0x80, v3, vm0, $0xb8;
	[tilespmem:$0x10100] =	vst v63  }
0x38: {  	v3 =	vld [tilespmem:$0xC010];
	_ =	sdelay $0x4  }
0x39: {  	v57 =	vshrl.u32 v3, $0x3  }
0x3a: {  	v4 =	vmul.u32 $0x30, v57  }
0x3b: {  	v3 =	vand.u32 $0x7, v3  }
0x3c: {  	v3 =	vor.u32 v3, v4  }
0x3d: {  	v4 =	vperm.xlane v3, v0;
	_ =	sdelay $0x1  }
0x3e: {  	v4 =	vadd.s32 v1, v4;
	_ =	sdelay $0x3  }
0x3f: {  	v3 =	vperm.xlane v3, v2  }
0x40: {  	[hbm4b:s4+s3] =	stream.indirect_vreg.scatter [tilespmem:s19], [sflag:$0x1], $0x80, v4, vm0, $0xb8;
	[tilespmem:$0x10100] =	vst v63  }
0x41: {  	v3 =	vadd.s32 v1, v3  }
0x42: {  	[hbm4b:s5+s3] =	stream.indirect_vreg.scatter [tilespmem:s20], [sflag:$0x1], $0x80, v4, vm0, $0xb8;
	[tilespmem:$0x10100] =	vst v63  }
0x43: {  	_ = 	snop  }
0x44: {  	[hbm4b:s6+s3] =	stream.indirect_vreg.scatter [tilespmem:s21], [sflag:$0x1], $0x80, v4, vm0, $0xb8;
	[tilespmem:$0x10100] =	vst v63  }
0x45: {  	_ = 	snop  }
0x46: {  	[hbm4b:s4+s3] =	stream.indirect_vreg.scatter [tilespmem:s22], [sflag:$0x1], $0x80, v3, vm0, $0xb8;
	[tilespmem:$0x10100] =	vst v63  }
0x47: {  	_ = 	snop  }
0x48: {  	[hbm4b:s5+s3] =	stream.indirect_vreg.scatter [tilespmem:s23], [sflag:$0x1], $0x80, v3, vm0, $0xb8;
	[tilespmem:$0x10100] =	vst v63  }
0x49: {  	_ = 	snop  }
0x4a: {  	[hbm4b:s6+s3] =	stream.indirect_vreg.scatter [tilespmem:s24], [sflag:$0x1], $0x80, v3, vm0, $0xb8;
	[tilespmem:$0x10100] =	vst v63  }
0x4b: {  	v3 =	vld [tilespmem:$0xC020];
	_ =	sdelay $0x4  }
0x4c: {  	v58 =	vshrl.u32 v3, $0x3  }
0x4d: {  	v4 =	vmul.u32 $0x30, v58  }
0x4e: {  	v3 =	vand.u32 $0x7, v3  }
0x4f: {  	v3 =	vor.u32 v3, v4  }
0x50: {  	v4 =	vperm.xlane v3, v0;
	_ =	sdelay $0x1  }
0x51: {  	v4 =	vadd.s32 v1, v4;
	_ =	sdelay $0x3  }
0x52: {  	v3 =	vperm.xlane v3, v2  }
0x53: {  	[hbm4b:s4+s3] =	stream.indirect_vreg.scatter [tilespmem:s25], [sflag:$0x1], $0x80, v4, vm0, $0xb8;
	[tilespmem:$0x10100] =	vst v63  }
0x54: {  	v3 =	vadd.s32 v1, v3  }
0x55: {  	[hbm4b:s5+s3] =	stream.indirect_vreg.scatter [tilespmem:s26], [sflag:$0x1], $0x80, v4, vm0, $0xb8;
	[tilespmem:$0x10100] =	vst v63  }
0x56: {  	_ = 	snop  }
0x57: {  	[hbm4b:s6+s3] =	stream.indirect_vreg.scatter [tilespmem:s28], [sflag:$0x1], $0x80, v4, vm0, $0xb8;
	[tilespmem:$0x10100] =	vst v63  }
0x58: {  	_ = 	snop  }
0x59: {  	[hbm4b:s4+s3] =	stream.indirect_vreg.scatter [tilespmem:s29], [sflag:$0x1], $0x80, v3, vm0, $0xb8;
	[tilespmem:$0x10100] =	vst v63  }
0x5a: {  	_ = 	snop  }
0x5b: {  	[hbm4b:s5+s3] =	stream.indirect_vreg.scatter [tilespmem:s30], [sflag:$0x1], $0x80, v3, vm0, $0xb8;
	[tilespmem:$0x10100] =	vst v63  }
0x5c: {  	_ = 	snop  }
0x5d: {  	[hbm4b:s6+s3] =	stream.indirect_vreg.scatter [tilespmem:s31], [sflag:$0x1], $0x80, v3, vm0, $0xb8;
	[tilespmem:$0x10100] =	vst v63  }
0x5e: {  	v3 =	vld [tilespmem:$0xC030];
	_ =	sdelay $0x4  }
0x5f: {  	v59 =	vshrl.u32 v3, $0x3  }
0x60: {  	v4 =	vmul.u32 $0x30, v59  }
0x61: {  	v3 =	vand.u32 $0x7, v3  }
0x62: {  	v3 =	vor.u32 v3, v4  }
0x63: {  	v4 =	vperm.xlane v3, v0;
	_ =	sdelay $0x1  }
0x64: {  	v4 =	vadd.s32 v1, v4;
	_ =	sdelay $0x3  }
0x65: {  	s1 =	simm.s32 $0x9000;
	v3 =	vperm.xlane v3, v2  }
0x66: {  	[hbm4b:s4+s3] =	stream.indirect_vreg.scatter [tilespmem:s1], [sflag:$0x1], $0x80, v4, vm0, $0xb8;
	[tilespmem:$0x10100] =	vst v63  }
0x67: {  	s0 =	simm.s32 $0x9800;
	v3 =	vadd.s32 v1, v3  }
0x68: {  	[hbm4b:s5+s3] =	stream.indirect_vreg.scatter [tilespmem:s0], [sflag:$0x1], $0x80, v4, vm0, $0xb8;
	[tilespmem:$0x10100] =	vst v63  }
0x69: {  	_ = 	snop  }
0x6a: {  	[hbm4b:s6+s3] =	stream.indirect_vreg.scatter [tilespmem:s2], [sflag:$0x1], $0x80, v4, vm0, $0xb8;
	[tilespmem:$0x10100] =	vst v63  }
0x6b: {  	_ = 	snop  }
0x6c: {  	[hbm4b:s4+s3] =	stream.indirect_vreg.scatter [tilespmem:s8], [sflag:$0x1], $0x80, v3, vm0, $0xb8;
	[tilespmem:$0x10100] =	vst v63  }
0x6d: {  	_ = 	snop  }
0x6e: {  	[hbm4b:s5+s3] =	stream.indirect_vreg.scatter [tilespmem:s10], [sflag:$0x1], $0x80, v3, vm0, $0xb8;
	[tilespmem:$0x10100] =	vst v63  }
0x6f: {  	_ = 	snop  }
0x70: {  	[hbm4b:s6+s3] =	stream.indirect_vreg.scatter [tilespmem:s13], [sflag:$0x1], $0x80, v3, vm0, $0xb8;
	[tilespmem:$0x10100] =	vst v63  }
0x71: {  	_ =	swait.ge [sflag:s9], $0xC000  }
0x72: {  	[sflag:s9] =	ssyncset.done $0x0  }
0x73: {  	[sflag:s9] =	ssyncadd.s32 $0xFFFF4000  }
0x74: {  	v3 =	vld [tilespmem:$0xC080];
	_ =	sdelay $0x4  }
0x75: {  	v60 =	vshrl.u32 v3, $0x3  }
0x76: {  	v4 =	vmul.u32 $0x30, v60  }
0x77: {  	v3 =	vand.u32 $0x7, v3  }
0x78: {  	v3 =	vor.u32 v3, v4  }
0x79: {  	v4 =	vperm.xlane v3, v0;
	_ =	sdelay $0x1  }
0x7a: {  	v4 =	vadd.s32 v1, v4;
	_ =	sdelay $0x3  }
0x7b: {  	v3 =	vperm.xlane v3, v2  }
0x7c: {  	[hbm4b:s4+s3] =	stream.indirect_vreg.scatter [tilespmem:s3], [sflag:$0x1], $0x80, v4, vm0, $0xb8;
	[tilespmem:$0x10100] =	vst v63  }
0x7d: {  	v3 =	vadd.s32 v1, v3  }
0x7e: {  	[hbm4b:s5+s3] =	stream.indirect_vreg.scatter [tilespmem:s11], [sflag:$0x1], $0x80, v4, vm0, $0xb8;
	[tilespmem:$0x10100] =	vst v63  }
0x7f: {  	_ = 	snop  }
0x80: {  	[hbm4b:s6+s3] =	stream.indirect_vreg.scatter [tilespmem:s12], [sflag:$0x1], $0x80, v4, vm0, $0xb8;
	[tilespmem:$0x10100] =	vst v63  }
0x81: {  	_ = 	snop  }
0x82: {  	[hbm4b:s4+s3] =	stream.indirect_vreg.scatter [tilespmem:s16], [sflag:$0x1], $0x80, v3, vm0, $0xb8;
	[tilespmem:$0x10100] =	vst v63  }
0x83: {  	_ = 	snop  }
0x84: {  	[hbm4b:s5+s3] =	stream.indirect_vreg.scatter [tilespmem:s17], [sflag:$0x1], $0x80, v3, vm0, $0xb8;
	[tilespmem:$0x10100] =	vst v63  }
0x85: {  	_ = 	snop  }
0x86: {  	[hbm4b:s6+s3] =	stream.indirect_vreg.scatter [tilespmem:s18], [sflag:$0x1], $0x80, v3, vm0, $0xb8;
	[tilespmem:$0x10100] =	vst v63  }
0x87: {  	v3 =	vld [tilespmem:$0xC090];
	_ =	sdelay $0x4  }
0x88: {  	v61 =	vshrl.u32 v3, $0x3  }
0x89: {  	v4 =	vmul.u32 $0x30, v61  }
0x8a: {  	v3 =	vand.u32 $0x7, v3  }
0x8b: {  	v3 =	vor.u32 v3, v4  }
0x8c: {  	v4 =	vperm.xlane v3, v0;
	_ =	sdelay $0x1  }
0x8d: {  	v4 =	vadd.s32 v1, v4;
	_ =	sdelay $0x3  }
0x8e: {  	v3 =	vperm.xlane v3, v2  }
0x8f: {  	[hbm4b:s4+s3] =	stream.indirect_vreg.scatter [tilespmem:s19], [sflag:$0x1], $0x80, v4, vm0, $0xb8;
	[tilespmem:$0x10100] =	vst v63  }
0x90: {  	v3 =	vadd.s32 v1, v3  }
0x91: {  	[hbm4b:s5+s3] =	stream.indirect_vreg.scatter [tilespmem:s20], [sflag:$0x1], $0x80, v4, vm0, $0xb8;
	[tilespmem:$0x10100] =	vst v63  }
0x92: {  	_ = 	snop  }
0x93: {  	[hbm4b:s6+s3] =	stream.indirect_vreg.scatter [tilespmem:s21], [sflag:$0x1], $0x80, v4, vm0, $0xb8;
	[tilespmem:$0x10100] =	vst v63  }
0x94: {  	_ = 	snop  }
0x95: {  	[hbm4b:s4+s3] =	stream.indirect_vreg.scatter [tilespmem:s22], [sflag:$0x1], $0x80, v3, vm0, $0xb8;
	[tilespmem:$0x10100] =	vst v63  }
0x96: {  	_ = 	snop  }
0x97: {  	[hbm4b:s5+s3] =	stream.indirect_vreg.scatter [tilespmem:s23], [sflag:$0x1], $0x80, v3, vm0, $0xb8;
	[tilespmem:$0x10100] =	vst v63  }
0x98: {  	_ = 	snop  }
0x99: {  	[hbm4b:s6+s3] =	stream.indirect_vreg.scatter [tilespmem:s24], [sflag:$0x1], $0x80, v3, vm0, $0xb8;
	[tilespmem:$0x10100] =	vst v63  }
0x9a: {  	v3 =	vld [tilespmem:$0xC0A0];
	_ =	sdelay $0x4  }
0x9b: {  	v62 =	vshrl.u32 v3, $0x3  }
0x9c: {  	v4 =	vmul.u32 $0x30, v62  }
0x9d: {  	v3 =	vand.u32 $0x7, v3  }
0x9e: {  	v3 =	vor.u32 v3, v4  }
0x9f: {  	v4 =	vperm.xlane v3, v0;
	_ =	sdelay $0x1  }
0xa0: {  	v4 =	vadd.s32 v1, v4;
	_ =	sdelay $0x3  }
0xa1: {  	v3 =	vperm.xlane v3, v2  }
0xa2: {  	[hbm4b:s4+s3] =	stream.indirect_vreg.scatter [tilespmem:s25], [sflag:$0x1], $0x80, v4, vm0, $0xb8;
	[tilespmem:$0x10100] =	vst v63  }
0xa3: {  	v3 =	vadd.s32 v1, v3  }
0xa4: {  	[hbm4b:s5+s3] =	stream.indirect_vreg.scatter [tilespmem:s26], [sflag:$0x1], $0x80, v4, vm0, $0xb8;
	[tilespmem:$0x10100] =	vst v63  }
0xa5: {  	_ = 	snop  }
0xa6: {  	[hbm4b:s6+s3] =	stream.indirect_vreg.scatter [tilespmem:s28], [sflag:$0x1], $0x80, v4, vm0, $0xb8;
	[tilespmem:$0x10100] =	vst v63  }
0xa7: {  	_ = 	snop  }
0xa8: {  	[hbm4b:s4+s3] =	stream.indirect_vreg.scatter [tilespmem:s29], [sflag:$0x1], $0x80, v3, vm0, $0xb8;
	[tilespmem:$0x10100] =	vst v63  }
0xa9: {  	_ = 	snop  }
0xaa: {  	[hbm4b:s5+s3] =	stream.indirect_vreg.scatter [tilespmem:s30], [sflag:$0x1], $0x80, v3, vm0, $0xb8;
	[tilespmem:$0x10100] =	vst v63  }
0xab: {  	_ = 	snop  }
0xac: {  	[hbm4b:s6+s3] =	stream.indirect_vreg.scatter [tilespmem:s31], [sflag:$0x1], $0x80, v3, vm0, $0xb8;
	[tilespmem:$0x10100] =	vst v63  }
0xad: {  	v3 =	vld [tilespmem:$0xC0B0];
	_ =	sdelay $0x4  }
0xae: {  	v63 =	vshrl.u32 v3, $0x3  }
0xaf: {  	v4 =	vmul.u32 $0x30, v63  }
0xb0: {  	v3 =	vand.u32 $0x7, v3  }
0xb1: {  	v3 =	vor.u32 v3, v4  }
0xb2: {  	v4 =	vperm.xlane v3, v0;
	_ =	sdelay $0x1  }
0xb3: {  	v4 =	vadd.s32 v1, v4;
	_ =	sdelay $0x3  }
0xb4: {  	v3 =	vperm.xlane v3, v2  }
0xb5: {  	[hbm4b:s4+s3] =	stream.indirect_vreg.scatter [tilespmem:s1], [sflag:$0x1], $0x80, v4, vm0, $0xb8;
	[tilespmem:$0x10100] =	vst v63  }
0xb6: {  	v3 =	vadd.s32 v1, v3  }
0xb7: {  	[hbm4b:s5+s3] =	stream.indirect_vreg.scatter [tilespmem:s0], [sflag:$0x1], $0x80, v4, vm0, $0xb8;
	[tilespmem:$0x10100] =	vst v63  }
0xb8: {  	_ = 	snop  }
0xb9: {  	[hbm4b:s6+s3] =	stream.indirect_vreg.scatter [tilespmem:s2], [sflag:$0x1], $0x80, v4, vm0, $0xb8;
	[tilespmem:$0x10100] =	vst v63  }
0xba: {  	_ = 	snop  }
0xbb: {  	[hbm4b:s4+s3] =	stream.indirect_vreg.scatter [tilespmem:s8], [sflag:$0x1], $0x80, v3, vm0, $0xb8;
	[tilespmem:$0x10100] =	vst v63  }
0xbc: {  	_ = 	snop  }
0xbd: {  	[hbm4b:s5+s3] =	stream.indirect_vreg.scatter [tilespmem:s10], [sflag:$0x1], $0x80, v3, vm0, $0xb8;
	[tilespmem:$0x10100] =	vst v63  }
0xbe: {  	_ = 	snop  }
0xbf: {  	[hbm4b:s6+s3] =	stream.indirect_vreg.scatter [tilespmem:s13], [sflag:$0x1], $0x80, v3, vm0, $0xb8;
	[tilespmem:$0x10100] =	vst v63  }
0xc0: {  	_ =	swait.ge [sflag:s9], $0xC000  }
0xc1: {  	[sflag:s9] =	ssyncset.done $0x0  }
0xc2: {  	[sflag:s9] =	ssyncadd.s32 $0xFFFF4000  }
0xc3: {  	s11 =	simm.s32 $0xC000;
	s0 =	simm.s32 $0x40;
	s12 =	rddreg [dreg:$0x2]  }
0xc4: {  	[hbm4b:s12+s0] =	stream.indirect.scatter [tilespmem:s14], [sflag:$0x1], $0x80, s11, s0, $0xb8;
	[tilespmem:$0x10100] =	vst v63  }
0xc5: {  	_ =	swait.ge [sflag:s9], $0x2000  }
0xc6: {  	p0 =	sne.s32 s7, $0x1;
	[sflag:s9] =	ssyncset.done $0x0  }
.Ltmp0:
0xc7: {  	s1 =	rddreg [dreg:$0x8];
	[sflag:s9] =	ssyncadd.s32 $0xFFFFE000;
	(pc) =	sbr.rel @p0 .LBB2_1-.Ltmp0, $4  }
0xc8: {  	[hbm4b:s12+s0] =	stream.indirect.scatter [tilespmem:s15], [sflag:$0x1], $0x80, s1, s0, $0xb8;
	[tilespmem:$0x10100] =	vst v63  }
0xc9: {  	_ =	swait.ge [sflag:s9], $0x2000  }
0xca: {  	[sflag:s9] =	ssyncset.done $0x0  }
0xcb: {  	s7 =	sadd.s32 $0xFFFFFFFF, s7;
	[sflag:s9] =	ssyncadd.s32 $0xFFFFE000  }
0xcc: {  	_ =	sfence.sel $0x180000  }
0xcd: {  	[bflag:$0x0] =	sbarrier.arrive $0xFFFF  }
0xce: {  	_ =	strace $0x90000047  }
0xcf: {  	s0 =	stileid.u32;
	[bflag:$0x2] =	sbarrier.arrive $0xFFFF  }
0xd0: {  	p0 =	sne.s32 s0, $0x0;
	s0 =	rddreg [dreg:$0x3]  }
0xd1: {  	s0 =	sadd.s32 @!p0 $0x100000, s0  }
0xd2: {  	[sflag:s0] =	ssyncadd.tile.s32 @!p0 $0x1;
	_ =	shalt  }
.Lfunc_end2:
_tile_overlayer_lowered:
.L_overlay_start_2:
0xd3: {  	(tag) =	ssettag $0x2  }
0xd4: {  	s0 =	rddreg [dreg:$0x0];
	s2 =	stileid.u32  }
0xd5: {  	s1 =	rddreg [dreg:$0x1];
	p0 =	sne.s32 s2, $0x0  }
0xd6: {  	s3 =	rddreg [dreg:$0x2];
	[bflag:$0x3] =	sbarrier.arrive $0xFFFF;
	s2 =	simm.s32 @!p0 $0x1C01  }
0xd7: {  	[timem:s3], [sflag:s2] =	dma.local @!p0 [hbm:s0], s1  }
0xd8: {  	s0 =	simm.s32 @!p0 $0x1  }
0xd9: {  	_ =	swait.ge @!p0 [sflag:s0], s1  }
0xda: {  	s1 =	ssub.s32 @!p0 $0x0, s1;
	[sflag:s0] =	ssyncset.done @!p0 $0x0  }
0xdb: {  	[sflag:s0] =	ssyncadd.s32 @!p0 s1  }
0xdc: {  	[bflag:$0x3] =	sbarrier.arrive $0xFFFF  }
0xdd: {  	_ =	shalt  }

// kernel: kernel.9.cloned.1.call-start
scs
__scs_entry_jumppad:
0x0: {  	(pc) =	sbr.rel $0x88, $3  }
0x1: {  	(tag) =	ssettag $0x0;
	lr =	simm.s32 $0x1  }
0x2: {  	[smem:$0x3F94] =	sst lr;
	_ =	strace $0xD0000000  }
0x3: {  	_ = 	snop  }
0x4: {  	_ = 	snop  }
0x5: {  	_ = 	snop  }
0x6: {  	_ = 	snop  }
0x7: {  	_ = 	snop  }
__scs_overlays_trampoline_lowered:
0x8: {  	[smem:$0x3FA3] =	sst s0  }
0x9: {  	[smem:$0x3FA4] =	sst s1  }
0xa: {  	[smem:$0x3FA5] =	sst s2  }
0xb: {  	[smem:$0x3FA6] =	sst s3  }
0xc: {  	[smem:$0x3FA7] =	sst s4  }
0xd: {  	[smem:$0x3FA8] =	sst s5  }
0xe: {  	[smem:$0x3FA9] =	sst s6  }
0xf: {  	[smem:$0x3FAA] =	sst s7  }
0x10: {  	[smem:$0x3FAB] =	sst s8  }
0x11: {  	[smem:$0x3FAC] =	sst s9;
	s0 =	simm.s32 @!p0 $0x0  }
0x12: {  	s1 =	sld [smem:$0x3F92];
	s0 =	simm.s32 @p0 $0x1  }
0x13: {  	[smem:$0x3FAD] =	sst s0;
	s0 =	simm.s32 @!p1 $0x0  }
0x14: {  	s2 =	sld [smem:$0x3F91];
	s0 =	simm.s32 @p1 $0x1  }
0x15: {  	[smem:$0x3FAE] =	sst s0;
	s0 =	simm.s32 @!p2 $0x0  }
0x16: {  	s3 =	sld [smem:$0x3FDB];
	s0 =	simm.s32 @p2 $0x1  }
0x17: {  	s4 =	simm.s32 $0x1BF5;
	[smem:$0x3FB0] =	sst s0  }
0x18: {  	s0 =	sld [smem:$0x3F93];
	_ =	swait.ge [sflag:s4], $0x0  }
0x19: {  	s7 =	sld [smem:$0x3F94]  }
0x1a: {  	s8 =	sadd.s32 $0xFFFFE003, lr  }
0x1b: {  	s9 =	sadd.s32 $0xFFFFFEF7, lr;
	s5 =	simm.s32 $0xFFFFFFFF;
	p2 =	slt.u32 s8, $0xFFFFF086  }
0x1c: {  	p1 =	slt.u32 s9, $0xF7A;
	s5 =	simm.s32 @!p2 $0x0  }
0x1d: {  	s5 =	simm.s32 @p1 $0x1;
	p0 =	seq.s32 s7, s2  }
0x1e: {  	s7 =	smul.u32 @!p0 $0xF7A, s2;
	p2 =	seq.s32 @!p0 s5, $0x0  }
0x1f: {  	s9 =	smul.u32 $0xF7A, s1;
	s8 =	simm.s32 @!p0 $0x1BF5;
	p2 =	por !p2, p0  }
0x20: {  	[sflag:s8] =	ssyncset.s32 @!p0 $0xFFFFF086;
	s6 =	sadd.s32 @!p0 s3, s7;
	s7 =	simm.s32 @!p0 $0x108  }
0x21: {  	s3 =	sadd.s32 s3, s9;
	s6 =	sadd.s32 @!p0 $0x88, s6;
	s7 =	simm.s32 @p2 $0x1082  }
0x22: {  	[simem:s7], [sflag:s8] =	dma.local @!p0 [hbm:s6], $0xF7A  }
0x23: {  	s9 =	sor.u32 $0xD0000000, s2;
	s6 =	simm.s32 $0x108;
	_ =	swait.ge @!p0 [sflag:s8], $0x0  }
0x24: {  	s3 =	sadd.s32 $0x88, s3;
	s6 =	simm.s32 @!p1 $0x1082;
	[sflag:s4] =	ssyncset.s32 $0xFFFFF086  }
0x25: {  	[simem:s6], [sflag:s4] =	dma.local [hbm:s3], $0xF7A  }
0x26: {  	[smem:$0x3F94] =	sst s1;
	(tag) =	ssettag s2;
	_ =	strace s9  }
0x27: {  	s1 =	sld [smem:$0x3FA4]  }
0x28: {  	s2 =	sld [smem:$0x3FA5]  }
0x29: {  	s4 =	sld [smem:$0x3FA7]  }
0x2a: {  	p0 =	seq.s32 s5, $0x0;
	s5 =	sld [smem:$0x3FA8]  }
0x2b: {  	s6 =	sld [smem:$0x3FA9]  }
0x2c: {  	s7 =	sld [smem:$0x3FAA]  }
0x2d: {  	s3 =	simm.s32 $0x108;
	s8 =	sld [smem:$0x3FAB]  }
0x2e: {  	s3 =	simm.s32 @!p0 $0x1082;
	s9 =	sld [smem:$0x3FAC]  }
0x2f: {  	lr =	sadd.s32 s0, s3;
	s0 =	sld [smem:$0x3FA3]  }
0x30: {  	s3 =	sld [smem:$0x3FA6]  }
0x31: {  	[smem:$0x3FAF] =	sst s10  }
0x32: {  	s10 =	sld [smem:$0x3FAD];
	_ =	sdelay $0x3  }
0x33: {  	p0 =	seq.s32 s10, $0x1;
	s10 =	sld [smem:$0x3FAF];
	_ =	sdelay $0x3  }
0x34: {  	[smem:$0x3FAF] =	sst s10  }
0x35: {  	s10 =	sld [smem:$0x3FAE];
	_ =	sdelay $0x3  }
0x36: {  	p1 =	seq.s32 s10, $0x1;
	s10 =	sld [smem:$0x3FAF];
	_ =	sdelay $0x3  }
0x37: {  	[smem:$0x3FAF] =	sst s10  }
0x38: {  	s10 =	sld [smem:$0x3FB0]  }
0x39: {  	_ = 	snop;
	(pc) =	sbr.ind lr, $3  }
0x3a: {  	_ = 	snop  }
0x3b: {  	_ = 	snop  }
0x3c: {  	p2 =	seq.s32 s10, $0x1;
	s10 =	sld [smem:$0x3FAF]  }
0x3d: {  	_ =	shalt  }
0x3e: {  	_ =	shalt  }
0x3f: {  	_ =	shalt  }
0x40: {  	_ =	shalt  }
0x41: {  	_ =	shalt  }
0x42: {  	_ =	shalt  }
0x43: {  	_ =	shalt  }
0x44: {  	_ =	shalt  }
0x45: {  	_ =	shalt  }
0x46: {  	_ =	shalt  }
0x47: {  	_ =	shalt  }
0x48: {  	_ =	shalt  }
0x49: {  	_ =	shalt  }
0x4a: {  	_ =	shalt  }
0x4b: {  	_ =	shalt  }
0x4c: {  	_ =	shalt  }
0x4d: {  	_ =	shalt  }
0x4e: {  	_ =	shalt  }
0x4f: {  	_ =	shalt  }
0x50: {  	_ =	shalt  }
0x51: {  	_ =	shalt  }
0x52: {  	_ =	shalt  }
0x53: {  	_ =	shalt  }
0x54: {  	_ =	shalt  }
0x55: {  	_ =	shalt  }
0x56: {  	_ =	shalt  }
0x57: {  	_ =	shalt  }
0x58: {  	_ =	shalt  }
0x59: {  	_ =	shalt  }
0x5a: {  	_ =	shalt  }
0x5b: {  	_ =	shalt  }
0x5c: {  	_ =	shalt  }
0x5d: {  	_ =	shalt  }
0x5e: {  	_ =	shalt  }
0x5f: {  	_ =	shalt  }
0x60: {  	_ =	shalt  }
0x61: {  	_ =	shalt  }
0x62: {  	_ =	shalt  }
0x63: {  	_ =	shalt  }
0x64: {  	_ =	shalt  }
0x65: {  	_ =	shalt  }
0x66: {  	_ =	shalt  }
0x67: {  	_ =	shalt  }
0x68: {  	_ =	shalt  }
0x69: {  	_ =	shalt  }
0x6a: {  	_ =	shalt  }
0x6b: {  	_ =	shalt  }
0x6c: {  	_ =	shalt  }
0x6d: {  	_ =	shalt  }
0x6e: {  	_ =	shalt  }
0x6f: {  	_ =	shalt  }
0x70: {  	_ =	shalt  }
0x71: {  	_ =	shalt  }
0x72: {  	_ =	shalt  }
0x73: {  	_ =	shalt  }
0x74: {  	_ =	shalt  }
0x75: {  	_ =	shalt  }
0x76: {  	_ =	shalt  }
0x77: {  	_ =	shalt  }
0x78: {  	_ =	shalt  }
0x79: {  	_ =	shalt  }
0x7a: {  	_ =	shalt  }
0x7b: {  	_ =	shalt  }
0x7c: {  	_ =	shalt  }
0x7d: {  	_ =	shalt  }
0x7e: {  	_ =	shalt  }
0x7f: {  	_ =	shalt  }
0x80: {  	_ =	shalt  }
0x81: {  	_ =	shalt  }
0x82: {  	_ =	shalt  }
0x83: {  	_ =	shalt  }
0x84: {  	_ =	shalt  }
0x85: {  	_ =	shalt  }
0x86: {  	_ =	shalt  }
0x87: {  	_ =	shalt  }
.Lfunc_end0:
.L_simem_size_0:
called_computation.1_lowered:
.L_overlay_start_0:
0x88: {  	s2 =	sld [smem:$0x3FD9]  }
0x89: {  	s3 =	sld [smem:$0x3FFE];
	_ =	sdelay $0x1  }
0x8a: {  	s1 =	srdreg.scid  }
0x8b: {  	s0 =	sand.u32 $0x1, s1  }
0x8c: {  	s17 =	sshll.u32 s0, $0xA;
	s2 =	sadd.s32 s3, s2  }
0x8d: {  	s2 =	sadd.s32 s2, s17  }
0x8e: {  	[smem:$0x3FBB] =	sst s2  }
0x8f: {  	_ = 	snop  }
0x90: {  	s2 =	sld [smem:$0x3FD0];
	(tm) =	ssettm $0x1  }
0x91: {  	s18 =	sld [smem:$0x3FFB];
	_ =	sdelay $0x3  }
0x92: {  	_ =	strace s18  }
0x93: {  	s3 =	sld [smem:$0x3FFC];
	_ =	sdelay $0x3  }
0x94: {  	_ =	strace s3  }
0x95: {  	s3 =	sld [smem:$0x3FFD];
	_ =	sdelay $0x3  }
0x96: {  	_ =	strace s3  }
0x97: {  	_ =	strace $0x8FFFFFFF  }
0x98: {  	s19 =	sld [smem:$0x3FDB];
	_ =	sdelay $0x1  }
0x99: {  	s4 =	simm.s32 $_scs_section_size  }
0x9a: {  	s5 =	simm.s32 $_size__tile_overlayer_lowered;
	s6 =	simm.s32 $_tile_overlayer_lowered  }
0x9b: {  	s22 =	simm.s32 $0x1BFF;
	s21 =	sshll.u32 s6, $0x1;
	s3 =	sadd.s32 s4, s19  }
0x9c: {  	s7 =	simm.s32 $0x0;
	s20 =	sshll.u32 s5, $0x1;
	s5 =	sadd.s32 s21, s3  }
0x9d: {  	[timem:s7], [sflag:s22] =	dma.local [hbm:s5], s20  }
0x9e: {  	_ =	swait.ge [sflag:s22], s20  }
0x9f: {  	s4 =	ssub.s32 $0x0, s20;
	[sflag:s22] =	ssyncset.done $0x0  }
0xa0: {  	[sflag:s22] =	ssyncadd.s32 s4;
	_ =	sdelay $0x1  }
0xa1: {  	s23 =	simm.s32 $0x1B8B  }
0xa2: {  	_ =	swait.ge [sflag:s23], $0x1  }
0xa3: {  	[sflag:s23] =	ssyncset.done $0x0  }
0xa4: {  	s25 =	simm.s32 $0x1B8E;
	s24 =	sld [smem:$0x3FFE];
	[sflag:s23] =	ssyncadd.s32 $0xFFFFFFFF  }
0xa5: {  	s26 =	simm.s32 $execute0_lowered;
	[smem:$0x3FD2] =	sst s25  }
0xa6: {  	s5 =	sshll.u32 s26, $0x1;
	_ =	strace $0x80000049;
	[dreg:$0x1] =	wrdreg $0xFFFFFFFF  }
0xa7: {  	s28 =	simm.s32 $_size_execute0_lowered;
	s3 =	sadd.s32 s3, s5;
	[dreg:$0x0] =	wrdreg $0x0  }
0xa8: {  	s5 =	sshll.u32 s28, $0x1;
	[dreg:$0x2] =	wrdreg s3  }
0xa9: {  	[dreg:$0x3] =	wrdreg s5  }
0xaa: {  	[dreg:$0x4] =	wrdreg $0xC0  }
0xab: {  	_ =	task [dreg:s7], $0x5FFFF  }
0xac: {  	[dreg:$0x1] =	wrdreg $0xFFFFFFFF  }
0xad: {  	[dreg:$0x0] =	wrdreg $0x60  }
0xae: {  	[dreg:$0x2] =	wrdreg s24  }
0xaf: {  	[dreg:$0x3] =	wrdreg s2  }
0xb0: {  	[dreg:$0x4] =	wrdreg $0x9  }
0xb1: {  	_ =	task.clear_ibuf [dreg:s7], $0x5FFFF;
	_ =	strace $0x90000049  }
0xb2: {  	s29 =	simm.s32 $0x9;
	_ =	strace $0x8000004B  }
0xb3: {  	_ =	swait.ge [sflag:s29], $0x1  }
0xb4: {  	[sflag:s29] =	ssyncadd.s32 $0xFFFFFFFF  }
0xb5: {  	_ =	strace $0x9000004B  }
0xb6: {  	_ =	sfence  }
0xb7: {  	s30 =	sld [smem:$0x0];
	_ =	sdelay $0x2  }
0xb8: {  	s31 =	sshll.u32 s1, $0xD;
	s1 =	sshrl.u32 s1, $0x2  }
0xb9: {  	s3 =	sand.u32 $0x4000, s31;
	s1 =	sadd.s32 s1, s30  }
0xba: {  	s0 =	sor.u32 s3, s0;
	s1 =	sshll.u32 s1, $0x11  }
0xbb: {  	s0 =	sor.u32 s1, s0  }
0xbc: {  	s0 =	sadd.s32 $0x8F2B, s0  }
0xbd: {  	[sflag:s0] =	ssyncadd.remote.s32 $0x1  }
0xbe: {  	_ =	sfence.sel $0xFFFF  }
0xbf: {  	[dreg:$0x0] =	wrdreg $0xFFFFFFFF;
	(pc) =	sbr.abs _section_cstart, $3  }
0xc0: {  	[dreg:$0x1] =	wrdreg $0xFFFFFFFF  }
0xc1: {  	_ =	task.clear_ibuf [dreg:s7], $0x2FFFF;
	_ =	strace $0x9FFFFFFF  }
0xc2: {  	(tm) =	ssettm $0x7FFFFFFF  }
0xc3: {  	_ =	shalt  }
tec
execute0_lowered:
.L_overlay_start_1:
0x0: {  	(tag) =	ssettag $0x1  }
0x1: {  	s0 =	rddreg [dreg:$0x0]  }
0x2: {  	s1 =	rddreg [dreg:$0x1]  }
0x3: {  	s3 =	srdreg.scid;
	s5 =	stileid.u32;
	s2 =	simm.s32 $0x0  }
0x4: {  	s10 =	simm.s32 $0x3;
	s20 =	simm.s32 $0x10800;
	s21 =	simm.s32 $0x11000  }
0x5: {  	s22 =	simm.s32 $0x11800;
	s23 =	simm.s32 $0x12000;
	s24 =	simm.s32 $0x12800  }
0x6: {  	s25 =	simm.s32 $0x13000;
	s28 =	simm.s32 $0x14000;
	s29 =	simm.s32 $0x14800  }
0x7: {  	s30 =	simm.s32 $0x15000;
	s31 =	simm.s32 $0x15800;
	s11 =	simm.s32 $0x17800  }
0x8: {  	s12 =	simm.s32 $0x1;
	s13 =	simm.s32 $0x2;
	s14 =	simm.s32 $0x0  }
0x9: {  	s4 =	sand.u32 $0x1, s3;
	s26 =	sshll.u32 s5, $0x1;
	[smem:$0x7FF] =	sst s2  }
0xa: {  	s3 =	sadd.s32 $0x1F1800, s0;
	s5 =	sor.u32 s4, s26;
	_ =	strace $0x8000004A  }
0xb: {  	s7 =	ssub.s32 $0x2, s4;
	s26 =	simm.s32 $0x13800;
	s6 =	sshll.u32 s5, $0x5  }
0xc: {  	s8 =	sshrl.u32 s7, $0x1;
	s9 =	smul.u32 $0x1800, s5;
	s6 =	sadd.s32 s6, s0  }
0xd: {  	v2 =	vlaneseq.u32;
	s5 =	sadd.s32 $0x1F1900, s0;
	s8 =	ssub.s32 s7, s8;
	s4 =	sadd.s32 $0x11400, s6  }
0xe: {  	vm0 =	vmmov $0xffff;
	v1 =	vshrl.u32 v2, $0x3;
	s6 =	sadd.s32 $0x1F1A00, s0;
	s7 =	sadd.s32 s1, s9;
	s8 =	smax.u32 s8, $0x1  }
0xf: {  	v0 =	vand.u32 $0x7, v2;
	v2 =	vor.u32 $0x8, v2;
	v1 =	vmul.u32 $0x8, v1;
	s0 =	simm.s32 $0x16000;
	s1 =	simm.s32 $0x16800;
	s9 =	simm.s32 $0x17000  }
.LBB2_1:
0x10: {  	s15 =	simm.s32 $0x18000  }
0x11: {  	[tilespmem:s15], [sflag:$0x3] =	stream.linear.gather [hbm4b:s4+s2], $0x100, $0x38;
	[tilespmem:$0x18100] =	vst v63  }
0x12: {  	_ =	swait.ge [sflag:s10], $0x100  }
0x13: {  	[sflag:s10] =	ssyncset.done $0x0  }
0x14: {  	[sflag:s10] =	ssyncadd.s32 $0xFFFFFF00  }
0x15: {  	v3 =	vld [tilespmem:$0x18000];
	_ =	sdelay $0x4  }
0x16: {  	v4 =	vshrl.u32 v3, $0x3  }
0x17: {  	v4 =	vmul.u32 $0x30, v4  }
0x18: {  	v3 =	vand.u32 $0x7, v3  }
0x19: {  	v3 =	vor.u32 v3, v4  }
0x1a: {  	v4 =	vperm.xlane v3, v0;
	_ =	sdelay $0x1  }
0x1b: {  	v4 =	vadd.s32 v1, v4;
	_ =	sdelay $0x3  }
0x1c: {  	v3 =	vperm.xlane v3, v2  }
0x1d: {  	[tilespmem:s2], [sflag:$0x1] =	stream.indirect_vreg.gather [hbm4b:s3+s2], $0x80, v4, vm0, $0xb8;
	[tilespmem:$0x18100] =	vst v63  }
0x1e: {  	s19 =	simm.s32 $0x800;
	v3 =	vadd.s32 v1, v3  }
0x1f: {  	[tilespmem:s19], [sflag:$0x1] =	stream.indirect_vreg.gather [hbm4b:s5+s2], $0x80, v4, vm0, $0xb8;
	[tilespmem:$0x18100] =	vst v63  }
0x20: {  	s16 =	simm.s32 $0x1000  }
0x21: {  	[tilespmem:s16], [sflag:$0x1] =	stream.indirect_vreg.gather [hbm4b:s6+s2], $0x80, v4, vm0, $0xb8;
	[tilespmem:$0x18100] =	vst v63  }
0x22: {  	s17 =	simm.s32 $0x1800  }
0x23: {  	[tilespmem:s17], [sflag:$0x1] =	stream.indirect_vreg.gather [hbm4b:s3+s2], $0x80, v3, vm0, $0xb8;
	[tilespmem:$0x18100] =	vst v63  }
0x24: {  	s18 =	simm.s32 $0x2000  }
0x25: {  	[tilespmem:s18], [sflag:$0x1] =	stream.indirect_vreg.gather [hbm4b:s5+s2], $0x80, v3, vm0, $0xb8;
	[tilespmem:$0x18100] =	vst v63  }
0x26: {  	s19 =	simm.s32 $0x2800  }
0x27: {  	[tilespmem:s19], [sflag:$0x1] =	stream.indirect_vreg.gather [hbm4b:s6+s2], $0x80, v3, vm0, $0xb8;
	[tilespmem:$0x18100] =	vst v63  }
0x28: {  	v3 =	vld [tilespmem:$0x18010];
	_ =	sdelay $0x4  }
0x29: {  	v4 =	vshrl.u32 v3, $0x3  }
0x2a: {  	v4 =	vmul.u32 $0x30, v4  }
0x2b: {  	v3 =	vand.u32 $0x7, v3  }
0x2c: {  	v3 =	vor.u32 v3, v4  }
0x2d: {  	v4 =	vperm.xlane v3, v0;
	_ =	sdelay $0x1  }
0x2e: {  	v4 =	vadd.s32 v1, v4;
	_ =	sdelay $0x3  }
0x2f: {  	s16 =	simm.s32 $0x3000;
	v3 =	vperm.xlane v3, v2  }
0x30: {  	[tilespmem:s16], [sflag:$0x1] =	stream.indirect_vreg.gather [hbm4b:s3+s2], $0x80, v4, vm0, $0xb8;
	[tilespmem:$0x18100] =	vst v63  }
0x31: {  	s17 =	simm.s32 $0x3800;
	v3 =	vadd.s32 v1, v3  }
0x32: {  	[tilespmem:s17], [sflag:$0x1] =	stream.indirect_vreg.gather [hbm4b:s5+s2], $0x80, v4, vm0, $0xb8;
	[tilespmem:$0x18100] =	vst v63  }
0x33: {  	s18 =	simm.s32 $0x4000  }
0x34: {  	[tilespmem:s18], [sflag:$0x1] =	stream.indirect_vreg.gather [hbm4b:s6+s2], $0x80, v4, vm0, $0xb8;
	[tilespmem:$0x18100] =	vst v63  }
0x35: {  	s19 =	simm.s32 $0x4800  }
0x36: {  	[tilespmem:s19], [sflag:$0x1] =	stream.indirect_vreg.gather [hbm4b:s3+s2], $0x80, v3, vm0, $0xb8;
	[tilespmem:$0x18100] =	vst v63  }
0x37: {  	s16 =	simm.s32 $0x5000  }
0x38: {  	[tilespmem:s16], [sflag:$0x1] =	stream.indirect_vreg.gather [hbm4b:s5+s2], $0x80, v3, vm0, $0xb8;
	[tilespmem:$0x18100] =	vst v63  }
0x39: {  	s17 =	simm.s32 $0x5800  }
0x3a: {  	[tilespmem:s17], [sflag:$0x1] =	stream.indirect_vreg.gather [hbm4b:s6+s2], $0x80, v3, vm0, $0xb8;
	[tilespmem:$0x18100] =	vst v63  }
0x3b: {  	v3 =	vld [tilespmem:$0x18020];
	_ =	sdelay $0x4  }
0x3c: {  	v4 =	vshrl.u32 v3, $0x3  }
0x3d: {  	v4 =	vmul.u32 $0x30, v4  }
0x3e: {  	v3 =	vand.u32 $0x7, v3  }
0x3f: {  	v3 =	vor.u32 v3, v4  }
0x40: {  	v4 =	vperm.xlane v3, v0;
	_ =	sdelay $0x1  }
0x41: {  	v4 =	vadd.s32 v1, v4;
	_ =	sdelay $0x3  }
0x42: {  	s18 =	simm.s32 $0x6000;
	v3 =	vperm.xlane v3, v2  }
0x43: {  	[tilespmem:s18], [sflag:$0x1] =	stream.indirect_vreg.gather [hbm4b:s3+s2], $0x80, v4, vm0, $0xb8;
	[tilespmem:$0x18100] =	vst v63  }
0x44: {  	s19 =	simm.s32 $0x6800;
	v3 =	vadd.s32 v1, v3  }
0x45: {  	[tilespmem:s19], [sflag:$0x1] =	stream.indirect_vreg.gather [hbm4b:s5+s2], $0x80, v4, vm0, $0xb8;
	[tilespmem:$0x18100] =	vst v63  }
0x46: {  	s16 =	simm.s32 $0x7000  }
0x47: {  	[tilespmem:s16], [sflag:$0x1] =	stream.indirect_vreg.gather [hbm4b:s6+s2], $0x80, v4, vm0, $0xb8;
	[tilespmem:$0x18100] =	vst v63  }
0x48: {  	s17 =	simm.s32 $0x7800  }
0x49: {  	[tilespmem:s17], [sflag:$0x1] =	stream.indirect_vreg.gather [hbm4b:s3+s2], $0x80, v3, vm0, $0xb8;
	[tilespmem:$0x18100] =	vst v63  }
0x4a: {  	s18 =	simm.s32 $0x8000  }
0x4b: {  	[tilespmem:s18], [sflag:$0x1] =	stream.indirect_vreg.gather [hbm4b:s5+s2], $0x80, v3, vm0, $0xb8;
	[tilespmem:$0x18100] =	vst v63  }
0x4c: {  	s19 =	simm.s32 $0x8800  }
0x4d: {  	[tilespmem:s19], [sflag:$0x1] =	stream.indirect_vreg.gather [hbm4b:s6+s2], $0x80, v3, vm0, $0xb8;
	[tilespmem:$0x18100] =	vst v63  }
0x4e: {  	v3 =	vld [tilespmem:$0x18030];
	_ =	sdelay $0x4  }
0x4f: {  	v4 =	vshrl.u32 v3, $0x3  }
0x50: {  	v4 =	vmul.u32 $0x30, v4  }
0x51: {  	v3 =	vand.u32 $0x7, v3  }
0x52: {  	v3 =	vor.u32 v3, v4  }
0x53: {  	v4 =	vperm.xlane v3, v0;
	_ =	sdelay $0x1  }
0x54: {  	v4 =	vadd.s32 v1, v4;
	_ =	sdelay $0x3  }
0x55: {  	s16 =	simm.s32 $0x9000;
	v3 =	vperm.xlane v3, v2  }
0x56: {  	[tilespmem:s16], [sflag:$0x1] =	stream.indirect_vreg.gather [hbm4b:s3+s2], $0x80, v4, vm0, $0xb8;
	[tilespmem:$0x18100] =	vst v63  }
0x57: {  	s17 =	simm.s32 $0x9800;
	v3 =	vadd.s32 v1, v3  }
0x58: {  	[tilespmem:s17], [sflag:$0x1] =	stream.indirect_vreg.gather [hbm4b:s5+s2], $0x80, v4, vm0, $0xb8;
	[tilespmem:$0x18100] =	vst v63  }
0x59: {  	s18 =	simm.s32 $0xA000  }
0x5a: {  	[tilespmem:s18], [sflag:$0x1] =	stream.indirect_vreg.gather [hbm4b:s6+s2], $0x80, v4, vm0, $0xb8;
	[tilespmem:$0x18100] =	vst v63  }
0x5b: {  	s19 =	simm.s32 $0xA800  }
0x5c: {  	[tilespmem:s19], [sflag:$0x1] =	stream.indirect_vreg.gather [hbm4b:s3+s2], $0x80, v3, vm0, $0xb8;
	[tilespmem:$0x18100] =	vst v63  }
0x5d: {  	s16 =	simm.s32 $0xB000  }
0x5e: {  	[tilespmem:s16], [sflag:$0x1] =	stream.indirect_vreg.gather [hbm4b:s5+s2], $0x80, v3, vm0, $0xb8;
	[tilespmem:$0x18100] =	vst v63  }
0x5f: {  	s17 =	simm.s32 $0xB800  }
0x60: {  	[tilespmem:s17], [sflag:$0x1] =	stream.indirect_vreg.gather [hbm4b:s6+s2], $0x80, v3, vm0, $0xb8;
	[tilespmem:$0x18100] =	vst v63  }
0x61: {  	v3 =	vld [tilespmem:$0x18080];
	_ =	sdelay $0x4  }
0x62: {  	v4 =	vshrl.u32 v3, $0x3  }
0x63: {  	v4 =	vmul.u32 $0x30, v4  }
0x64: {  	v3 =	vand.u32 $0x7, v3  }
0x65: {  	v3 =	vor.u32 v3, v4  }
0x66: {  	v4 =	vperm.xlane v3, v0;
	_ =	sdelay $0x1  }
0x67: {  	v4 =	vadd.s32 v1, v4;
	_ =	sdelay $0x3  }
0x68: {  	s18 =	simm.s32 $0xC000;
	v3 =	vperm.xlane v3, v2  }
0x69: {  	[tilespmem:s18], [sflag:$0x2] =	stream.indirect_vreg.gather [hbm4b:s3+s2], $0x80, v4, vm0, $0xb8;
	[tilespmem:$0x18100] =	vst v63  }
0x6a: {  	s19 =	simm.s32 $0xC800;
	v3 =	vadd.s32 v1, v3  }
0x6b: {  	[tilespmem:s19], [sflag:$0x2] =	stream.indirect_vreg.gather [hbm4b:s5+s2], $0x80, v4, vm0, $0xb8;
	[tilespmem:$0x18100] =	vst v63  }
0x6c: {  	s16 =	simm.s32 $0xD000  }
0x6d: {  	[tilespmem:s16], [sflag:$0x2] =	stream.indirect_vreg.gather [hbm4b:s6+s2], $0x80, v4, vm0, $0xb8;
	[tilespmem:$0x18100] =	vst v63  }
0x6e: {  	s17 =	simm.s32 $0xD800  }
0x6f: {  	[tilespmem:s17], [sflag:$0x2] =	stream.indirect_vreg.gather [hbm4b:s3+s2], $0x80, v3, vm0, $0xb8;
	[tilespmem:$0x18100] =	vst v63  }
0x70: {  	s18 =	simm.s32 $0xE000  }
0x71: {  	[tilespmem:s18], [sflag:$0x2] =	stream.indirect_vreg.gather [hbm4b:s5+s2], $0x80, v3, vm0, $0xb8;
	[tilespmem:$0x18100] =	vst v63  }
0x72: {  	s19 =	simm.s32 $0xE800  }
0x73: {  	[tilespmem:s19], [sflag:$0x2] =	stream.indirect_vreg.gather [hbm4b:s6+s2], $0x80, v3, vm0, $0xb8;
	[tilespmem:$0x18100] =	vst v63  }
0x74: {  	v3 =	vld [tilespmem:$0x18090];
	_ =	sdelay $0x4  }
0x75: {  	v4 =	vshrl.u32 v3, $0x3  }
0x76: {  	v4 =	vmul.u32 $0x30, v4  }
0x77: {  	v3 =	vand.u32 $0x7, v3  }
0x78: {  	v3 =	vor.u32 v3, v4  }
0x79: {  	v4 =	vperm.xlane v3, v0;
	_ =	sdelay $0x1  }
0x7a: {  	v4 =	vadd.s32 v1, v4;
	_ =	sdelay $0x3  }
0x7b: {  	s16 =	simm.s32 $0xF000;
	v3 =	vperm.xlane v3, v2  }
0x7c: {  	[tilespmem:s16], [sflag:$0x2] =	stream.indirect_vreg.gather [hbm4b:s3+s2], $0x80, v4, vm0, $0xb8;
	[tilespmem:$0x18100] =	vst v63  }
0x7d: {  	s17 =	simm.s32 $0xF800;
	v3 =	vadd.s32 v1, v3  }
0x7e: {  	[tilespmem:s17], [sflag:$0x2] =	stream.indirect_vreg.gather [hbm4b:s5+s2], $0x80, v4, vm0, $0xb8;
	[tilespmem:$0x18100] =	vst v63  }
0x7f: {  	s18 =	simm.s32 $0x10000  }
0x80: {  	[tilespmem:s18], [sflag:$0x2] =	stream.indirect_vreg.gather [hbm4b:s6+s2], $0x80, v4, vm0, $0xb8;
	[tilespmem:$0x18100] =	vst v63  }
0x81: {  	_ = 	snop  }
0x82: {  	[tilespmem:s20], [sflag:$0x2] =	stream.indirect_vreg.gather [hbm4b:s3+s2], $0x80, v3, vm0, $0xb8;
	[tilespmem:$0x18100] =	vst v63  }
0x83: {  	_ = 	snop  }
0x84: {  	[tilespmem:s21], [sflag:$0x2] =	stream.indirect_vreg.gather [hbm4b:s5+s2], $0x80, v3, vm0, $0xb8;
	[tilespmem:$0x18100] =	vst v63  }
0x85: {  	_ = 	snop  }
0x86: {  	[tilespmem:s22], [sflag:$0x2] =	stream.indirect_vreg.gather [hbm4b:s6+s2], $0x80, v3, vm0, $0xb8;
	[tilespmem:$0x18100] =	vst v63  }
0x87: {  	v3 =	vld [tilespmem:$0x180A0];
	_ =	sdelay $0x4  }
0x88: {  	v4 =	vshrl.u32 v3, $0x3  }
0x89: {  	v4 =	vmul.u32 $0x30, v4  }
0x8a: {  	v3 =	vand.u32 $0x7, v3  }
0x8b: {  	v3 =	vor.u32 v3, v4  }
0x8c: {  	v4 =	vperm.xlane v3, v0;
	_ =	sdelay $0x1  }
0x8d: {  	v4 =	vadd.s32 v1, v4;
	_ =	sdelay $0x3  }
0x8e: {  	v3 =	vperm.xlane v3, v2  }
0x8f: {  	[tilespmem:s23], [sflag:$0x2] =	stream.indirect_vreg.gather [hbm4b:s3+s2], $0x80, v4, vm0, $0xb8;
	[tilespmem:$0x18100] =	vst v63  }
0x90: {  	v3 =	vadd.s32 v1, v3  }
0x91: {  	[tilespmem:s24], [sflag:$0x2] =	stream.indirect_vreg.gather [hbm4b:s5+s2], $0x80, v4, vm0, $0xb8;
	[tilespmem:$0x18100] =	vst v63  }
0x92: {  	_ = 	snop  }
0x93: {  	[tilespmem:s25], [sflag:$0x2] =	stream.indirect_vreg.gather [hbm4b:s6+s2], $0x80, v4, vm0, $0xb8;
	[tilespmem:$0x18100] =	vst v63  }
0x94: {  	_ = 	snop  }
0x95: {  	[tilespmem:s26], [sflag:$0x2] =	stream.indirect_vreg.gather [hbm4b:s3+s2], $0x80, v3, vm0, $0xb8;
	[tilespmem:$0x18100] =	vst v63  }
0x96: {  	_ = 	snop  }
0x97: {  	[tilespmem:s28], [sflag:$0x2] =	stream.indirect_vreg.gather [hbm4b:s5+s2], $0x80, v3, vm0, $0xb8;
	[tilespmem:$0x18100] =	vst v63  }
0x98: {  	_ = 	snop  }
0x99: {  	[tilespmem:s29], [sflag:$0x2] =	stream.indirect_vreg.gather [hbm4b:s6+s2], $0x80, v3, vm0, $0xb8;
	[tilespmem:$0x18100] =	vst v63  }
0x9a: {  	v3 =	vld [tilespmem:$0x180B0];
	_ =	sdelay $0x4  }
0x9b: {  	v4 =	vshrl.u32 v3, $0x3  }
0x9c: {  	v4 =	vmul.u32 $0x30, v4  }
0x9d: {  	v3 =	vand.u32 $0x7, v3  }
0x9e: {  	v3 =	vor.u32 v3, v4  }
0x9f: {  	v4 =	vperm.xlane v3, v0;
	_ =	sdelay $0x1  }
0xa0: {  	v4 =	vadd.s32 v1, v4;
	_ =	sdelay $0x3  }
0xa1: {  	v3 =	vperm.xlane v3, v2  }
0xa2: {  	[tilespmem:s30], [sflag:$0x2] =	stream.indirect_vreg.gather [hbm4b:s3+s2], $0x80, v4, vm0, $0xb8;
	[tilespmem:$0x18100] =	vst v63  }
0xa3: {  	v3 =	vadd.s32 v1, v3  }
0xa4: {  	[tilespmem:s31], [sflag:$0x2] =	stream.indirect_vreg.gather [hbm4b:s5+s2], $0x80, v4, vm0, $0xb8;
	[tilespmem:$0x18100] =	vst v63  }
0xa5: {  	_ = 	snop  }
0xa6: {  	[tilespmem:s0], [sflag:$0x2] =	stream.indirect_vreg.gather [hbm4b:s6+s2], $0x80, v4, vm0, $0xb8;
	[tilespmem:$0x18100] =	vst v63  }
0xa7: {  	_ = 	snop  }
0xa8: {  	[tilespmem:s1], [sflag:$0x2] =	stream.indirect_vreg.gather [hbm4b:s3+s2], $0x80, v3, vm0, $0xb8;
	[tilespmem:$0x18100] =	vst v63  }
0xa9: {  	_ = 	snop  }
0xaa: {  	[tilespmem:s9], [sflag:$0x2] =	stream.indirect_vreg.gather [hbm4b:s5+s2], $0x80, v3, vm0, $0xb8;
	[tilespmem:$0x18100] =	vst v63  }
0xab: {  	_ = 	snop  }
0xac: {  	[tilespmem:s11], [sflag:$0x2] =	stream.indirect_vreg.gather [hbm4b:s6+s2], $0x80, v3, vm0, $0xb8;
	[tilespmem:$0x18100] =	vst v63  }
0xad: {  	_ =	swait.ge [sflag:s12], $0xC000  }
0xae: {  	[sflag:s12] =	ssyncset.done $0x0  }
0xaf: {  	s19 =	simm.s32 $0x0;
	[sflag:s12] =	ssyncadd.s32 $0xFFFF4000  }
0xb0: {  	s15 =	smul.u32 $0x1800, s19;
	_ =	swait.ge [sflag:s13], $0xC000  }
0xb1: {  	s16 =	sand.u32 $0x380, s2;
	[sflag:s13] =	ssyncset.done $0x0  }
0xb2: {  	s15 =	sor.u32 s16, s15;
	[sflag:s13] =	ssyncadd.s32 $0xFFFF4000  }
0xb3: {  	v12 =	vld [tilespmem:s15+$0xC000]  }
0xb4: {  	v13 =	vld [tilespmem:s15+$0xC010]  }
0xb5: {  	v14 =	vld [tilespmem:s15+$0xC020]  }
0xb6: {  	v15 =	vld [tilespmem:s15+$0xC030]  }
0xb7: {  	v16 =	vld [tilespmem:s15+$0xC040]  }
0xb8: {  	v17 =	vld [tilespmem:s15+$0xC050]  }
0xb9: {  	v18 =	vld [tilespmem:s15+$0xC060]  }
0xba: {  	v19 =	vld [tilespmem:s15+$0xC070]  }
0xbb: {  	v20 =	vld [tilespmem:s15+$0xC400]  }
0xbc: {  	v21 =	vld [tilespmem:s15+$0xC410]  }
0xbd: {  	v22 =	vld [tilespmem:s15+$0xC420]  }
0xbe: {  	v23 =	vld [tilespmem:s15+$0xC430]  }
0xbf: {  	v24 =	vld [tilespmem:s15+$0xC440]  }
0xc0: {  	v25 =	vld [tilespmem:s15+$0xC450]  }
0xc1: {  	v26 =	vld [tilespmem:s15+$0xC460]  }
0xc2: {  	v27 =	vld [tilespmem:s15+$0xC470]  }
0xc3: {  	v28 =	vld [tilespmem:s15+$0xC800]  }
0xc4: {  	v29 =	vld [tilespmem:s15+$0xC810]  }
0xc5: {  	v30 =	vld [tilespmem:s15+$0xC820]  }
0xc6: {  	v31 =	vld [tilespmem:s15+$0xC830]  }
0xc7: {  	v32 =	vld [tilespmem:s15+$0xC840]  }
0xc8: {  	v33 =	vld [tilespmem:s15+$0xC850]  }
0xc9: {  	v34 =	vld [tilespmem:s15+$0xC860]  }
0xca: {  	v35 =	vld [tilespmem:s15+$0xC870]  }
0xcb: {  	v36 =	vld [tilespmem:s15+$0xCC00]  }
0xcc: {  	v37 =	vld [tilespmem:s15+$0xCC10]  }
0xcd: {  	v38 =	vld [tilespmem:s15+$0xCC20]  }
0xce: {  	v39 =	vld [tilespmem:s15+$0xCC30]  }
0xcf: {  	v40 =	vld [tilespmem:s15+$0xCC40]  }
0xd0: {  	v41 =	vld [tilespmem:s15+$0xCC50]  }
0xd1: {  	v42 =	vld [tilespmem:s15+$0xCC60]  }
0xd2: {  	v43 =	vld [tilespmem:s15+$0xCC70]  }
0xd3: {  	v44 =	vld [tilespmem:s15+$0xD000]  }
0xd4: {  	v45 =	vld [tilespmem:s15+$0xD010]  }
0xd5: {  	v46 =	vld [tilespmem:s15+$0xD020]  }
0xd6: {  	v47 =	vld [tilespmem:s15+$0xD030]  }
0xd7: {  	v48 =	vld [tilespmem:s15+$0xD040]  }
0xd8: {  	v49 =	vld [tilespmem:s15+$0xD050]  }
0xd9: {  	v50 =	vld [tilespmem:s15+$0xD060]  }
0xda: {  	v11 =	vld [tilespmem:s15+$0xD070]  }
0xdb: {  	v10 =	vld [tilespmem:s15+$0xD400]  }
0xdc: {  	v9 =	vld [tilespmem:s15+$0xD410]  }
0xdd: {  	v8 =	vld [tilespmem:s15+$0xD420]  }
0xde: {  	v7 =	vld [tilespmem:s15+$0xD430]  }
0xdf: {  	v6 =	vld [tilespmem:s15+$0xD440]  }
0xe0: {  	v51 =	vld [tilespmem:s15+$0x0]  }
0xe1: {  	v52 =	vld [tilespmem:s15+$0x10]  }
0xe2: {  	v53 =	vld [tilespmem:s15+$0x20]  }
0xe3: {  	v54 =	vld [tilespmem:s15+$0x30]  }
0xe4: {  	v55 =	vld [tilespmem:s15+$0x40]  }
0xe5: {  	v62 =	vld [tilespmem:s15+$0x50];
	v12 =	vadd.f32 v12, v51  }
0xe6: {  	v63 =	vld [tilespmem:s15+$0x60];
	v13 =	vadd.f32 v13, v52  }
0xe7: {  	[tilespmem:s15+$0x0] =	vst v12;
	v12 =	vadd.f32 v14, v53;
	v14 =	vld [tilespmem:s15+$0x70]  }
0xe8: {  	[tilespmem:s15+$0x10] =	vst v13;
	v13 =	vadd.f32 v15, v54;
	v15 =	vld [tilespmem:s15+$0x400]  }
0xe9: {  	[tilespmem:s15+$0x20] =	vst v12;
	v12 =	vadd.f32 v16, v55;
	v16 =	vld [tilespmem:s15+$0x410]  }
0xea: {  	[tilespmem:s15+$0x30] =	vst v13;
	v13 =	vadd.f32 v17, v62;
	v17 =	vld [tilespmem:s15+$0x420]  }
0xeb: {  	v5 =	vld [tilespmem:s15+$0xD450]  }
0xec: {  	[tilespmem:s15+$0x40] =	vst v12;
	v12 =	vadd.f32 v18, v63;
	v18 =	vld [tilespmem:s15+$0x470]  }
0xed: {  	[tilespmem:s15+$0x50] =	vst v13;
	v13 =	vadd.f32 v19, v14;
	v14 =	vld [tilespmem:s15+$0x430]  }
0xee: {  	[tilespmem:s15+$0x60] =	vst v12;
	v12 =	vadd.f32 v20, v15;
	v15 =	vld [tilespmem:s15+$0x440]  }
0xef: {  	[tilespmem:s15+$0x70] =	vst v13;
	v13 =	vadd.f32 v21, v16;
	v16 =	vadd.f32 v22, v17;
	v17 =	vld [tilespmem:s15+$0x460]  }
0xf0: {  	[tilespmem:s15+$0x400] =	vst v12;
	v12 =	vld [tilespmem:s15+$0x450]  }
0xf1: {  	[tilespmem:s15+$0x410] =	vst v13;
	v13 =	vld [tilespmem:s15+$0x800];
	v18 =	vadd.f32 v27, v18  }
0xf2: {  	[tilespmem:s15+$0x420] =	vst v16;
	v16 =	vld [tilespmem:s15+$0x810];
	v14 =	vadd.f32 v23, v14  }
0xf3: {  	v4 =	vld [tilespmem:s15+$0xD460];
	v15 =	vadd.f32 v24, v15;
	[tilespmem:s15+$0x470] =	vst v18  }
0xf4: {  	[tilespmem:s15+$0x430] =	vst v14;
	v14 =	vld [tilespmem:s15+$0x820];
	v17 =	vadd.f32 v26, v17  }
0xf5: {  	v12 =	vadd.f32 v25, v12;
	[tilespmem:s15+$0x440] =	vst v15;
	v15 =	vld [tilespmem:s15+$0x830]  }
0xf6: {  	v18 =	vld [tilespmem:s15+$0x870];
	[tilespmem:s15+$0x460] =	vst v17;
	v13 =	vadd.f32 v28, v13  }
0xf7: {  	v16 =	vadd.f32 v29, v16;
	[tilespmem:s15+$0x450] =	vst v12;
	v12 =	vld [tilespmem:s15+$0x840]  }
0xf8: {  	v17 =	vld [tilespmem:s15+$0x850];
	[tilespmem:s15+$0x800] =	vst v13  }
0xf9: {  	[tilespmem:s15+$0x810] =	vst v16;
	v16 =	vld [tilespmem:s15+$0x860];
	v13 =	vadd.f32 v30, v14  }
0xfa: {  	v14 =	vld [tilespmem:s15+$0xC00];
	v15 =	vadd.f32 v31, v15  }
0xfb: {  	[tilespmem:s15+$0x820] =	vst v13;
	v13 =	vld [tilespmem:s15+$0xC10]  }
0xfc: {  	v12 =	vadd.f32 v32, v12;
	[tilespmem:s15+$0x830] =	vst v15;
	v15 =	vld [tilespmem:s15+$0xC20]  }
0xfd: {  	v3 =	vld [tilespmem:s15+$0xD470];
	v17 =	vadd.f32 v33, v17  }
0xfe: {  	v16 =	vadd.f32 v34, v16;
	[tilespmem:s15+$0x840] =	vst v12;
	v12 =	vld [tilespmem:s15+$0xC30]  }
0xff: {  	[tilespmem:s15+$0x850] =	vst v17;
	v17 =	vld [tilespmem:s15+$0xC40];
	v14 =	vadd.f32 v36, v14  }
0x100: {  	v18 =	vadd.f32 v35, v18;
	[tilespmem:s15+$0x860] =	vst v16;
	v16 =	vld [tilespmem:s15+$0xC50]  }
0x101: {  	v13 =	vadd.f32 v37, v13;
	[tilespmem:s15+$0xC00] =	vst v14;
	v14 =	vadd.f32 v38, v15;
	v15 =	vld [tilespmem:s15+$0xC60]  }
0x102: {  	[tilespmem:s15+$0x870] =	vst v18;
	v18 =	vld [tilespmem:s15+$0xC70]  }
0x103: {  	[tilespmem:s15+$0xC10] =	vst v13;
	v13 =	vld [tilespmem:s15+$0x1000];
	v12 =	vadd.f32 v39, v12  }
0x104: {  	v17 =	vadd.f32 v40, v17;
	[tilespmem:s15+$0xC20] =	vst v14;
	v14 =	vld [tilespmem:s15+$0x1010]  }
0x105: {  	v16 =	vadd.f32 v41, v16;
	[tilespmem:s15+$0xC30] =	vst v12;
	v12 =	vld [tilespmem:s15+$0x1020]  }
0x106: {  	[tilespmem:s15+$0xC40] =	vst v17;
	v17 =	vld [tilespmem:s15+$0x1030];
	v15 =	vadd.f32 v42, v15  }
0x107: {  	v19 =	vld [tilespmem:s15+$0x1040];
	[tilespmem:s15+$0xC50] =	vst v16;
	v16 =	vadd.f32 v43, v18  }
0x108: {  	v18 =	vld [tilespmem:s15+$0x1050];
	v13 =	vadd.f32 v44, v13;
	[tilespmem:s15+$0xC60] =	vst v15  }
0x109: {  	v20 =	vld [tilespmem:s15+$0x1060];
	[tilespmem:s15+$0xC70] =	vst v16;
	v14 =	vadd.f32 v45, v14  }
0x10a: {  	v16 =	vld [tilespmem:s15+$0x1070];
	[tilespmem:s15+$0x1000] =	vst v13;
	v12 =	vadd.f32 v46, v12  }
0x10b: {  	v15 =	vld [tilespmem:s15+$0x1400];
	v13 =	vadd.f32 v47, v17;
	[tilespmem:s15+$0x1010] =	vst v14  }
0x10c: {  	v14 =	vld [tilespmem:s15+$0x1410];
	[tilespmem:s15+$0x1020] =	vst v12;
	v12 =	vadd.f32 v48, v19  }
0x10d: {  	[tilespmem:s15+$0x1030] =	vst v13;
	v13 =	vld [tilespmem:s15+$0x1420];
	v18 =	vadd.f32 v49, v18  }
0x10e: {  	s16 =	simm.s32 $0x1;
	s17 =	simm.s32 $0x0;
	v17 =	vadd.f32 v50, v20;
	[tilespmem:s15+$0x1040] =	vst v12;
	v12 =	vld [tilespmem:s15+$0x1430]  }
.LBB2_2:
0x10f: {  	s18 =	sshrl.u32 s16, $0x3;
	p0 =	sne.s32 s16, $0x3F;
	[tilespmem:s15+$0x1050] =	vst v18;
	v11 =	vadd.f32 v11, v16;
	v16 =	vld [tilespmem:s15+$0x1440]  }
0x110: {  	s17 =	sadd.s32 $0x80, s17;
	s18 =	smul.u32 $0x1800, s18;
	[tilespmem:s15+$0x1060] =	vst v17;
	v10 =	vadd.f32 v10, v15;
	v15 =	vld [tilespmem:s15+$0x1450]  }
0x111: {  	s19 =	sand.u32 $0x380, s17;
	[tilespmem:s15+$0x1070] =	vst v11;
	v9 =	vadd.f32 v9, v14;
	v11 =	vld [tilespmem:s15+$0x1460]  }
0x112: {  	s18 =	sor.u32 s19, s18;
	[tilespmem:s15+$0x1400] =	vst v10;
	v8 =	vadd.f32 v8, v13;
	v10 =	vld [tilespmem:s15+$0x1470]  }
0x113: {  	v39 =	vld [tilespmem:s18+$0xC000];
	[tilespmem:s15+$0x1410] =	vst v9;
	v7 =	vadd.f32 v7, v12  }
0x114: {  	v40 =	vld [tilespmem:s18+$0xC010];
	[tilespmem:s15+$0x1420] =	vst v8;
	v6 =	vadd.f32 v6, v16  }
0x115: {  	v41 =	vld [tilespmem:s18+$0xC020];
	[tilespmem:s15+$0x1430] =	vst v7;
	v5 =	vadd.f32 v5, v15  }
0x116: {  	v42 =	vld [tilespmem:s18+$0xC030];
	[tilespmem:s15+$0x1440] =	vst v6;
	v4 =	vadd.f32 v4, v11  }
0x117: {  	v43 =	vld [tilespmem:s18+$0xC040];
	[tilespmem:s15+$0x1450] =	vst v5;
	v3 =	vadd.f32 v3, v10  }
0x118: {  	v44 =	vld [tilespmem:s18+$0xC050];
	[tilespmem:s15+$0x1460] =	vst v4  }
0x119: {  	v45 =	vld [tilespmem:s18+$0xC060];
	[tilespmem:s15+$0x1470] =	vst v3;
	s15 =	smov.u32 s18  }
0x11a: {  	v46 =	vld [tilespmem:s15+$0xC070]  }
0x11b: {  	v47 =	vld [tilespmem:s15+$0xC400]  }
0x11c: {  	v48 =	vld [tilespmem:s15+$0xC410]  }
0x11d: {  	v49 =	vld [tilespmem:s15+$0xC420]  }
0x11e: {  	v50 =	vld [tilespmem:s15+$0xC430]  }
0x11f: {  	v38 =	vld [tilespmem:s15+$0xC440]  }
0x120: {  	v37 =	vld [tilespmem:s15+$0xC450]  }
0x121: {  	v36 =	vld [tilespmem:s15+$0xC460]  }
0x122: {  	v35 =	vld [tilespmem:s15+$0xC470]  }
0x123: {  	v34 =	vld [tilespmem:s15+$0xC800]  }
0x124: {  	v33 =	vld [tilespmem:s15+$0xC810]  }
0x125: {  	v32 =	vld [tilespmem:s15+$0xC820]  }
0x126: {  	v31 =	vld [tilespmem:s15+$0xC830]  }
0x127: {  	v30 =	vld [tilespmem:s15+$0xC840]  }
0x128: {  	v29 =	vld [tilespmem:s15+$0xC850]  }
0x129: {  	v28 =	vld [tilespmem:s15+$0xC860]  }
0x12a: {  	v27 =	vld [tilespmem:s15+$0xC870]  }
0x12b: {  	v26 =	vld [tilespmem:s15+$0xCC00]  }
0x12c: {  	v25 =	vld [tilespmem:s15+$0xCC10]  }
0x12d: {  	v24 =	vld [tilespmem:s15+$0xCC20]  }
0x12e: {  	v23 =	vld [tilespmem:s15+$0xCC30]  }
0x12f: {  	v22 =	vld [tilespmem:s15+$0xCC40]  }
0x130: {  	v21 =	vld [tilespmem:s15+$0xCC50]  }
0x131: {  	v20 =	vld [tilespmem:s15+$0xCC60]  }
0x132: {  	v19 =	vld [tilespmem:s15+$0xCC70]  }
0x133: {  	v18 =	vld [tilespmem:s15+$0xD000]  }
0x134: {  	v17 =	vld [tilespmem:s15+$0xD010]  }
0x135: {  	v16 =	vld [tilespmem:s15+$0xD020]  }
0x136: {  	v15 =	vld [tilespmem:s15+$0xD030]  }
0x137: {  	v14 =	vld [tilespmem:s15+$0xD040]  }
0x138: {  	v13 =	vld [tilespmem:s15+$0xD050]  }
0x139: {  	v12 =	vld [tilespmem:s15+$0xD060]  }
0x13a: {  	v11 =	vld [tilespmem:s15+$0xD070]  }
0x13b: {  	v10 =	vld [tilespmem:s15+$0xD400]  }
0x13c: {  	v9 =	vld [tilespmem:s15+$0xD410]  }
0x13d: {  	v8 =	vld [tilespmem:s15+$0xD420]  }
0x13e: {  	v7 =	vld [tilespmem:s15+$0xD430]  }
0x13f: {  	v6 =	vld [tilespmem:s15+$0xD440]  }
0x140: {  	v5 =	vld [tilespmem:s15+$0xD450]  }
0x141: {  	v4 =	vld [tilespmem:s15+$0xD460]  }
0x142: {  	v3 =	vld [tilespmem:s15+$0xD470]  }
0x143: {  	v51 =	vld [tilespmem:s15+$0x0]  }
0x144: {  	v52 =	vld [tilespmem:s15+$0x10]  }
0x145: {  	v53 =	vld [tilespmem:s15+$0x20]  }
0x146: {  	v54 =	vld [tilespmem:s15+$0x30]  }
0x147: {  	v55 =	vld [tilespmem:s15+$0x40]  }
0x148: {  	v39 =	vadd.f32 v39, v51;
	v51 =	vld [tilespmem:s15+$0x50]  }
0x149: {  	v40 =	vadd.f32 v40, v52;
	v52 =	vld [tilespmem:s15+$0x60]  }
0x14a: {  	[tilespmem:s15+$0x0] =	vst v39;
	v39 =	vadd.f32 v41, v53;
	v41 =	vld [tilespmem:s15+$0x70]  }
0x14b: {  	[tilespmem:s15+$0x10] =	vst v40;
	v40 =	vadd.f32 v42, v54;
	v42 =	vld [tilespmem:s15+$0x400]  }
0x14c: {  	[tilespmem:s15+$0x20] =	vst v39;
	v39 =	vadd.f32 v43, v55;
	v43 =	vld [tilespmem:s15+$0x410]  }
0x14d: {  	[tilespmem:s15+$0x30] =	vst v40;
	v40 =	vadd.f32 v44, v51;
	v44 =	vld [tilespmem:s15+$0x420]  }
0x14e: {  	[tilespmem:s15+$0x40] =	vst v39;
	v39 =	vadd.f32 v45, v52;
	v45 =	vld [tilespmem:s15+$0x430]  }
0x14f: {  	[tilespmem:s15+$0x50] =	vst v40;
	v40 =	vadd.f32 v46, v41;
	v41 =	vld [tilespmem:s15+$0x440]  }
0x150: {  	[tilespmem:s15+$0x60] =	vst v39;
	v39 =	vadd.f32 v47, v42;
	v42 =	vld [tilespmem:s15+$0x450]  }
0x151: {  	[tilespmem:s15+$0x70] =	vst v40;
	v40 =	vadd.f32 v48, v43;
	v43 =	vld [tilespmem:s15+$0x460]  }
0x152: {  	[tilespmem:s15+$0x400] =	vst v39;
	v39 =	vadd.f32 v49, v44;
	v44 =	vld [tilespmem:s15+$0x470]  }
0x153: {  	[tilespmem:s15+$0x410] =	vst v40;
	v40 =	vadd.f32 v50, v45;
	v45 =	vld [tilespmem:s15+$0x800]  }
0x154: {  	[tilespmem:s15+$0x420] =	vst v39;
	v38 =	vadd.f32 v38, v41;
	v39 =	vld [tilespmem:s15+$0x810]  }
0x155: {  	[tilespmem:s15+$0x430] =	vst v40;
	v37 =	vadd.f32 v37, v42;
	v40 =	vld [tilespmem:s15+$0x820]  }
0x156: {  	[tilespmem:s15+$0x440] =	vst v38;
	v36 =	vadd.f32 v36, v43;
	v38 =	vld [tilespmem:s15+$0x830]  }
0x157: {  	[tilespmem:s15+$0x450] =	vst v37;
	v35 =	vadd.f32 v35, v44;
	v37 =	vld [tilespmem:s15+$0x840]  }
0x158: {  	[tilespmem:s15+$0x460] =	vst v36;
	v34 =	vadd.f32 v34, v45;
	v36 =	vld [tilespmem:s15+$0x850]  }
0x159: {  	[tilespmem:s15+$0x470] =	vst v35;
	v33 =	vadd.f32 v33, v39;
	v35 =	vld [tilespmem:s15+$0x860]  }
0x15a: {  	[tilespmem:s15+$0x800] =	vst v34;
	v32 =	vadd.f32 v32, v40;
	v34 =	vld [tilespmem:s15+$0x870]  }
0x15b: {  	[tilespmem:s15+$0x810] =	vst v33;
	v31 =	vadd.f32 v31, v38;
	v33 =	vld [tilespmem:s15+$0xC00]  }
0x15c: {  	[tilespmem:s15+$0x820] =	vst v32;
	v30 =	vadd.f32 v30, v37;
	v32 =	vld [tilespmem:s15+$0xC10]  }
0x15d: {  	[tilespmem:s15+$0x830] =	vst v31;
	v29 =	vadd.f32 v29, v36;
	v31 =	vld [tilespmem:s15+$0xC20]  }
0x15e: {  	[tilespmem:s15+$0x840] =	vst v30;
	v28 =	vadd.f32 v28, v35;
	v30 =	vld [tilespmem:s15+$0xC30]  }
0x15f: {  	[tilespmem:s15+$0x850] =	vst v29;
	v27 =	vadd.f32 v27, v34;
	v29 =	vld [tilespmem:s15+$0xC40]  }
0x160: {  	[tilespmem:s15+$0x860] =	vst v28;
	v26 =	vadd.f32 v26, v33;
	v28 =	vld [tilespmem:s15+$0xC50]  }
0x161: {  	[tilespmem:s15+$0x870] =	vst v27;
	v25 =	vadd.f32 v25, v32;
	v27 =	vld [tilespmem:s15+$0xC60]  }
0x162: {  	[tilespmem:s15+$0xC00] =	vst v26;
	v24 =	vadd.f32 v24, v31;
	v26 =	vld [tilespmem:s15+$0xC70]  }
0x163: {  	[tilespmem:s15+$0xC10] =	vst v25;
	v23 =	vadd.f32 v23, v30;
	v25 =	vld [tilespmem:s15+$0x1000]  }
0x164: {  	[tilespmem:s15+$0xC20] =	vst v24;
	v22 =	vadd.f32 v22, v29;
	v24 =	vld [tilespmem:s15+$0x1010]  }
0x165: {  	[tilespmem:s15+$0xC30] =	vst v23;
	v21 =	vadd.f32 v21, v28;
	v23 =	vld [tilespmem:s15+$0x1020]  }
0x166: {  	[tilespmem:s15+$0xC40] =	vst v22;
	v20 =	vadd.f32 v20, v27;
	v22 =	vld [tilespmem:s15+$0x1030]  }
0x167: {  	[tilespmem:s15+$0xC50] =	vst v21;
	v19 =	vadd.f32 v19, v26;
	v21 =	vld [tilespmem:s15+$0x1040]  }
0x168: {  	[tilespmem:s15+$0xC60] =	vst v20;
	v18 =	vadd.f32 v18, v25;
	v20 =	vld [tilespmem:s15+$0x1050]  }
0x169: {  	[tilespmem:s15+$0xC70] =	vst v19;
	v17 =	vadd.f32 v17, v24;
	v19 =	vld [tilespmem:s15+$0x1060]  }
.Ltmp0:
0x16a: {  	[tilespmem:s15+$0x1000] =	vst v18;
	v18 =	vadd.f32 v16, v23;
	v16 =	vld [tilespmem:s15+$0x1070];
	(pc) =	sbr.rel @p0 .LBB2_2-.Ltmp0, $4  }
0x16b: {  	[tilespmem:s15+$0x1010] =	vst v17;
	v17 =	vadd.f32 v15, v22;
	v15 =	vld [tilespmem:s15+$0x1400]  }
0x16c: {  	[tilespmem:s15+$0x1020] =	vst v18;
	v21 =	vadd.f32 v14, v21;
	v14 =	vld [tilespmem:s15+$0x1410]  }
0x16d: {  	[tilespmem:s15+$0x1030] =	vst v17;
	v18 =	vadd.f32 v13, v20;
	v13 =	vld [tilespmem:s15+$0x1420]  }
0x16e: {  	s16 =	sadd.s32 $0x1, s16;
	[tilespmem:s15+$0x1040] =	vst v21;
	v17 =	vadd.f32 v12, v19;
	v12 =	vld [tilespmem:s15+$0x1430]  }
0x16f: {  	[tilespmem:s15+$0x1050] =	vst v18;
	v60 =	vld [tilespmem:s15+$0x1440];
	v11 =	vadd.f32 v11, v16  }
0x170: {  	v61 =	vld [tilespmem:s15+$0x1450];
	[tilespmem:s15+$0x1060] =	vst v17;
	v10 =	vadd.f32 v10, v15  }
0x171: {  	v62 =	vld [tilespmem:s15+$0x1460];
	[tilespmem:s15+$0x1070] =	vst v11;
	v9 =	vadd.f32 v9, v14  }
0x172: {  	v63 =	vld [tilespmem:s15+$0x1470];
	[tilespmem:s15+$0x1400] =	vst v10;
	v8 =	vadd.f32 v8, v13  }
0x173: {  	[tilespmem:s15+$0x1410] =	vst v9;
	v7 =	vadd.f32 v7, v12  }
0x174: {  	[tilespmem:s15+$0x1420] =	vst v8;
	v6 =	vadd.f32 v6, v60  }
0x175: {  	v5 =	vadd.f32 v5, v61;
	[tilespmem:s15+$0x1430] =	vst v7  }
0x176: {  	v4 =	vadd.f32 v4, v62;
	[tilespmem:s15+$0x1440] =	vst v6  }
0x177: {  	s14 =	sadd.s32 $0x1, s14;
	v3 =	vadd.f32 v3, v63;
	[tilespmem:s15+$0x1450] =	vst v5  }
0x178: {  	p0 =	sne.s32 s14, s8;
	[tilespmem:s15+$0x1460] =	vst v4  }
.Ltmp1:
0x179: {  	[tilespmem:s15+$0x1470] =	vst v3;
	(pc) =	sbr.rel @p0 .LBB2_1-.Ltmp1, $4  }
0x17a: {  	[hbm4b:s7+s2] =	stream.linear.scatter [tilespmem:s2], [sflag:$0x3], $0xC000, $0x38;
	[tilespmem:$0x18100] =	vst v63  }
0x17b: {  	_ =	swait.ge [sflag:s10], $0xC000  }
0x17c: {  	[sflag:s10] =	ssyncset.done $0x0  }
0x17d: {  	[sflag:s10] =	ssyncadd.s32 $0xFFFF4000  }
0x17e: {  	_ =	sfence.sel $0x180000  }
0x17f: {  	[bflag:$0x0] =	sbarrier.arrive $0xFFFF  }
0x180: {  	_ =	strace $0x9000004A  }
0x181: {  	s0 =	stileid.u32;
	[bflag:$0x2] =	sbarrier.arrive $0xFFFF  }
0x182: {  	p0 =	sne.s32 s0, $0x0;
	s0 =	rddreg [dreg:$0x2]  }
0x183: {  	s0 =	sadd.s32 @!p0 $0x100000, s0  }
0x184: {  	[sflag:s0] =	ssyncadd.tile.s32 @!p0 $0x1;
	_ =	shalt  }
.Lfunc_end2:
_tile_overlayer_lowered:
.L_overlay_start_2:
0x185: {  	(tag) =	ssettag $0x2  }
0x186: {  	s0 =	rddreg [dreg:$0x0];
	s2 =	stileid.u32  }
0x187: {  	s1 =	rddreg [dreg:$0x1];
	p0 =	sne.s32 s2, $0x0  }
0x188: {  	s3 =	rddreg [dreg:$0x2];
	[bflag:$0x3] =	sbarrier.arrive $0xFFFF;
	s2 =	simm.s32 @!p0 $0x1C03  }
0x189: {  	[timem:s3], [sflag:s2] =	dma.local @!p0 [hbm:s0], s1  }
0x18a: {  	s0 =	simm.s32 @!p0 $0x3  }
0x18b: {  	_ =	swait.ge @!p0 [sflag:s0], s1  }
0x18c: {  	s1 =	ssub.s32 @!p0 $0x0, s1;
	[sflag:s0] =	ssyncset.done @!p0 $0x0  }
0x18d: {  	[sflag:s0] =	ssyncadd.s32 @!p0 s1  }
0x18e: {  	[bflag:$0x3] =	sbarrier.arrive $0xFFFF  }
0x18f: {  	_ =	shalt  }

</sc_bundles>
